<compile_context>
chip_gen: v7x
topology: tpu7x:2x2x1
jax: 0.10.2.dev20260603
libtpu: 0.0.44.dev20260713+nightly
codegen_flags: <defaults>
</compile_context>

<pallas_src>
import functools

import jax
import jax.numpy as jnp
from jax import lax
from jax.experimental import pallas as pl
from jax.experimental.pallas import tpu as pltpu
from jax.experimental.pallas import tpu_sc as plsc

_K = 16
_LANES = 16
_NC = 2
_NS = 16
_PAD = 256
_UNROLL = 2


def _sc_scatter_body(L, p_hbm, out_hbm, p_v, wm_v, hc_v):
    n_chunks = L // (_NC * _NS * _LANES)
    cid = lax.axis_index("c")
    sid = lax.axis_index("s")
    wid = cid * _NS + sid

    pltpu.sync_copy(p_hbm, p_v)

    iota_i = jax.lax.iota(jnp.int32, _LANES)
    iota_f = iota_i.astype(jnp.float32)
    zf = jnp.zeros((_LANES,), jnp.float32)
    dvec = p_v[2 * _K]

    Lp = L + _PAD

    def zbody(i, _):
        off = i * (4 * _LANES)
        for u in range(4):
            wm_v[pl.ds(off + u * _LANES, _LANES)] = zf
            hc_v[pl.ds(off + u * _LANES, _LANES)] = zf
        return 0

    lax.fori_loop(0, Lp // (4 * _LANES), zbody, 0, unroll=False)

    l_base = (wid * (L // (_NC * _NS))).astype(jnp.float32)
    fmax = float(L - 1)

    blo_w = blo_h = bhi_w = bhi_h = zf

    def chunk(lvec, c_lo, c_hi, wk, rwk):
        centers = lvec + dvec
        p = centers + wk
        p_cl = jnp.minimum(jnp.maximum(p, 0.0), fmax)
        pf_i = p_cl.astype(jnp.int32)
        frac = p_cl - pf_i.astype(jnp.float32)
        omf = 1.0 - frac
        m_lo = p <= 0.0
        m_hi = p >= fmax
        m_in = jnp.logical_not(jnp.logical_or(m_lo, m_hi))
        pc_i = pf_i + 1
        plsc.addupdate_scatter(wm_v, [pf_i], omf * rwk, mask=m_in)
        plsc.addupdate_scatter(wm_v, [pc_i], frac * rwk, mask=m_in)
        plsc.addupdate_scatter(hc_v, [pf_i], omf, mask=m_in)
        plsc.addupdate_scatter(hc_v, [pc_i], frac, mask=m_in)
        c_lo = c_lo + jnp.where(m_lo, 1.0, 0.0)
        c_hi = c_hi + jnp.where(m_hi, 1.0, 0.0)
        return c_lo, c_hi

    _GRP = 4
    for k in range(0, _K, _GRP):
        wks = [p_v[k + g] for g in range(_GRP)]
        rwks = [p_v[_K + k + g] for g in range(_GRP)]

        def body(j, c, wks=wks, rwks=rwks):
            lvec = c[0]
            cs = list(c[1:])
            for _ in range(_UNROLL):
                for g in range(_GRP):
                    cs[2 * g], cs[2 * g + 1] = chunk(
                        lvec, cs[2 * g], cs[2 * g + 1], wks[g], rwks[g])
                lvec = lvec + float(_LANES)
            return (lvec, *cs)

        out_c = lax.fori_loop(0, n_chunks // _UNROLL, body,
                              ((l_base + iota_f),) + tuple([zf] * (2 * _GRP)))
        for g in range(_GRP):
            c_lo, c_hi = out_c[1 + 2 * g], out_c[2 + 2 * g]
            blo_w = blo_w + c_lo * rwks[g]
            blo_h = blo_h + c_lo
            bhi_w = bhi_w + c_hi * rwks[g]
            bhi_h = bhi_h + c_hi

    col_lo = iota_i + L
    col_hi = iota_i + (L + 128)
    plsc.addupdate_scatter(wm_v, [col_lo], blo_w)
    plsc.addupdate_scatter(hc_v, [col_lo], blo_h)
    plsc.addupdate_scatter(wm_v, [col_hi], bhi_w)
    plsc.addupdate_scatter(hc_v, [col_hi], bhi_h)

    pltpu.sync_copy(wm_v, out_hbm.at[wid, 0])
    pltpu.sync_copy(hc_v, out_hbm.at[wid, 1])


def _sc_scatter(L, params):
    Lp = L + _PAD
    mesh = plsc.VectorSubcoreMesh(core_axis_name="c", subcore_axis_name="s")
    fn = functools.partial(
        pl.kernel,
        out_type=jax.ShapeDtypeStruct((_NC * _NS, 2, Lp), jnp.float32),
        mesh=mesh,
        compiler_params=pltpu.CompilerParams(needs_layout_passes=False),
        scratch_types=[
            pltpu.VMEM((2 * _K + 2, _LANES), jnp.float32),
            pltpu.VMEM((Lp,), jnp.float32),
            pltpu.VMEM((Lp,), jnp.float32),
        ],
    )(functools.partial(_sc_scatter_body, L))
    return fn(params)


def _mk_params(base_deformation, base_stride, base_beta_fwd, base_beta_bwd,
               base_strength, base_alpha_fwd, base_alpha_bwd, sample_bias):
    K = _K
    R = 2 * K + 2
    d = jnp.clip(base_deformation, -32.0, 32.0)
    stride = jax.nn.softplus(base_stride)
    beta_fwd = jax.nn.softplus(base_beta_fwd)
    beta_bwd = jax.nn.softplus(base_beta_bwd)
    strength = jax.nn.softplus(base_strength)
    alpha_fwd = jax.nn.softplus(base_alpha_fwd)
    alpha_bwd = jax.nn.softplus(base_alpha_bwd)
    r = lax.broadcasted_iota(jnp.int32, (R, _LANES), 0)
    kk = jnp.where(r < K, r, r - K).astype(jnp.float32) - (K // 2)
    k_abs = jnp.abs(kk)
    fwd = kk >= 0
    w_val = jnp.where(fwd, (k_abs ** beta_fwd) * stride,
                      -((k_abs ** beta_bwd) * stride))
    envelope = jnp.where(fwd, strength / (1.0 + k_abs) ** alpha_fwd,
                         strength / (1.0 + k_abs) ** alpha_bwd)
    bias_r = lax.broadcast_in_dim(
        jnp.concatenate([sample_bias, sample_bias, jnp.zeros(2, jnp.float32)]),
        (R, _LANES), (0,))
    rw_val = envelope * (1.0 + jnp.tanh(bias_r))
    out = jnp.where(r < K, w_val, jnp.where(r < 2 * K, rw_val, d))
    return out


def _tc_norm_mul_body(L, parts_ref, x_ref, o_ref, norm_ref):
    @pl.when(pl.program_id(0) == 0)
    def _():
        s = jnp.sum(parts_ref[...], axis=0)
        pw = s[0:1, :]
        ph = s[1:2, :]
        b0w = jnp.sum(pw[:, L:L + 16])
        b0h = jnp.sum(ph[:, L:L + 16])
        bLw = jnp.sum(pw[:, L + 128:L + 144])
        bLh = jnp.sum(ph[:, L + 128:L + 144])
        col = lax.broadcasted_iota(jnp.int32, (1, L), 1)
        wm = pw[:, :L] + jnp.where(col == 0, b0w, 0.0) + jnp.where(col == L - 1, bLw, 0.0)
        hc = ph[:, :L] + jnp.where(col == 0, b0h, 0.0) + jnp.where(col == L - 1, bLh, 0.0)
        avg = wm / jnp.maximum(hc, 1e-6)
        norm_ref[...] = avg / jnp.maximum(jnp.sum(avg, axis=1, keepdims=True), 1e-6)

    o_ref[...] = x_ref[...] * norm_ref[...]


def _tc_norm_mul(x, parts):
    B, L = x.shape
    Lp = L + _PAD
    rows = 32
    grid = (B // rows,)
    return pl.pallas_call(
        functools.partial(_tc_norm_mul_body, L),
        grid=grid,
        in_specs=[
            pl.BlockSpec((_NC * _NS, 2, Lp), lambda i: (0, 0, 0)),
            pl.BlockSpec((rows, L), lambda i: (i, 0)),
        ],
        out_specs=pl.BlockSpec((rows, L), lambda i: (i, 0)),
        out_shape=jax.ShapeDtypeStruct((B, L), x.dtype),
        scratch_shapes=[pltpu.VMEM((1, L), jnp.float32)],
    )(parts, x)


def kernel(x, base_deformation, base_stride, base_beta_fwd, base_beta_bwd,
           base_strength, base_alpha_fwd, base_alpha_bwd, sample_bias):
    B, L = x.shape
    params = _mk_params(base_deformation, base_stride, base_beta_fwd,
                        base_beta_bwd, base_strength, base_alpha_fwd,
                        base_alpha_bwd, sample_bias)
    parts = _sc_scatter(L, params)
    return _tc_norm_mul(x, parts)

# --- scband reference (transcript-rebuilt; emitter-appended) ---
"""Pipeline reference for scband-scatter-attention1d-23304492548279 (READ-ONLY COPY).

The authoritative reference and input builder live on the scoring server;
editing this copy changes nothing except your own understanding.
"""

import jax, jax.numpy as jnp
import numpy as np

NUM_SAMPLES = 16
MAX_OFFSET = 32.0


def setup_inputs(seed: int = 0) -> dict:
    key = jax.random.key(seed)
    kx, = jax.random.split(key, 1)
    x = jax.random.normal(kx, (128, 8192), dtype=jnp.float32)
    return {
        "x": x,
        "base_deformation": jnp.array(0.0, dtype=jnp.float32),
        "base_stride": jnp.array(1.0, dtype=jnp.float32),
        "base_beta_fwd": jnp.array(1.0, dtype=jnp.float32),
        "base_beta_bwd": jnp.array(1.0, dtype=jnp.float32),
        "base_strength": jnp.array(1.0, dtype=jnp.float32),
        "base_alpha_fwd": jnp.array(1.0, dtype=jnp.float32),
        "base_alpha_bwd": jnp.array(1.0, dtype=jnp.float32),
        "sample_bias": jnp.zeros((NUM_SAMPLES,), dtype=jnp.float32),
    }


def _forward(x, base_deformation, base_stride, base_beta_fwd, base_beta_bwd,
             base_strength, base_alpha_fwd, base_alpha_bwd, sample_bias):
    B, L = x.shape
    K = NUM_SAMPLES
    deformation = jnp.clip(base_deformation, -MAX_OFFSET, MAX_OFFSET)
    stride = jax.nn.softplus(base_stride)
    beta_fwd = jax.nn.softplus(base_beta_fwd)
    beta_bwd = jax.nn.softplus(base_beta_bwd)
    strength = jax.nn.softplus(base_strength)
    alpha_fwd = jax.nn.softplus(base_alpha_fwd)
    alpha_bwd = jax.nn.softplus(base_alpha_bwd)

    k = jnp.arange(K, dtype=jnp.float32) - (K // 2)
    k_abs = jnp.abs(k)
    warped_fwd = (k_abs ** beta_fwd) * stride
    warped_bwd = (k_abs ** beta_bwd) * stride
    warped = jnp.where(k >= 0, warped_fwd, -warped_bwd)

    l_indices = jnp.arange(L, dtype=jnp.float32)
    centers = l_indices + deformation
    positions = centers[:, None] + warped[None, :]
    positions = jnp.clip(positions, 0.0, float(L - 1))
    positions = jnp.broadcast_to(positions[None, :, :], (B, L, K))

    envelope_fwd = strength / (1.0 + k_abs) ** alpha_fwd
    envelope_bwd = strength / (1.0 + k_abs) ** alpha_bwd
    envelope = jnp.where(k >= 0, envelope_fwd, envelope_bwd)
    raw_weights = envelope * (1.0 + jnp.tanh(sample_bias))
    raw_weights = jnp.broadcast_to(raw_weights[None, None, :], (B, L, K))

    # _splat: bilinear scatter-add into a flat (B*L,) map
    pos_floor = jnp.clip(jnp.floor(positions).astype(jnp.int32), 0, L - 1)
    pos_ceil = jnp.clip(pos_floor + 1, 0, L - 1)
    frac = positions - pos_floor.astype(jnp.float32)
    w_floor = (1.0 - frac) * raw_weights
    w_ceil = frac * raw_weights
    h_floor = 1.0 - frac
    h_ceil = frac
    batch_idx = jnp.broadcast_to(jnp.arange(B, dtype=jnp.int32)[:, None, None], (B, L, K))
    idx_floor = (batch_idx * L + pos_floor).reshape(-1)
    idx_ceil = (batch_idx * L + pos_ceil).reshape(-1)
    weight_map = jnp.zeros((B * L,), dtype=x.dtype)
    weight_map = weight_map.at[idx_floor].add(w_floor.reshape(-1))
    weight_map = weight_map.at[idx_ceil].add(w_ceil.reshape(-1))
    hit_count = jnp.zeros((B * L,), dtype=x.dtype)
    hit_count = hit_count.at[idx_floor].add(h_floor.reshape(-1))
    hit_count = hit_count.at[idx_ceil].add(h_ceil.reshape(-1))
    weight_map = weight_map.reshape(B, L)
    hit_count = hit_count.reshape(B, L)

    avg_weights = weight_map / jnp.maximum(hit_count, 1e-06)
    norm_weights = avg_weights / jnp.maximum(
        jnp.sum(avg_weights, axis=-1, keepdims=True), 1e-06)
    return x * norm_weights


def reference(x, base_deformation, base_stride, base_beta_fwd, base_beta_bwd,
              base_strength, base_alpha_fwd, base_alpha_bwd, sample_bias):
    return _forward(x, base_deformation, base_stride, base_beta_fwd,
                    base_beta_bwd, base_strength, base_alpha_fwd,
                    base_alpha_bwd, sample_bias)

if __name__ == "__main__":
    import jax
    _d = setup_inputs()
    print(jax.jit(kernel)(*tuple(_d.values())))

</pallas_src>

<mosaic_0001>
#map = affine_map<(d0, d1) -> (0, 0)>
#map1 = affine_map<(d0, d1) -> (0, 0, 0)>
module attributes {stable_mosaic.version = 14 : i64} {
  func.func @_sc_scatter_body(%arg0: i32, %arg1: i32, %arg2: memref<34x16xf32, #tpu.memory_space<hbm>>, %arg3: memref<32x2x8448xf32, #tpu.memory_space<hbm>>, %arg4: memref<34x16xf32, #tpu.memory_space<vmem>>, %arg5: memref<8448xf32, #tpu.memory_space<vmem>>, %arg6: memref<8448xf32, #tpu.memory_space<vmem>>) attributes {dimension_semantics = [#tpu.dimension_semantics<core_parallel>, #tpu.dimension_semantics<subcore_parallel>], iteration_bounds = array<i64: 2, 16>, scalar_prefetch = 0 : i64, scratch_operands = 3 : i64, tpu.core_type = #tpu.core_type<sc_vector_subcore>, window_params = [{transform_indices = #map}, {transform_indices = #map1}]} {
    %mul3A = arith.constant 16 : i32
    %mul3A_0 = arith.muli %arg0, %mul3A : i32
    %add3A = arith.addi %mul3A_0, %arg1 : i32
    "tpu.region"() ({
      %run_scoped3A_277 = tpu.sem_alloc : memref<!tpu.dma_semaphore, #tpu.memory_space<semaphore_mem>>
      tpu.enqueue_dma source(%arg2 : memref<34x16xf32, #tpu.memory_space<hbm>>) target(%arg4 : memref<34x16xf32, #tpu.memory_space<vmem>>) target_semaphore(%run_scoped3A_277 : memref<!tpu.dma_semaphore, #tpu.memory_space<semaphore_mem>>)
      tpu.wait_dma2 semaphore(%run_scoped3A_277 : memref<!tpu.dma_semaphore, #tpu.memory_space<semaphore_mem>>) src(%arg2 : memref<34x16xf32, #tpu.memory_space<hbm>>) dst(%arg4 : memref<34x16xf32, #tpu.memory_space<vmem>>)
      tpu.yield
    }) : () -> ()
    %iota3A = tpu.iota {dimensions = array<i32: 0>} : vector<16xi32>
    %convert_element_type3A = arith.sitofp %iota3A : vector<16xi32> to vector<16xf32>
    %broadcast_in_dim3A = arith.constant 0.000000e+00 : f32
    %broadcast_in_dim3A_1 = vector.broadcast %broadcast_in_dim3A : f32 to vector<16xf32>
    %get3A = arith.constant 32 : i32
    %get3A_2 = arith.index_cast %get3A : i32 to index
    %get3A_3 = arith.constant 0 : index
    %get3A_4 = tpu.vector_load %arg4[%get3A_2, %get3A_3] {strides = array<i32>} : memref<34x16xf32, #tpu.memory_space<vmem>>, vector<16xf32>,
    %scan3A = arith.constant 0 : i32
    %scan3A_5 = arith.constant 0 : i32
    %scan3A_6 = arith.constant 132 : i32
    %scan3A_7 = arith.addi %scan3A_5, %scan3A_6 : i32
    %scan3A_8 = arith.constant 1 : i32
    %scan3A_9 = scf.for %scan3A_277 = %scan3A_5 to %scan3A_7 step %scan3A_8 iter_args(%scan3A_278 = %scan3A) -> (i32)  : i32 {
      %mul3A_279 = arith.constant 64 : i32
      %mul3A_280 = arith.muli %scan3A_277, %mul3A_279 : i32
      %add3A_281 = arith.constant 0 : i32
      %add3A_282 = arith.addi %mul3A_280, %add3A_281 : i32
      %swap3A = arith.index_cast %add3A_282 : i32 to index
      %swap3A_283 = tpu.vector_load %arg5[%swap3A] {strides = array<i32>} : memref<8448xf32, #tpu.memory_space<vmem>>, vector<16xf32>,
      tpu.vector_store %arg5[%swap3A], %broadcast_in_dim3A_1 {strides = array<i32>} : memref<8448xf32, #tpu.memory_space<vmem>>, vector<16xf32>,
      %add3A_284 = arith.constant 0 : i32
      %add3A_285 = arith.addi %mul3A_280, %add3A_284 : i32
      %swap3A_286 = arith.index_cast %add3A_285 : i32 to index
      %swap3A_287 = tpu.vector_load %arg6[%swap3A_286] {strides = array<i32>} : memref<8448xf32, #tpu.memory_space<vmem>>, vector<16xf32>,
      tpu.vector_store %arg6[%swap3A_286], %broadcast_in_dim3A_1 {strides = array<i32>} : memref<8448xf32, #tpu.memory_space<vmem>>, vector<16xf32>,
      %add3A_288 = arith.constant 16 : i32
      %add3A_289 = arith.addi %mul3A_280, %add3A_288 : i32
      %swap3A_290 = arith.index_cast %add3A_289 : i32 to index
      %swap3A_291 = tpu.vector_load %arg5[%swap3A_290] {strides = array<i32>} : memref<8448xf32, #tpu.memory_space<vmem>>, vector<16xf32>,
      tpu.vector_store %arg5[%swap3A_290], %broadcast_in_dim3A_1 {strides = array<i32>} : memref<8448xf32, #tpu.memory_space<vmem>>, vector<16xf32>,
      %add3A_292 = arith.constant 16 : i32
      %add3A_293 = arith.addi %mul3A_280, %add3A_292 : i32
      %swap3A_294 = arith.index_cast %add3A_293 : i32 to index
      %swap3A_295 = tpu.vector_load %arg6[%swap3A_294] {strides = array<i32>} : memref<8448xf32, #tpu.memory_space<vmem>>, vector<16xf32>,
      tpu.vector_store %arg6[%swap3A_294], %broadcast_in_dim3A_1 {strides = array<i32>} : memref<8448xf32, #tpu.memory_space<vmem>>, vector<16xf32>,
      %add3A_296 = arith.constant 32 : i32
      %add3A_297 = arith.addi %mul3A_280, %add3A_296 : i32
      %swap3A_298 = arith.index_cast %add3A_297 : i32 to index
      %swap3A_299 = tpu.vector_load %arg5[%swap3A_298] {strides = array<i32>} : memref<8448xf32, #tpu.memory_space<vmem>>, vector<16xf32>,
      tpu.vector_store %arg5[%swap3A_298], %broadcast_in_dim3A_1 {strides = array<i32>} : memref<8448xf32, #tpu.memory_space<vmem>>, vector<16xf32>,
      %add3A_300 = arith.constant 32 : i32
      %add3A_301 = arith.addi %mul3A_280, %add3A_300 : i32
      %swap3A_302 = arith.index_cast %add3A_301 : i32 to index
      %swap3A_303 = tpu.vector_load %arg6[%swap3A_302] {strides = array<i32>} : memref<8448xf32, #tpu.memory_space<vmem>>, vector<16xf32>,
      tpu.vector_store %arg6[%swap3A_302], %broadcast_in_dim3A_1 {strides = array<i32>} : memref<8448xf32, #tpu.memory_space<vmem>>, vector<16xf32>,
      %add3A_304 = arith.constant 48 : i32
      %add3A_305 = arith.addi %mul3A_280, %add3A_304 : i32
      %swap3A_306 = arith.index_cast %add3A_305 : i32 to index
      %swap3A_307 = tpu.vector_load %arg5[%swap3A_306] {strides = array<i32>} : memref<8448xf32, #tpu.memory_space<vmem>>, vector<16xf32>,
      tpu.vector_store %arg5[%swap3A_306], %broadcast_in_dim3A_1 {strides = array<i32>} : memref<8448xf32, #tpu.memory_space<vmem>>, vector<16xf32>,
      %add3A_308 = arith.constant 48 : i32
      %add3A_309 = arith.addi %mul3A_280, %add3A_308 : i32
      %swap3A_310 = arith.index_cast %add3A_309 : i32 to index
      %swap3A_311 = tpu.vector_load %arg6[%swap3A_310] {strides = array<i32>} : memref<8448xf32, #tpu.memory_space<vmem>>, vector<16xf32>,
      tpu.vector_store %arg6[%swap3A_310], %broadcast_in_dim3A_1 {strides = array<i32>} : memref<8448xf32, #tpu.memory_space<vmem>>, vector<16xf32>,
      %scan3A_312 = arith.constant 0 : i32
      scf.yield %scan3A_312 : i32
    }
    %scan3A_10 = arith.constant 132 : i32
    %mul3A_11 = arith.constant 256 : i32
    %mul3A_12 = arith.muli %add3A, %mul3A_11 : i32
    %convert_element_type3A_13 = arith.sitofp %mul3A_12 : i32 to f32
    %get3A_14 = arith.constant 0 : i32
    %get3A_15 = arith.index_cast %get3A_14 : i32 to index
    %get3A_16 = arith.constant 0 : index
    %get3A_17 = tpu.vector_load %arg4[%get3A_15, %get3A_16] {strides = array<i32>} : memref<34x16xf32, #tpu.memory_space<vmem>>, vector<16xf32>,
    %get3A_18 = arith.constant 1 : i32
    %get3A_19 = arith.index_cast %get3A_18 : i32 to index
    %get3A_20 = arith.constant 0 : index
    %get3A_21 = tpu.vector_load %arg4[%get3A_19, %get3A_20] {strides = array<i32>} : memref<34x16xf32, #tpu.memory_space<vmem>>, vector<16xf32>,
    %get3A_22 = arith.constant 2 : i32
    %get3A_23 = arith.index_cast %get3A_22 : i32 to index
    %get3A_24 = arith.constant 0 : index
    %get3A_25 = tpu.vector_load %arg4[%get3A_23, %get3A_24] {strides = array<i32>} : memref<34x16xf32, #tpu.memory_space<vmem>>, vector<16xf32>,
    %get3A_26 = arith.constant 3 : i32
    %get3A_27 = arith.index_cast %get3A_26 : i32 to index
    %get3A_28 = arith.constant 0 : index
    %get3A_29 = tpu.vector_load %arg4[%get3A_27, %get3A_28] {strides = array<i32>} : memref<34x16xf32, #tpu.memory_space<vmem>>, vector<16xf32>,
    %get3A_30 = arith.constant 16 : i32
    %get3A_31 = arith.index_cast %get3A_30 : i32 to index
    %get3A_32 = arith.constant 0 : index
    %get3A_33 = tpu.vector_load %arg4[%get3A_31, %get3A_32] {strides = array<i32>} : memref<34x16xf32, #tpu.memory_space<vmem>>, vector<16xf32>,
    %get3A_34 = arith.constant 17 : i32
    %get3A_35 = arith.index_cast %get3A_34 : i32 to index
    %get3A_36 = arith.constant 0 : index
    %get3A_37 = tpu.vector_load %arg4[%get3A_35, %get3A_36] {strides = array<i32>} : memref<34x16xf32, #tpu.memory_space<vmem>>, vector<16xf32>,
    %get3A_38 = arith.constant 18 : i32
    %get3A_39 = arith.index_cast %get3A_38 : i32 to index
    %get3A_40 = arith.constant 0 : index
    %get3A_41 = tpu.vector_load %arg4[%get3A_39, %get3A_40] {strides = array<i32>} : memref<34x16xf32, #tpu.memory_space<vmem>>, vector<16xf32>,
    %get3A_42 = arith.constant 19 : i32
    %get3A_43 = arith.index_cast %get3A_42 : i32 to index
    %get3A_44 = arith.constant 0 : index
    %get3A_45 = tpu.vector_load %arg4[%get3A_43, %get3A_44] {strides = array<i32>} : memref<34x16xf32, #tpu.memory_space<vmem>>, vector<16xf32>,
    %add3A_46 = vector.broadcast %convert_element_type3A_13 : f32 to vector<16xf32>
    %add3A_47 = arith.addf %add3A_46, %convert_element_type3A : vector<16xf32>
    %scan3A_48 = arith.constant 0 : i32
    %scan3A_49 = arith.constant 8 : i32
    %scan3A_50 = arith.addi %scan3A_48, %scan3A_49 : i32
    %scan3A_51 = arith.constant 1 : i32
    %scan3A_52:9 = scf.for %scan3A_277 = %scan3A_48 to %scan3A_50 step %scan3A_51 iter_args(%scan3A_278 = %add3A_47, %scan3A_279 = %broadcast_in_dim3A_1, %scan3A_280 = %broadcast_in_dim3A_1, %scan3A_281 = %broadcast_in_dim3A_1, %scan3A_282 = %broadcast_in_dim3A_1, %scan3A_283 = %broadcast_in_dim3A_1, %scan3A_284 = %broadcast_in_dim3A_1, %scan3A_285 = %broadcast_in_dim3A_1, %scan3A_286 = %broadcast_in_dim3A_1) -> (vector<16xf32>, vector<16xf32>, vector<16xf32>, vector<16xf32>, vector<16xf32>, vector<16xf32>, vector<16xf32>, vector<16xf32>, vector<16xf32>)  : i32 {
      %add3A_287 = arith.addf %scan3A_278, %get3A_4 : vector<16xf32>
      %add3A_288 = arith.addf %add3A_287, %get3A_17 : vector<16xf32>
      %max3A = arith.constant 0.000000e+00 : f32
      %max3A_289 = vector.broadcast %max3A : f32 to vector<16xf32>
      %max3A_290 = arith.maximumf %add3A_288, %max3A_289 : vector<16xf32>
      %min3A = arith.constant 8.191000e+03 : f32
      %min3A_291 = vector.broadcast %min3A : f32 to vector<16xf32>
      %min3A_292 = arith.minimumf %max3A_290, %min3A_291 : vector<16xf32>
      %convert_element_type3A_293 = arith.fptosi %min3A_292 : vector<16xf32> to vector<16xi32>
      %convert_element_type3A_294 = arith.sitofp %convert_element_type3A_293 : vector<16xi32> to vector<16xf32>
      %sub3A = arith.subf %min3A_292, %convert_element_type3A_294 : vector<16xf32>
      %sub3A_295 = arith.constant 1.000000e+00 : f32
      %sub3A_296 = vector.broadcast %sub3A_295 : f32 to vector<16xf32>
      %sub3A_297 = arith.subf %sub3A_296, %sub3A : vector<16xf32>
      %le3A = arith.constant 0.000000e+00 : f32
      %le3A_298 = vector.broadcast %le3A : f32 to vector<16xf32>
      %le3A_299 = arith.cmpf ole, %add3A_288, %le3A_298 : vector<16xf32>
      %ge3A = arith.constant 8.191000e+03 : f32
      %ge3A_300 = vector.broadcast %ge3A : f32 to vector<16xf32>
      %ge3A_301 = arith.cmpf oge, %add3A_288, %ge3A_300 : vector<16xf32>
      %or3A = arith.ori %le3A_299, %ge3A_301 : vector<16xi1>
      %not3A = arith.constant dense<true> : vector<16xi1>
      %not3A_302 = arith.xori %or3A, %not3A : vector<16xi1>
      %add3A_303 = arith.constant 1 : i32
      %add3A_304 = vector.broadcast %add3A_303 : i32 to vector<16xi32>
      %add3A_305 = arith.addi %convert_element_type3A_293, %add3A_304 : vector<16xi32>
      %mul3A_306 = arith.mulf %sub3A_297, %get3A_33 : vector<16xf32>
      tpu.vector_store_idx %arg5[%convert_element_type3A_293], %mul3A_306 masked %not3A_302 {add = true} : memref<8448xf32, #tpu.memory_space<vmem>>[vector<16xi32>], vector<16xf32>, vector<16xi1>
      %mul3A_307 = arith.mulf %sub3A, %get3A_33 : vector<16xf32>
      tpu.vector_store_idx %arg5[%add3A_305], %mul3A_307 masked %not3A_302 {add = true} : memref<8448xf32, #tpu.memory_space<vmem>>[vector<16xi32>], vector<16xf32>, vector<16xi1>
      tpu.vector_store_idx %arg6[%convert_element_type3A_293], %sub3A_297 masked %not3A_302 {add = true} : memref<8448xf32, #tpu.memory_space<vmem>>[vector<16xi32>], vector<16xf32>, vector<16xi1>
      tpu.vector_store_idx %arg6[%add3A_305], %sub3A masked %not3A_302 {add = true} : memref<8448xf32, #tpu.memory_space<vmem>>[vector<16xi32>], vector<16xf32>, vector<16xi1>
      %jit3A = arith.constant 1.000000e+00 : f32
      %jit3A_308 = arith.constant 0.000000e+00 : f32
      %broadcast_in_dim3A_309 = vector.broadcast %jit3A : f32 to vector<16xf32>
      %broadcast_in_dim3A_310 = vector.broadcast %jit3A_308 : f32 to vector<16xf32>
      %select_n3A = arith.select %le3A_299, %broadcast_in_dim3A_309, %broadcast_in_dim3A_310 : vector<16xi1>, vector<16xf32>
      %add3A_311 = arith.addf %scan3A_279, %select_n3A : vector<16xf32>
      %jit3A_312 = arith.constant 1.000000e+00 : f32
      %jit3A_313 = arith.constant 0.000000e+00 : f32
      %broadcast_in_dim3A_314 = vector.broadcast %jit3A_312 : f32 to vector<16xf32>
      %broadcast_in_dim3A_315 = vector.broadcast %jit3A_313 : f32 to vector<16xf32>
      %select_n3A_316 = arith.select %ge3A_301, %broadcast_in_dim3A_314, %broadcast_in_dim3A_315 : vector<16xi1>, vector<16xf32>
      %add3A_317 = arith.addf %scan3A_280, %select_n3A_316 : vector<16xf32>
      %add3A_318 = arith.addf %scan3A_278, %get3A_4 : vector<16xf32>
      %add3A_319 = arith.addf %add3A_318, %get3A_21 : vector<16xf32>
      %max3A_320 = arith.constant 0.000000e+00 : f32
      %max3A_321 = vector.broadcast %max3A_320 : f32 to vector<16xf32>
      %max3A_322 = arith.maximumf %add3A_319, %max3A_321 : vector<16xf32>
      %min3A_323 = arith.constant 8.191000e+03 : f32
      %min3A_324 = vector.broadcast %min3A_323 : f32 to vector<16xf32>
      %min3A_325 = arith.minimumf %max3A_322, %min3A_324 : vector<16xf32>
      %convert_element_type3A_326 = arith.fptosi %min3A_325 : vector<16xf32> to vector<16xi32>
      %convert_element_type3A_327 = arith.sitofp %convert_element_type3A_326 : vector<16xi32> to vector<16xf32>
      %sub3A_328 = arith.subf %min3A_325, %convert_element_type3A_327 : vector<16xf32>
      %sub3A_329 = arith.constant 1.000000e+00 : f32
      %sub3A_330 = vector.broadcast %sub3A_329 : f32 to vector<16xf32>
      %sub3A_331 = arith.subf %sub3A_330, %sub3A_328 : vector<16xf32>
      %le3A_332 = arith.constant 0.000000e+00 : f32
      %le3A_333 = vector.broadcast %le3A_332 : f32 to vector<16xf32>
      %le3A_334 = arith.cmpf ole, %add3A_319, %le3A_333 : vector<16xf32>
      %ge3A_335 = arith.constant 8.191000e+03 : f32
      %ge3A_336 = vector.broadcast %ge3A_335 : f32 to vector<16xf32>
      %ge3A_337 = arith.cmpf oge, %add3A_319, %ge3A_336 : vector<16xf32>
      %or3A_338 = arith.ori %le3A_334, %ge3A_337 : vector<16xi1>
      %not3A_339 = arith.constant dense<true> : vector<16xi1>
      %not3A_340 = arith.xori %or3A_338, %not3A_339 : vector<16xi1>
      %add3A_341 = arith.constant 1 : i32
      %add3A_342 = vector.broadcast %add3A_341 : i32 to vector<16xi32>
      %add3A_343 = arith.addi %convert_element_type3A_326, %add3A_342 : vector<16xi32>
      %mul3A_344 = arith.mulf %sub3A_331, %get3A_37 : vector<16xf32>
      tpu.vector_store_idx %arg5[%convert_element_type3A_326], %mul3A_344 masked %not3A_340 {add = true} : memref<8448xf32, #tpu.memory_space<vmem>>[vector<16xi32>], vector<16xf32>, vector<16xi1>
      %mul3A_345 = arith.mulf %sub3A_328, %get3A_37 : vector<16xf32>
      tpu.vector_store_idx %arg5[%add3A_343], %mul3A_345 masked %not3A_340 {add = true} : memref<8448xf32, #tpu.memory_space<vmem>>[vector<16xi32>], vector<16xf32>, vector<16xi1>
      tpu.vector_store_idx %arg6[%convert_element_type3A_326], %sub3A_331 masked %not3A_340 {add = true} : memref<8448xf32, #tpu.memory_space<vmem>>[vector<16xi32>], vector<16xf32>, vector<16xi1>
      tpu.vector_store_idx %arg6[%add3A_343], %sub3A_328 masked %not3A_340 {add = true} : memref<8448xf32, #tpu.memory_space<vmem>>[vector<16xi32>], vector<16xf32>, vector<16xi1>
      %jit3A_346 = arith.constant 1.000000e+00 : f32
      %jit3A_347 = arith.constant 0.000000e+00 : f32
      %broadcast_in_dim3A_348 = vector.broadcast %jit3A_346 : f32 to vector<16xf32>
      %broadcast_in_dim3A_349 = vector.broadcast %jit3A_347 : f32 to vector<16xf32>
      %select_n3A_350 = arith.select %le3A_334, %broadcast_in_dim3A_348, %broadcast_in_dim3A_349 : vector<16xi1>, vector<16xf32>
      %add3A_351 = arith.addf %scan3A_281, %select_n3A_350 : vector<16xf32>
      %jit3A_352 = arith.constant 1.000000e+00 : f32
      %jit3A_353 = arith.constant 0.000000e+00 : f32
      %broadcast_in_dim3A_354 = vector.broadcast %jit3A_352 : f32 to vector<16xf32>
      %broadcast_in_dim3A_355 = vector.broadcast %jit3A_353 : f32 to vector<16xf32>
      %select_n3A_356 = arith.select %ge3A_337, %broadcast_in_dim3A_354, %broadcast_in_dim3A_355 : vector<16xi1>, vector<16xf32>
      %add3A_357 = arith.addf %scan3A_282, %select_n3A_356 : vector<16xf32>
      %add3A_358 = arith.addf %scan3A_278, %get3A_4 : vector<16xf32>
      %add3A_359 = arith.addf %add3A_358, %get3A_25 : vector<16xf32>
      %max3A_360 = arith.constant 0.000000e+00 : f32
      %max3A_361 = vector.broadcast %max3A_360 : f32 to vector<16xf32>
      %max3A_362 = arith.maximumf %add3A_359, %max3A_361 : vector<16xf32>
      %min3A_363 = arith.constant 8.191000e+03 : f32
      %min3A_364 = vector.broadcast %min3A_363 : f32 to vector<16xf32>
      %min3A_365 = arith.minimumf %max3A_362, %min3A_364 : vector<16xf32>
      %convert_element_type3A_366 = arith.fptosi %min3A_365 : vector<16xf32> to vector<16xi32>
      %convert_element_type3A_367 = arith.sitofp %convert_element_type3A_366 : vector<16xi32> to vector<16xf32>
      %sub3A_368 = arith.subf %min3A_365, %convert_element_type3A_367 : vector<16xf32>
      %sub3A_369 = arith.constant 1.000000e+00 : f32
      %sub3A_370 = vector.broadcast %sub3A_369 : f32 to vector<16xf32>
      %sub3A_371 = arith.subf %sub3A_370, %sub3A_368 : vector<16xf32>
      %le3A_372 = arith.constant 0.000000e+00 : f32
      %le3A_373 = vector.broadcast %le3A_372 : f32 to vector<16xf32>
      %le3A_374 = arith.cmpf ole, %add3A_359, %le3A_373 : vector<16xf32>
      %ge3A_375 = arith.constant 8.191000e+03 : f32
      %ge3A_376 = vector.broadcast %ge3A_375 : f32 to vector<16xf32>
      %ge3A_377 = arith.cmpf oge, %add3A_359, %ge3A_376 : vector<16xf32>
      %or3A_378 = arith.ori %le3A_374, %ge3A_377 : vector<16xi1>
      %not3A_379 = arith.constant dense<true> : vector<16xi1>
      %not3A_380 = arith.xori %or3A_378, %not3A_379 : vector<16xi1>
      %add3A_381 = arith.constant 1 : i32
      %add3A_382 = vector.broadcast %add3A_381 : i32 to vector<16xi32>
      %add3A_383 = arith.addi %convert_element_type3A_366, %add3A_382 : vector<16xi32>
      %mul3A_384 = arith.mulf %sub3A_371, %get3A_41 : vector<16xf32>
      tpu.vector_store_idx %arg5[%convert_element_type3A_366], %mul3A_384 masked %not3A_380 {add = true} : memref<8448xf32, #tpu.memory_space<vmem>>[vector<16xi32>], vector<16xf32>, vector<16xi1>
      %mul3A_385 = arith.mulf %sub3A_368, %get3A_41 : vector<16xf32>
      tpu.vector_store_idx %arg5[%add3A_383], %mul3A_385 masked %not3A_380 {add = true} : memref<8448xf32, #tpu.memory_space<vmem>>[vector<16xi32>], vector<16xf32>, vector<16xi1>
      tpu.vector_store_idx %arg6[%convert_element_type3A_366], %sub3A_371 masked %not3A_380 {add = true} : memref<8448xf32, #tpu.memory_space<vmem>>[vector<16xi32>], vector<16xf32>, vector<16xi1>
      tpu.vector_store_idx %arg6[%add3A_383], %sub3A_368 masked %not3A_380 {add = true} : memref<8448xf32, #tpu.memory_space<vmem>>[vector<16xi32>], vector<16xf32>, vector<16xi1>
      %jit3A_386 = arith.constant 1.000000e+00 : f32
      %jit3A_387 = arith.constant 0.000000e+00 : f32
      %broadcast_in_dim3A_388 = vector.broadcast %jit3A_386 : f32 to vector<16xf32>
      %broadcast_in_dim3A_389 = vector.broadcast %jit3A_387 : f32 to vector<16xf32>
      %select_n3A_390 = arith.select %le3A_374, %broadcast_in_dim3A_388, %broadcast_in_dim3A_389 : vector<16xi1>, vector<16xf32>
      %add3A_391 = arith.addf %scan3A_283, %select_n3A_390 : vector<16xf32>
      %jit3A_392 = arith.constant 1.000000e+00 : f32
      %jit3A_393 = arith.constant 0.000000e+00 : f32
      %broadcast_in_dim3A_394 = vector.broadcast %jit3A_392 : f32 to vector<16xf32>
      %broadcast_in_dim3A_395 = vector.broadcast %jit3A_393 : f32 to vector<16xf32>
      %select_n3A_396 = arith.select %ge3A_377, %broadcast_in_dim3A_394, %broadcast_in_dim3A_395 : vector<16xi1>, vector<16xf32>
      %add3A_397 = arith.addf %scan3A_284, %select_n3A_396 : vector<16xf32>
      %add3A_398 = arith.addf %scan3A_278, %get3A_4 : vector<16xf32>
      %add3A_399 = arith.addf %add3A_398, %get3A_29 : vector<16xf32>
      %max3A_400 = arith.constant 0.000000e+00 : f32
      %max3A_401 = vector.broadcast %max3A_400 : f32 to vector<16xf32>
      %max3A_402 = arith.maximumf %add3A_399, %max3A_401 : vector<16xf32>
      %min3A_403 = arith.constant 8.191000e+03 : f32
      %min3A_404 = vector.broadcast %min3A_403 : f32 to vector<16xf32>
      %min3A_405 = arith.minimumf %max3A_402, %min3A_404 : vector<16xf32>
      %convert_element_type3A_406 = arith.fptosi %min3A_405 : vector<16xf32> to vector<16xi32>
      %convert_element_type3A_407 = arith.sitofp %convert_element_type3A_406 : vector<16xi32> to vector<16xf32>
      %sub3A_408 = arith.subf %min3A_405, %convert_element_type3A_407 : vector<16xf32>
      %sub3A_409 = arith.constant 1.000000e+00 : f32
      %sub3A_410 = vector.broadcast %sub3A_409 : f32 to vector<16xf32>
      %sub3A_411 = arith.subf %sub3A_410, %sub3A_408 : vector<16xf32>
      %le3A_412 = arith.constant 0.000000e+00 : f32
      %le3A_413 = vector.broadcast %le3A_412 : f32 to vector<16xf32>
      %le3A_414 = arith.cmpf ole, %add3A_399, %le3A_413 : vector<16xf32>
      %ge3A_415 = arith.constant 8.191000e+03 : f32
      %ge3A_416 = vector.broadcast %ge3A_415 : f32 to vector<16xf32>
      %ge3A_417 = arith.cmpf oge, %add3A_399, %ge3A_416 : vector<16xf32>
      %or3A_418 = arith.ori %le3A_414, %ge3A_417 : vector<16xi1>
      %not3A_419 = arith.constant dense<true> : vector<16xi1>
      %not3A_420 = arith.xori %or3A_418, %not3A_419 : vector<16xi1>
      %add3A_421 = arith.constant 1 : i32
      %add3A_422 = vector.broadcast %add3A_421 : i32 to vector<16xi32>
      %add3A_423 = arith.addi %convert_element_type3A_406, %add3A_422 : vector<16xi32>
      %mul3A_424 = arith.mulf %sub3A_411, %get3A_45 : vector<16xf32>
      tpu.vector_store_idx %arg5[%convert_element_type3A_406], %mul3A_424 masked %not3A_420 {add = true} : memref<8448xf32, #tpu.memory_space<vmem>>[vector<16xi32>], vector<16xf32>, vector<16xi1>
      %mul3A_425 = arith.mulf %sub3A_408, %get3A_45 : vector<16xf32>
      tpu.vector_store_idx %arg5[%add3A_423], %mul3A_425 masked %not3A_420 {add = true} : memref<8448xf32, #tpu.memory_space<vmem>>[vector<16xi32>], vector<16xf32>, vector<16xi1>
      tpu.vector_store_idx %arg6[%convert_element_type3A_406], %sub3A_411 masked %not3A_420 {add = true} : memref<8448xf32, #tpu.memory_space<vmem>>[vector<16xi32>], vector<16xf32>, vector<16xi1>
      tpu.vector_store_idx %arg6[%add3A_423], %sub3A_408 masked %not3A_420 {add = true} : memref<8448xf32, #tpu.memory_space<vmem>>[vector<16xi32>], vector<16xf32>, vector<16xi1>
      %jit3A_426 = arith.constant 1.000000e+00 : f32
      %jit3A_427 = arith.constant 0.000000e+00 : f32
      %broadcast_in_dim3A_428 = vector.broadcast %jit3A_426 : f32 to vector<16xf32>
      %broadcast_in_dim3A_429 = vector.broadcast %jit3A_427 : f32 to vector<16xf32>
      %select_n3A_430 = arith.select %le3A_414, %broadcast_in_dim3A_428, %broadcast_in_dim3A_429 : vector<16xi1>, vector<16xf32>
      %add3A_431 = arith.addf %scan3A_285, %select_n3A_430 : vector<16xf32>
      %jit3A_432 = arith.constant 1.000000e+00 : f32
      %jit3A_433 = arith.constant 0.000000e+00 : f32
      %broadcast_in_dim3A_434 = vector.broadcast %jit3A_432 : f32 to vector<16xf32>
      %broadcast_in_dim3A_435 = vector.broadcast %jit3A_433 : f32 to vector<16xf32>
      %select_n3A_436 = arith.select %ge3A_417, %broadcast_in_dim3A_434, %broadcast_in_dim3A_435 : vector<16xi1>, vector<16xf32>
      %add3A_437 = arith.addf %scan3A_286, %select_n3A_436 : vector<16xf32>
      %add3A_438 = arith.constant 1.600000e+01 : f32
      %add3A_439 = vector.broadcast %add3A_438 : f32 to vector<16xf32>
      %add3A_440 = arith.addf %scan3A_278, %add3A_439 : vector<16xf32>
      %add3A_441 = arith.addf %add3A_440, %get3A_4 : vector<16xf32>
      %add3A_442 = arith.addf %add3A_441, %get3A_17 : vector<16xf32>
      %max3A_443 = arith.constant 0.000000e+00 : f32
      %max3A_444 = vector.broadcast %max3A_443 : f32 to vector<16xf32>
      %max3A_445 = arith.maximumf %add3A_442, %max3A_444 : vector<16xf32>
      %min3A_446 = arith.constant 8.191000e+03 : f32
      %min3A_447 = vector.broadcast %min3A_446 : f32 to vector<16xf32>
      %min3A_448 = arith.minimumf %max3A_445, %min3A_447 : vector<16xf32>
      %convert_element_type3A_449 = arith.fptosi %min3A_448 : vector<16xf32> to vector<16xi32>
      %convert_element_type3A_450 = arith.sitofp %convert_element_type3A_449 : vector<16xi32> to vector<16xf32>
      %sub3A_451 = arith.subf %min3A_448, %convert_element_type3A_450 : vector<16xf32>
      %sub3A_452 = arith.constant 1.000000e+00 : f32
      %sub3A_453 = vector.broadcast %sub3A_452 : f32 to vector<16xf32>
      %sub3A_454 = arith.subf %sub3A_453, %sub3A_451 : vector<16xf32>
      %le3A_455 = arith.constant 0.000000e+00 : f32
      %le3A_456 = vector.broadcast %le3A_455 : f32 to vector<16xf32>
      %le3A_457 = arith.cmpf ole, %add3A_442, %le3A_456 : vector<16xf32>
      %ge3A_458 = arith.constant 8.191000e+03 : f32
      %ge3A_459 = vector.broadcast %ge3A_458 : f32 to vector<16xf32>
      %ge3A_460 = arith.cmpf oge, %add3A_442, %ge3A_459 : vector<16xf32>
      %or3A_461 = arith.ori %le3A_457, %ge3A_460 : vector<16xi1>
      %not3A_462 = arith.constant dense<true> : vector<16xi1>
      %not3A_463 = arith.xori %or3A_461, %not3A_462 : vector<16xi1>
      %add3A_464 = arith.constant 1 : i32
      %add3A_465 = vector.broadcast %add3A_464 : i32 to vector<16xi32>
      %add3A_466 = arith.addi %convert_element_type3A_449, %add3A_465 : vector<16xi32>
      %mul3A_467 = arith.mulf %sub3A_454, %get3A_33 : vector<16xf32>
      tpu.vector_store_idx %arg5[%convert_element_type3A_449], %mul3A_467 masked %not3A_463 {add = true} : memref<8448xf32, #tpu.memory_space<vmem>>[vector<16xi32>], vector<16xf32>, vector<16xi1>
      %mul3A_468 = arith.mulf %sub3A_451, %get3A_33 : vector<16xf32>
      tpu.vector_store_idx %arg5[%add3A_466], %mul3A_468 masked %not3A_463 {add = true} : memref<8448xf32, #tpu.memory_space<vmem>>[vector<16xi32>], vector<16xf32>, vector<16xi1>
      tpu.vector_store_idx %arg6[%convert_element_type3A_449], %sub3A_454 masked %not3A_463 {add = true} : memref<8448xf32, #tpu.memory_space<vmem>>[vector<16xi32>], vector<16xf32>, vector<16xi1>
      tpu.vector_store_idx %arg6[%add3A_466], %sub3A_451 masked %not3A_463 {add = true} : memref<8448xf32, #tpu.memory_space<vmem>>[vector<16xi32>], vector<16xf32>, vector<16xi1>
      %jit3A_469 = arith.constant 1.000000e+00 : f32
      %jit3A_470 = arith.constant 0.000000e+00 : f32
      %broadcast_in_dim3A_471 = vector.broadcast %jit3A_469 : f32 to vector<16xf32>
      %broadcast_in_dim3A_472 = vector.broadcast %jit3A_470 : f32 to vector<16xf32>
      %select_n3A_473 = arith.select %le3A_457, %broadcast_in_dim3A_471, %broadcast_in_dim3A_472 : vector<16xi1>, vector<16xf32>
      %add3A_474 = arith.addf %add3A_311, %select_n3A_473 : vector<16xf32>
      %jit3A_475 = arith.constant 1.000000e+00 : f32
      %jit3A_476 = arith.constant 0.000000e+00 : f32
      %broadcast_in_dim3A_477 = vector.broadcast %jit3A_475 : f32 to vector<16xf32>
      %broadcast_in_dim3A_478 = vector.broadcast %jit3A_476 : f32 to vector<16xf32>
      %select_n3A_479 = arith.select %ge3A_460, %broadcast_in_dim3A_477, %broadcast_in_dim3A_478 : vector<16xi1>, vector<16xf32>
      %add3A_480 = arith.addf %add3A_317, %select_n3A_479 : vector<16xf32>
      %add3A_481 = arith.addf %add3A_440, %get3A_4 : vector<16xf32>
      %add3A_482 = arith.addf %add3A_481, %get3A_21 : vector<16xf32>
      %max3A_483 = arith.constant 0.000000e+00 : f32
      %max3A_484 = vector.broadcast %max3A_483 : f32 to vector<16xf32>
      %max3A_485 = arith.maximumf %add3A_482, %max3A_484 : vector<16xf32>
      %min3A_486 = arith.constant 8.191000e+03 : f32
      %min3A_487 = vector.broadcast %min3A_486 : f32 to vector<16xf32>
      %min3A_488 = arith.minimumf %max3A_485, %min3A_487 : vector<16xf32>
      %convert_element_type3A_489 = arith.fptosi %min3A_488 : vector<16xf32> to vector<16xi32>
      %convert_element_type3A_490 = arith.sitofp %convert_element_type3A_489 : vector<16xi32> to vector<16xf32>
      %sub3A_491 = arith.subf %min3A_488, %convert_element_type3A_490 : vector<16xf32>
      %sub3A_492 = arith.constant 1.000000e+00 : f32
      %sub3A_493 = vector.broadcast %sub3A_492 : f32 to vector<16xf32>
      %sub3A_494 = arith.subf %sub3A_493, %sub3A_491 : vector<16xf32>
      %le3A_495 = arith.constant 0.000000e+00 : f32
      %le3A_496 = vector.broadcast %le3A_495 : f32 to vector<16xf32>
      %le3A_497 = arith.cmpf ole, %add3A_482, %le3A_496 : vector<16xf32>
      %ge3A_498 = arith.constant 8.191000e+03 : f32
      %ge3A_499 = vector.broadcast %ge3A_498 : f32 to vector<16xf32>
      %ge3A_500 = arith.cmpf oge, %add3A_482, %ge3A_499 : vector<16xf32>
      %or3A_501 = arith.ori %le3A_497, %ge3A_500 : vector<16xi1>
      %not3A_502 = arith.constant dense<true> : vector<16xi1>
      %not3A_503 = arith.xori %or3A_501, %not3A_502 : vector<16xi1>
      %add3A_504 = arith.constant 1 : i32
      %add3A_505 = vector.broadcast %add3A_504 : i32 to vector<16xi32>
      %add3A_506 = arith.addi %convert_element_type3A_489, %add3A_505 : vector<16xi32>
      %mul3A_507 = arith.mulf %sub3A_494, %get3A_37 : vector<16xf32>
      tpu.vector_store_idx %arg5[%convert_element_type3A_489], %mul3A_507 masked %not3A_503 {add = true} : memref<8448xf32, #tpu.memory_space<vmem>>[vector<16xi32>], vector<16xf32>, vector<16xi1>
      %mul3A_508 = arith.mulf %sub3A_491, %get3A_37 : vector<16xf32>
      tpu.vector_store_idx %arg5[%add3A_506], %mul3A_508 masked %not3A_503 {add = true} : memref<8448xf32, #tpu.memory_space<vmem>>[vector<16xi32>], vector<16xf32>, vector<16xi1>
      tpu.vector_store_idx %arg6[%convert_element_type3A_489], %sub3A_494 masked %not3A_503 {add = true} : memref<8448xf32, #tpu.memory_space<vmem>>[vector<16xi32>], vector<16xf32>, vector<16xi1>
      tpu.vector_store_idx %arg6[%add3A_506], %sub3A_491 masked %not3A_503 {add = true} : memref<8448xf32, #tpu.memory_space<vmem>>[vector<16xi32>], vector<16xf32>, vector<16xi1>
      %jit3A_509 = arith.constant 1.000000e+00 : f32
      %jit3A_510 = arith.constant 0.000000e+00 : f32
      %broadcast_in_dim3A_511 = vector.broadcast %jit3A_509 : f32 to vector<16xf32>
      %broadcast_in_dim3A_512 = vector.broadcast %jit3A_510 : f32 to vector<16xf32>
      %select_n3A_513 = arith.select %le3A_497, %broadcast_in_dim3A_511, %broadcast_in_dim3A_512 : vector<16xi1>, vector<16xf32>
      %add3A_514 = arith.addf %add3A_351, %select_n3A_513 : vector<16xf32>
      %jit3A_515 = arith.constant 1.000000e+00 : f32
      %jit3A_516 = arith.constant 0.000000e+00 : f32
      %broadcast_in_dim3A_517 = vector.broadcast %jit3A_515 : f32 to vector<16xf32>
      %broadcast_in_dim3A_518 = vector.broadcast %jit3A_516 : f32 to vector<16xf32>
      %select_n3A_519 = arith.select %ge3A_500, %broadcast_in_dim3A_517, %broadcast_in_dim3A_518 : vector<16xi1>, vector<16xf32>
      %add3A_520 = arith.addf %add3A_357, %select_n3A_519 : vector<16xf32>
      %add3A_521 = arith.addf %add3A_440, %get3A_4 : vector<16xf32>
      %add3A_522 = arith.addf %add3A_521, %get3A_25 : vector<16xf32>
      %max3A_523 = arith.constant 0.000000e+00 : f32
      %max3A_524 = vector.broadcast %max3A_523 : f32 to vector<16xf32>
      %max3A_525 = arith.maximumf %add3A_522, %max3A_524 : vector<16xf32>
      %min3A_526 = arith.constant 8.191000e+03 : f32
      %min3A_527 = vector.broadcast %min3A_526 : f32 to vector<16xf32>
      %min3A_528 = arith.minimumf %max3A_525, %min3A_527 : vector<16xf32>
      %convert_element_type3A_529 = arith.fptosi %min3A_528 : vector<16xf32> to vector<16xi32>
      %convert_element_type3A_530 = arith.sitofp %convert_element_type3A_529 : vector<16xi32> to vector<16xf32>
      %sub3A_531 = arith.subf %min3A_528, %convert_element_type3A_530 : vector<16xf32>
      %sub3A_532 = arith.constant 1.000000e+00 : f32
      %sub3A_533 = vector.broadcast %sub3A_532 : f32 to vector<16xf32>
      %sub3A_534 = arith.subf %sub3A_533, %sub3A_531 : vector<16xf32>
      %le3A_535 = arith.constant 0.000000e+00 : f32
      %le3A_536 = vector.broadcast %le3A_535 : f32 to vector<16xf32>
      %le3A_537 = arith.cmpf ole, %add3A_522, %le3A_536 : vector<16xf32>
      %ge3A_538 = arith.constant 8.191000e+03 : f32
      %ge3A_539 = vector.broadcast %ge3A_538 : f32 to vector<16xf32>
      %ge3A_540 = arith.cmpf oge, %add3A_522, %ge3A_539 : vector<16xf32>
      %or3A_541 = arith.ori %le3A_537, %ge3A_540 : vector<16xi1>
      %not3A_542 = arith.constant dense<true> : vector<16xi1>
      %not3A_543 = arith.xori %or3A_541, %not3A_542 : vector<16xi1>
      %add3A_544 = arith.constant 1 : i32
      %add3A_545 = vector.broadcast %add3A_544 : i32 to vector<16xi32>
      %add3A_546 = arith.addi %convert_element_type3A_529, %add3A_545 : vector<16xi32>
      %mul3A_547 = arith.mulf %sub3A_534, %get3A_41 : vector<16xf32>
      tpu.vector_store_idx %arg5[%convert_element_type3A_529], %mul3A_547 masked %not3A_543 {add = true} : memref<8448xf32, #tpu.memory_space<vmem>>[vector<16xi32>], vector<16xf32>, vector<16xi1>
      %mul3A_548 = arith.mulf %sub3A_531, %get3A_41 : vector<16xf32>
      tpu.vector_store_idx %arg5[%add3A_546], %mul3A_548 masked %not3A_543 {add = true} : memref<8448xf32, #tpu.memory_space<vmem>>[vector<16xi32>], vector<16xf32>, vector<16xi1>
      tpu.vector_store_idx %arg6[%convert_element_type3A_529], %sub3A_534 masked %not3A_543 {add = true} : memref<8448xf32, #tpu.memory_space<vmem>>[vector<16xi32>], vector<16xf32>, vector<16xi1>
      tpu.vector_store_idx %arg6[%add3A_546], %sub3A_531 masked %not3A_543 {add = true} : memref<8448xf32, #tpu.memory_space<vmem>>[vector<16xi32>], vector<16xf32>, vector<16xi1>
      %jit3A_549 = arith.constant 1.000000e+00 : f32
      %jit3A_550 = arith.constant 0.000000e+00 : f32
      %broadcast_in_dim3A_551 = vector.broadcast %jit3A_549 : f32 to vector<16xf32>
      %broadcast_in_dim3A_552 = vector.broadcast %jit3A_550 : f32 to vector<16xf32>
      %select_n3A_553 = arith.select %le3A_537, %broadcast_in_dim3A_551, %broadcast_in_dim3A_552 : vector<16xi1>, vector<16xf32>
      %add3A_554 = arith.addf %add3A_391, %select_n3A_553 : vector<16xf32>
      %jit3A_555 = arith.constant 1.000000e+00 : f32
      %jit3A_556 = arith.constant 0.000000e+00 : f32
      %broadcast_in_dim3A_557 = vector.broadcast %jit3A_555 : f32 to vector<16xf32>
      %broadcast_in_dim3A_558 = vector.broadcast %jit3A_556 : f32 to vector<16xf32>
      %select_n3A_559 = arith.select %ge3A_540, %broadcast_in_dim3A_557, %broadcast_in_dim3A_558 : vector<16xi1>, vector<16xf32>
      %add3A_560 = arith.addf %add3A_397, %select_n3A_559 : vector<16xf32>
      %add3A_561 = arith.addf %add3A_440, %get3A_4 : vector<16xf32>
      %add3A_562 = arith.addf %add3A_561, %get3A_29 : vector<16xf32>
      %max3A_563 = arith.constant 0.000000e+00 : f32
      %max3A_564 = vector.broadcast %max3A_563 : f32 to vector<16xf32>
      %max3A_565 = arith.maximumf %add3A_562, %max3A_564 : vector<16xf32>
      %min3A_566 = arith.constant 8.191000e+03 : f32
      %min3A_567 = vector.broadcast %min3A_566 : f32 to vector<16xf32>
      %min3A_568 = arith.minimumf %max3A_565, %min3A_567 : vector<16xf32>
      %convert_element_type3A_569 = arith.fptosi %min3A_568 : vector<16xf32> to vector<16xi32>
      %convert_element_type3A_570 = arith.sitofp %convert_element_type3A_569 : vector<16xi32> to vector<16xf32>
      %sub3A_571 = arith.subf %min3A_568, %convert_element_type3A_570 : vector<16xf32>
      %sub3A_572 = arith.constant 1.000000e+00 : f32
      %sub3A_573 = vector.broadcast %sub3A_572 : f32 to vector<16xf32>
      %sub3A_574 = arith.subf %sub3A_573, %sub3A_571 : vector<16xf32>
      %le3A_575 = arith.constant 0.000000e+00 : f32
      %le3A_576 = vector.broadcast %le3A_575 : f32 to vector<16xf32>
      %le3A_577 = arith.cmpf ole, %add3A_562, %le3A_576 : vector<16xf32>
      %ge3A_578 = arith.constant 8.191000e+03 : f32
      %ge3A_579 = vector.broadcast %ge3A_578 : f32 to vector<16xf32>
      %ge3A_580 = arith.cmpf oge, %add3A_562, %ge3A_579 : vector<16xf32>
      %or3A_581 = arith.ori %le3A_577, %ge3A_580 : vector<16xi1>
      %not3A_582 = arith.constant dense<true> : vector<16xi1>
      %not3A_583 = arith.xori %or3A_581, %not3A_582 : vector<16xi1>
      %add3A_584 = arith.constant 1 : i32
      %add3A_585 = vector.broadcast %add3A_584 : i32 to vector<16xi32>
      %add3A_586 = arith.addi %convert_element_type3A_569, %add3A_585 : vector<16xi32>
      %mul3A_587 = arith.mulf %sub3A_574, %get3A_45 : vector<16xf32>
      tpu.vector_store_idx %arg5[%convert_element_type3A_569], %mul3A_587 masked %not3A_583 {add = true} : memref<8448xf32, #tpu.memory_space<vmem>>[vector<16xi32>], vector<16xf32>, vector<16xi1>
      %mul3A_588 = arith.mulf %sub3A_571, %get3A_45 : vector<16xf32>
      tpu.vector_store_idx %arg5[%add3A_586], %mul3A_588 masked %not3A_583 {add = true} : memref<8448xf32, #tpu.memory_space<vmem>>[vector<16xi32>], vector<16xf32>, vector<16xi1>
      tpu.vector_store_idx %arg6[%convert_element_type3A_569], %sub3A_574 masked %not3A_583 {add = true} : memref<8448xf32, #tpu.memory_space<vmem>>[vector<16xi32>], vector<16xf32>, vector<16xi1>
      tpu.vector_store_idx %arg6[%add3A_586], %sub3A_571 masked %not3A_583 {add = true} : memref<8448xf32, #tpu.memory_space<vmem>>[vector<16xi32>], vector<16xf32>, vector<16xi1>
      %jit3A_589 = arith.constant 1.000000e+00 : f32
      %jit3A_590 = arith.constant 0.000000e+00 : f32
      %broadcast_in_dim3A_591 = vector.broadcast %jit3A_589 : f32 to vector<16xf32>
      %broadcast_in_dim3A_592 = vector.broadcast %jit3A_590 : f32 to vector<16xf32>
      %select_n3A_593 = arith.select %le3A_577, %broadcast_in_dim3A_591, %broadcast_in_dim3A_592 : vector<16xi1>, vector<16xf32>
      %add3A_594 = arith.addf %add3A_431, %select_n3A_593 : vector<16xf32>
      %jit3A_595 = arith.constant 1.000000e+00 : f32
      %jit3A_596 = arith.constant 0.000000e+00 : f32
      %broadcast_in_dim3A_597 = vector.broadcast %jit3A_595 : f32 to vector<16xf32>
      %broadcast_in_dim3A_598 = vector.broadcast %jit3A_596 : f32 to vector<16xf32>
      %select_n3A_599 = arith.select %ge3A_580, %broadcast_in_dim3A_597, %broadcast_in_dim3A_598 : vector<16xi1>, vector<16xf32>
      %add3A_600 = arith.addf %add3A_437, %select_n3A_599 : vector<16xf32>
      %add3A_601 = arith.constant 1.600000e+01 : f32
      %add3A_602 = vector.broadcast %add3A_601 : f32 to vector<16xf32>
      %add3A_603 = arith.addf %add3A_440, %add3A_602 : vector<16xf32>
      scf.yield %add3A_603, %add3A_474, %add3A_480, %add3A_514, %add3A_520, %add3A_554, %add3A_560, %add3A_594, %add3A_600 : vector<16xf32>, vector<16xf32>, vector<16xf32>, vector<16xf32>, vector<16xf32>, vector<16xf32>, vector<16xf32>, vector<16xf32>, vector<16xf32>
    }
    %scan3A_53 = arith.constant 8 : i32
    %mul3A_54 = arith.mulf %scan3A_52#1, %get3A_33 : vector<16xf32>
    %add3A_55 = arith.addf %broadcast_in_dim3A_1, %mul3A_54 : vector<16xf32>
    %add3A_56 = arith.addf %broadcast_in_dim3A_1, %scan3A_52#1 : vector<16xf32>
    %mul3A_57 = arith.mulf %scan3A_52#2, %get3A_33 : vector<16xf32>
    %add3A_58 = arith.addf %broadcast_in_dim3A_1, %mul3A_57 : vector<16xf32>
    %add3A_59 = arith.addf %broadcast_in_dim3A_1, %scan3A_52#2 : vector<16xf32>
    %mul3A_60 = arith.mulf %scan3A_52#3, %get3A_37 : vector<16xf32>
    %add3A_61 = arith.addf %add3A_55, %mul3A_60 : vector<16xf32>
    %add3A_62 = arith.addf %add3A_56, %scan3A_52#3 : vector<16xf32>
    %mul3A_63 = arith.mulf %scan3A_52#4, %get3A_37 : vector<16xf32>
    %add3A_64 = arith.addf %add3A_58, %mul3A_63 : vector<16xf32>
    %add3A_65 = arith.addf %add3A_59, %scan3A_52#4 : vector<16xf32>
    %mul3A_66 = arith.mulf %scan3A_52#5, %get3A_41 : vector<16xf32>
    %add3A_67 = arith.addf %add3A_61, %mul3A_66 : vector<16xf32>
    %add3A_68 = arith.addf %add3A_62, %scan3A_52#5 : vector<16xf32>
    %mul3A_69 = arith.mulf %scan3A_52#6, %get3A_41 : vector<16xf32>
    %add3A_70 = arith.addf %add3A_64, %mul3A_69 : vector<16xf32>
    %add3A_71 = arith.addf %add3A_65, %scan3A_52#6 : vector<16xf32>
    %mul3A_72 = arith.mulf %scan3A_52#7, %get3A_45 : vector<16xf32>
    %add3A_73 = arith.addf %add3A_67, %mul3A_72 : vector<16xf32>
    %add3A_74 = arith.addf %add3A_68, %scan3A_52#7 : vector<16xf32>
    %mul3A_75 = arith.mulf %scan3A_52#8, %get3A_45 : vector<16xf32>
    %add3A_76 = arith.addf %add3A_70, %mul3A_75 : vector<16xf32>
    %add3A_77 = arith.addf %add3A_71, %scan3A_52#8 : vector<16xf32>
    %get3A_78 = arith.constant 4 : i32
    %get3A_79 = arith.index_cast %get3A_78 : i32 to index
    %get3A_80 = arith.constant 0 : index
    %get3A_81 = tpu.vector_load %arg4[%get3A_79, %get3A_80] {strides = array<i32>} : memref<34x16xf32, #tpu.memory_space<vmem>>, vector<16xf32>,
    %get3A_82 = arith.constant 5 : i32
    %get3A_83 = arith.index_cast %get3A_82 : i32 to index
    %get3A_84 = arith.constant 0 : index
    %get3A_85 = tpu.vector_load %arg4[%get3A_83, %get3A_84] {strides = array<i32>} : memref<34x16xf32, #tpu.memory_space<vmem>>, vector<16xf32>,
    %get3A_86 = arith.constant 6 : i32
    %get3A_87 = arith.index_cast %get3A_86 : i32 to index
    %get3A_88 = arith.constant 0 : index
    %get3A_89 = tpu.vector_load %arg4[%get3A_87, %get3A_88] {strides = array<i32>} : memref<34x16xf32, #tpu.memory_space<vmem>>, vector<16xf32>,
    %get3A_90 = arith.constant 7 : i32
    %get3A_91 = arith.index_cast %get3A_90 : i32 to index
    %get3A_92 = arith.constant 0 : index
    %get3A_93 = tpu.vector_load %arg4[%get3A_91, %get3A_92] {strides = array<i32>} : memref<34x16xf32, #tpu.memory_space<vmem>>, vector<16xf32>,
    %get3A_94 = arith.constant 20 : i32
    %get3A_95 = arith.index_cast %get3A_94 : i32 to index
    %get3A_96 = arith.constant 0 : index
    %get3A_97 = tpu.vector_load %arg4[%get3A_95, %get3A_96] {strides = array<i32>} : memref<34x16xf32, #tpu.memory_space<vmem>>, vector<16xf32>,
    %get3A_98 = arith.constant 21 : i32
    %get3A_99 = arith.index_cast %get3A_98 : i32 to index
    %get3A_100 = arith.constant 0 : index
    %get3A_101 = tpu.vector_load %arg4[%get3A_99, %get3A_100] {strides = array<i32>} : memref<34x16xf32, #tpu.memory_space<vmem>>, vector<16xf32>,
    %get3A_102 = arith.constant 22 : i32
    %get3A_103 = arith.index_cast %get3A_102 : i32 to index
    %get3A_104 = arith.constant 0 : index
    %get3A_105 = tpu.vector_load %arg4[%get3A_103, %get3A_104] {strides = array<i32>} : memref<34x16xf32, #tpu.memory_space<vmem>>, vector<16xf32>,
    %get3A_106 = arith.constant 23 : i32
    %get3A_107 = arith.index_cast %get3A_106 : i32 to index
    %get3A_108 = arith.constant 0 : index
    %get3A_109 = tpu.vector_load %arg4[%get3A_107, %get3A_108] {strides = array<i32>} : memref<34x16xf32, #tpu.memory_space<vmem>>, vector<16xf32>,
    %add3A_110 = vector.broadcast %convert_element_type3A_13 : f32 to vector<16xf32>
    %add3A_111 = arith.addf %add3A_110, %convert_element_type3A : vector<16xf32>
    %scan3A_112 = arith.constant 0 : i32
    %scan3A_113 = arith.constant 8 : i32
    %scan3A_114 = arith.addi %scan3A_112, %scan3A_113 : i32
    %scan3A_115 = arith.constant 1 : i32
    %scan3A_116:9 = scf.for %scan3A_277 = %scan3A_112 to %scan3A_114 step %scan3A_115 iter_args(%scan3A_278 = %add3A_111, %scan3A_279 = %broadcast_in_dim3A_1, %scan3A_280 = %broadcast_in_dim3A_1, %scan3A_281 = %broadcast_in_dim3A_1, %scan3A_282 = %broadcast_in_dim3A_1, %scan3A_283 = %broadcast_in_dim3A_1, %scan3A_284 = %broadcast_in_dim3A_1, %scan3A_285 = %broadcast_in_dim3A_1, %scan3A_286 = %broadcast_in_dim3A_1) -> (vector<16xf32>, vector<16xf32>, vector<16xf32>, vector<16xf32>, vector<16xf32>, vector<16xf32>, vector<16xf32>, vector<16xf32>, vector<16xf32>)  : i32 {
      %add3A_287 = arith.addf %scan3A_278, %get3A_4 : vector<16xf32>
      %add3A_288 = arith.addf %add3A_287, %get3A_81 : vector<16xf32>
      %max3A = arith.constant 0.000000e+00 : f32
      %max3A_289 = vector.broadcast %max3A : f32 to vector<16xf32>
      %max3A_290 = arith.maximumf %add3A_288, %max3A_289 : vector<16xf32>
      %min3A = arith.constant 8.191000e+03 : f32
      %min3A_291 = vector.broadcast %min3A : f32 to vector<16xf32>
      %min3A_292 = arith.minimumf %max3A_290, %min3A_291 : vector<16xf32>
      %convert_element_type3A_293 = arith.fptosi %min3A_292 : vector<16xf32> to vector<16xi32>
      %convert_element_type3A_294 = arith.sitofp %convert_element_type3A_293 : vector<16xi32> to vector<16xf32>
      %sub3A = arith.subf %min3A_292, %convert_element_type3A_294 : vector<16xf32>
      %sub3A_295 = arith.constant 1.000000e+00 : f32
      %sub3A_296 = vector.broadcast %sub3A_295 : f32 to vector<16xf32>
      %sub3A_297 = arith.subf %sub3A_296, %sub3A : vector<16xf32>
      %le3A = arith.constant 0.000000e+00 : f32
      %le3A_298 = vector.broadcast %le3A : f32 to vector<16xf32>
      %le3A_299 = arith.cmpf ole, %add3A_288, %le3A_298 : vector<16xf32>
      %ge3A = arith.constant 8.191000e+03 : f32
      %ge3A_300 = vector.broadcast %ge3A : f32 to vector<16xf32>
      %ge3A_301 = arith.cmpf oge, %add3A_288, %ge3A_300 : vector<16xf32>
      %or3A = arith.ori %le3A_299, %ge3A_301 : vector<16xi1>
      %not3A = arith.constant dense<true> : vector<16xi1>
      %not3A_302 = arith.xori %or3A, %not3A : vector<16xi1>
      %add3A_303 = arith.constant 1 : i32
      %add3A_304 = vector.broadcast %add3A_303 : i32 to vector<16xi32>
      %add3A_305 = arith.addi %convert_element_type3A_293, %add3A_304 : vector<16xi32>
      %mul3A_306 = arith.mulf %sub3A_297, %get3A_97 : vector<16xf32>
      tpu.vector_store_idx %arg5[%convert_element_type3A_293], %mul3A_306 masked %not3A_302 {add = true} : memref<8448xf32, #tpu.memory_space<vmem>>[vector<16xi32>], vector<16xf32>, vector<16xi1>
      %mul3A_307 = arith.mulf %sub3A, %get3A_97 : vector<16xf32>
      tpu.vector_store_idx %arg5[%add3A_305], %mul3A_307 masked %not3A_302 {add = true} : memref<8448xf32, #tpu.memory_space<vmem>>[vector<16xi32>], vector<16xf32>, vector<16xi1>
      tpu.vector_store_idx %arg6[%convert_element_type3A_293], %sub3A_297 masked %not3A_302 {add = true} : memref<8448xf32, #tpu.memory_space<vmem>>[vector<16xi32>], vector<16xf32>, vector<16xi1>
      tpu.vector_store_idx %arg6[%add3A_305], %sub3A masked %not3A_302 {add = true} : memref<8448xf32, #tpu.memory_space<vmem>>[vector<16xi32>], vector<16xf32>, vector<16xi1>
      %jit3A = arith.constant 1.000000e+00 : f32
      %jit3A_308 = arith.constant 0.000000e+00 : f32
      %broadcast_in_dim3A_309 = vector.broadcast %jit3A : f32 to vector<16xf32>
      %broadcast_in_dim3A_310 = vector.broadcast %jit3A_308 : f32 to vector<16xf32>
      %select_n3A = arith.select %le3A_299, %broadcast_in_dim3A_309, %broadcast_in_dim3A_310 : vector<16xi1>, vector<16xf32>
      %add3A_311 = arith.addf %scan3A_279, %select_n3A : vector<16xf32>
      %jit3A_312 = arith.constant 1.000000e+00 : f32
      %jit3A_313 = arith.constant 0.000000e+00 : f32
      %broadcast_in_dim3A_314 = vector.broadcast %jit3A_312 : f32 to vector<16xf32>
      %broadcast_in_dim3A_315 = vector.broadcast %jit3A_313 : f32 to vector<16xf32>
      %select_n3A_316 = arith.select %ge3A_301, %broadcast_in_dim3A_314, %broadcast_in_dim3A_315 : vector<16xi1>, vector<16xf32>
      %add3A_317 = arith.addf %scan3A_280, %select_n3A_316 : vector<16xf32>
      %add3A_318 = arith.addf %scan3A_278, %get3A_4 : vector<16xf32>
      %add3A_319 = arith.addf %add3A_318, %get3A_85 : vector<16xf32>
      %max3A_320 = arith.constant 0.000000e+00 : f32
      %max3A_321 = vector.broadcast %max3A_320 : f32 to vector<16xf32>
      %max3A_322 = arith.maximumf %add3A_319, %max3A_321 : vector<16xf32>
      %min3A_323 = arith.constant 8.191000e+03 : f32
      %min3A_324 = vector.broadcast %min3A_323 : f32 to vector<16xf32>
      %min3A_325 = arith.minimumf %max3A_322, %min3A_324 : vector<16xf32>
      %convert_element_type3A_326 = arith.fptosi %min3A_325 : vector<16xf32> to vector<16xi32>
      %convert_element_type3A_327 = arith.sitofp %convert_element_type3A_326 : vector<16xi32> to vector<16xf32>
      %sub3A_328 = arith.subf %min3A_325, %convert_element_type3A_327 : vector<16xf32>
      %sub3A_329 = arith.constant 1.000000e+00 : f32
      %sub3A_330 = vector.broadcast %sub3A_329 : f32 to vector<16xf32>
      %sub3A_331 = arith.subf %sub3A_330, %sub3A_328 : vector<16xf32>
      %le3A_332 = arith.constant 0.000000e+00 : f32
      %le3A_333 = vector.broadcast %le3A_332 : f32 to vector<16xf32>
      %le3A_334 = arith.cmpf ole, %add3A_319, %le3A_333 : vector<16xf32>
      %ge3A_335 = arith.constant 8.191000e+03 : f32
      %ge3A_336 = vector.broadcast %ge3A_335 : f32 to vector<16xf32>
      %ge3A_337 = arith.cmpf oge, %add3A_319, %ge3A_336 : vector<16xf32>
      %or3A_338 = arith.ori %le3A_334, %ge3A_337 : vector<16xi1>
      %not3A_339 = arith.constant dense<true> : vector<16xi1>
      %not3A_340 = arith.xori %or3A_338, %not3A_339 : vector<16xi1>
      %add3A_341 = arith.constant 1 : i32
      %add3A_342 = vector.broadcast %add3A_341 : i32 to vector<16xi32>
      %add3A_343 = arith.addi %convert_element_type3A_326, %add3A_342 : vector<16xi32>
      %mul3A_344 = arith.mulf %sub3A_331, %get3A_101 : vector<16xf32>
      tpu.vector_store_idx %arg5[%convert_element_type3A_326], %mul3A_344 masked %not3A_340 {add = true} : memref<8448xf32, #tpu.memory_space<vmem>>[vector<16xi32>], vector<16xf32>, vector<16xi1>
      %mul3A_345 = arith.mulf %sub3A_328, %get3A_101 : vector<16xf32>
      tpu.vector_store_idx %arg5[%add3A_343], %mul3A_345 masked %not3A_340 {add = true} : memref<8448xf32, #tpu.memory_space<vmem>>[vector<16xi32>], vector<16xf32>, vector<16xi1>
      tpu.vector_store_idx %arg6[%convert_element_type3A_326], %sub3A_331 masked %not3A_340 {add = true} : memref<8448xf32, #tpu.memory_space<vmem>>[vector<16xi32>], vector<16xf32>, vector<16xi1>
      tpu.vector_store_idx %arg6[%add3A_343], %sub3A_328 masked %not3A_340 {add = true} : memref<8448xf32, #tpu.memory_space<vmem>>[vector<16xi32>], vector<16xf32>, vector<16xi1>
      %jit3A_346 = arith.constant 1.000000e+00 : f32
      %jit3A_347 = arith.constant 0.000000e+00 : f32
      %broadcast_in_dim3A_348 = vector.broadcast %jit3A_346 : f32 to vector<16xf32>
      %broadcast_in_dim3A_349 = vector.broadcast %jit3A_347 : f32 to vector<16xf32>
      %select_n3A_350 = arith.select %le3A_334, %broadcast_in_dim3A_348, %broadcast_in_dim3A_349 : vector<16xi1>, vector<16xf32>
      %add3A_351 = arith.addf %scan3A_281, %select_n3A_350 : vector<16xf32>
      %jit3A_352 = arith.constant 1.000000e+00 : f32
      %jit3A_353 = arith.constant 0.000000e+00 : f32
      %broadcast_in_dim3A_354 = vector.broadcast %jit3A_352 : f32 to vector<16xf32>
      %broadcast_in_dim3A_355 = vector.broadcast %jit3A_353 : f32 to vector<16xf32>
      %select_n3A_356 = arith.select %ge3A_337, %broadcast_in_dim3A_354, %broadcast_in_dim3A_355 : vector<16xi1>, vector<16xf32>
      %add3A_357 = arith.addf %scan3A_282, %select_n3A_356 : vector<16xf32>
      %add3A_358 = arith.addf %scan3A_278, %get3A_4 : vector<16xf32>
      %add3A_359 = arith.addf %add3A_358, %get3A_89 : vector<16xf32>
      %max3A_360 = arith.constant 0.000000e+00 : f32
      %max3A_361 = vector.broadcast %max3A_360 : f32 to vector<16xf32>
      %max3A_362 = arith.maximumf %add3A_359, %max3A_361 : vector<16xf32>
      %min3A_363 = arith.constant 8.191000e+03 : f32
      %min3A_364 = vector.broadcast %min3A_363 : f32 to vector<16xf32>
      %min3A_365 = arith.minimumf %max3A_362, %min3A_364 : vector<16xf32>
      %convert_element_type3A_366 = arith.fptosi %min3A_365 : vector<16xf32> to vector<16xi32>
      %convert_element_type3A_367 = arith.sitofp %convert_element_type3A_366 : vector<16xi32> to vector<16xf32>
      %sub3A_368 = arith.subf %min3A_365, %convert_element_type3A_367 : vector<16xf32>
      %sub3A_369 = arith.constant 1.000000e+00 : f32
      %sub3A_370 = vector.broadcast %sub3A_369 : f32 to vector<16xf32>
      %sub3A_371 = arith.subf %sub3A_370, %sub3A_368 : vector<16xf32>
      %le3A_372 = arith.constant 0.000000e+00 : f32
      %le3A_373 = vector.broadcast %le3A_372 : f32 to vector<16xf32>
      %le3A_374 = arith.cmpf ole, %add3A_359, %le3A_373 : vector<16xf32>
      %ge3A_375 = arith.constant 8.191000e+03 : f32
      %ge3A_376 = vector.broadcast %ge3A_375 : f32 to vector<16xf32>
      %ge3A_377 = arith.cmpf oge, %add3A_359, %ge3A_376 : vector<16xf32>
      %or3A_378 = arith.ori %le3A_374, %ge3A_377 : vector<16xi1>
      %not3A_379 = arith.constant dense<true> : vector<16xi1>
      %not3A_380 = arith.xori %or3A_378, %not3A_379 : vector<16xi1>
      %add3A_381 = arith.constant 1 : i32
      %add3A_382 = vector.broadcast %add3A_381 : i32 to vector<16xi32>
      %add3A_383 = arith.addi %convert_element_type3A_366, %add3A_382 : vector<16xi32>
      %mul3A_384 = arith.mulf %sub3A_371, %get3A_105 : vector<16xf32>
      tpu.vector_store_idx %arg5[%convert_element_type3A_366], %mul3A_384 masked %not3A_380 {add = true} : memref<8448xf32, #tpu.memory_space<vmem>>[vector<16xi32>], vector<16xf32>, vector<16xi1>
      %mul3A_385 = arith.mulf %sub3A_368, %get3A_105 : vector<16xf32>
      tpu.vector_store_idx %arg5[%add3A_383], %mul3A_385 masked %not3A_380 {add = true} : memref<8448xf32, #tpu.memory_space<vmem>>[vector<16xi32>], vector<16xf32>, vector<16xi1>
      tpu.vector_store_idx %arg6[%convert_element_type3A_366], %sub3A_371 masked %not3A_380 {add = true} : memref<8448xf32, #tpu.memory_space<vmem>>[vector<16xi32>], vector<16xf32>, vector<16xi1>
      tpu.vector_store_idx %arg6[%add3A_383], %sub3A_368 masked %not3A_380 {add = true} : memref<8448xf32, #tpu.memory_space<vmem>>[vector<16xi32>], vector<16xf32>, vector<16xi1>
      %jit3A_386 = arith.constant 1.000000e+00 : f32
      %jit3A_387 = arith.constant 0.000000e+00 : f32
      %broadcast_in_dim3A_388 = vector.broadcast %jit3A_386 : f32 to vector<16xf32>
      %broadcast_in_dim3A_389 = vector.broadcast %jit3A_387 : f32 to vector<16xf32>
      %select_n3A_390 = arith.select %le3A_374, %broadcast_in_dim3A_388, %broadcast_in_dim3A_389 : vector<16xi1>, vector<16xf32>
      %add3A_391 = arith.addf %scan3A_283, %select_n3A_390 : vector<16xf32>
      %jit3A_392 = arith.constant 1.000000e+00 : f32
      %jit3A_393 = arith.constant 0.000000e+00 : f32
      %broadcast_in_dim3A_394 = vector.broadcast %jit3A_392 : f32 to vector<16xf32>
      %broadcast_in_dim3A_395 = vector.broadcast %jit3A_393 : f32 to vector<16xf32>
      %select_n3A_396 = arith.select %ge3A_377, %broadcast_in_dim3A_394, %broadcast_in_dim3A_395 : vector<16xi1>, vector<16xf32>
      %add3A_397 = arith.addf %scan3A_284, %select_n3A_396 : vector<16xf32>
      %add3A_398 = arith.addf %scan3A_278, %get3A_4 : vector<16xf32>
      %add3A_399 = arith.addf %add3A_398, %get3A_93 : vector<16xf32>
      %max3A_400 = arith.constant 0.000000e+00 : f32
      %max3A_401 = vector.broadcast %max3A_400 : f32 to vector<16xf32>
      %max3A_402 = arith.maximumf %add3A_399, %max3A_401 : vector<16xf32>
      %min3A_403 = arith.constant 8.191000e+03 : f32
      %min3A_404 = vector.broadcast %min3A_403 : f32 to vector<16xf32>
      %min3A_405 = arith.minimumf %max3A_402, %min3A_404 : vector<16xf32>
      %convert_element_type3A_406 = arith.fptosi %min3A_405 : vector<16xf32> to vector<16xi32>
      %convert_element_type3A_407 = arith.sitofp %convert_element_type3A_406 : vector<16xi32> to vector<16xf32>
      %sub3A_408 = arith.subf %min3A_405, %convert_element_type3A_407 : vector<16xf32>
      %sub3A_409 = arith.constant 1.000000e+00 : f32
      %sub3A_410 = vector.broadcast %sub3A_409 : f32 to vector<16xf32>
      %sub3A_411 = arith.subf %sub3A_410, %sub3A_408 : vector<16xf32>
      %le3A_412 = arith.constant 0.000000e+00 : f32
      %le3A_413 = vector.broadcast %le3A_412 : f32 to vector<16xf32>
      %le3A_414 = arith.cmpf ole, %add3A_399, %le3A_413 : vector<16xf32>
      %ge3A_415 = arith.constant 8.191000e+03 : f32
      %ge3A_416 = vector.broadcast %ge3A_415 : f32 to vector<16xf32>
      %ge3A_417 = arith.cmpf oge, %add3A_399, %ge3A_416 : vector<16xf32>
      %or3A_418 = arith.ori %le3A_414, %ge3A_417 : vector<16xi1>
      %not3A_419 = arith.constant dense<true> : vector<16xi1>
      %not3A_420 = arith.xori %or3A_418, %not3A_419 : vector<16xi1>
      %add3A_421 = arith.constant 1 : i32
      %add3A_422 = vector.broadcast %add3A_421 : i32 to vector<16xi32>
      %add3A_423 = arith.addi %convert_element_type3A_406, %add3A_422 : vector<16xi32>
      %mul3A_424 = arith.mulf %sub3A_411, %get3A_109 : vector<16xf32>
      tpu.vector_store_idx %arg5[%convert_element_type3A_406], %mul3A_424 masked %not3A_420 {add = true} : memref<8448xf32, #tpu.memory_space<vmem>>[vector<16xi32>], vector<16xf32>, vector<16xi1>
      %mul3A_425 = arith.mulf %sub3A_408, %get3A_109 : vector<16xf32>
      tpu.vector_store_idx %arg5[%add3A_423], %mul3A_425 masked %not3A_420 {add = true} : memref<8448xf32, #tpu.memory_space<vmem>>[vector<16xi32>], vector<16xf32>, vector<16xi1>
      tpu.vector_store_idx %arg6[%convert_element_type3A_406], %sub3A_411 masked %not3A_420 {add = true} : memref<8448xf32, #tpu.memory_space<vmem>>[vector<16xi32>], vector<16xf32>, vector<16xi1>
      tpu.vector_store_idx %arg6[%add3A_423], %sub3A_408 masked %not3A_420 {add = true} : memref<8448xf32, #tpu.memory_space<vmem>>[vector<16xi32>], vector<16xf32>, vector<16xi1>
      %jit3A_426 = arith.constant 1.000000e+00 : f32
      %jit3A_427 = arith.constant 0.000000e+00 : f32
      %broadcast_in_dim3A_428 = vector.broadcast %jit3A_426 : f32 to vector<16xf32>
      %broadcast_in_dim3A_429 = vector.broadcast %jit3A_427 : f32 to vector<16xf32>
      %select_n3A_430 = arith.select %le3A_414, %broadcast_in_dim3A_428, %broadcast_in_dim3A_429 : vector<16xi1>, vector<16xf32>
      %add3A_431 = arith.addf %scan3A_285, %select_n3A_430 : vector<16xf32>
      %jit3A_432 = arith.constant 1.000000e+00 : f32
      %jit3A_433 = arith.constant 0.000000e+00 : f32
      %broadcast_in_dim3A_434 = vector.broadcast %jit3A_432 : f32 to vector<16xf32>
      %broadcast_in_dim3A_435 = vector.broadcast %jit3A_433 : f32 to vector<16xf32>
      %select_n3A_436 = arith.select %ge3A_417, %broadcast_in_dim3A_434, %broadcast_in_dim3A_435 : vector<16xi1>, vector<16xf32>
      %add3A_437 = arith.addf %scan3A_286, %select_n3A_436 : vector<16xf32>
      %add3A_438 = arith.constant 1.600000e+01 : f32
      %add3A_439 = vector.broadcast %add3A_438 : f32 to vector<16xf32>
      %add3A_440 = arith.addf %scan3A_278, %add3A_439 : vector<16xf32>
      %add3A_441 = arith.addf %add3A_440, %get3A_4 : vector<16xf32>
      %add3A_442 = arith.addf %add3A_441, %get3A_81 : vector<16xf32>
      %max3A_443 = arith.constant 0.000000e+00 : f32
      %max3A_444 = vector.broadcast %max3A_443 : f32 to vector<16xf32>
      %max3A_445 = arith.maximumf %add3A_442, %max3A_444 : vector<16xf32>
      %min3A_446 = arith.constant 8.191000e+03 : f32
      %min3A_447 = vector.broadcast %min3A_446 : f32 to vector<16xf32>
      %min3A_448 = arith.minimumf %max3A_445, %min3A_447 : vector<16xf32>
      %convert_element_type3A_449 = arith.fptosi %min3A_448 : vector<16xf32> to vector<16xi32>
      %convert_element_type3A_450 = arith.sitofp %convert_element_type3A_449 : vector<16xi32> to vector<16xf32>
      %sub3A_451 = arith.subf %min3A_448, %convert_element_type3A_450 : vector<16xf32>
      %sub3A_452 = arith.constant 1.000000e+00 : f32
      %sub3A_453 = vector.broadcast %sub3A_452 : f32 to vector<16xf32>
      %sub3A_454 = arith.subf %sub3A_453, %sub3A_451 : vector<16xf32>
      %le3A_455 = arith.constant 0.000000e+00 : f32
      %le3A_456 = vector.broadcast %le3A_455 : f32 to vector<16xf32>
      %le3A_457 = arith.cmpf ole, %add3A_442, %le3A_456 : vector<16xf32>
      %ge3A_458 = arith.constant 8.191000e+03 : f32
      %ge3A_459 = vector.broadcast %ge3A_458 : f32 to vector<16xf32>
      %ge3A_460 = arith.cmpf oge, %add3A_442, %ge3A_459 : vector<16xf32>
      %or3A_461 = arith.ori %le3A_457, %ge3A_460 : vector<16xi1>
      %not3A_462 = arith.constant dense<true> : vector<16xi1>
      %not3A_463 = arith.xori %or3A_461, %not3A_462 : vector<16xi1>
      %add3A_464 = arith.constant 1 : i32
      %add3A_465 = vector.broadcast %add3A_464 : i32 to vector<16xi32>
      %add3A_466 = arith.addi %convert_element_type3A_449, %add3A_465 : vector<16xi32>
      %mul3A_467 = arith.mulf %sub3A_454, %get3A_97 : vector<16xf32>
      tpu.vector_store_idx %arg5[%convert_element_type3A_449], %mul3A_467 masked %not3A_463 {add = true} : memref<8448xf32, #tpu.memory_space<vmem>>[vector<16xi32>], vector<16xf32>, vector<16xi1>
      %mul3A_468 = arith.mulf %sub3A_451, %get3A_97 : vector<16xf32>
      tpu.vector_store_idx %arg5[%add3A_466], %mul3A_468 masked %not3A_463 {add = true} : memref<8448xf32, #tpu.memory_space<vmem>>[vector<16xi32>], vector<16xf32>, vector<16xi1>
      tpu.vector_store_idx %arg6[%convert_element_type3A_449], %sub3A_454 masked %not3A_463 {add = true} : memref<8448xf32, #tpu.memory_space<vmem>>[vector<16xi32>], vector<16xf32>, vector<16xi1>
      tpu.vector_store_idx %arg6[%add3A_466], %sub3A_451 masked %not3A_463 {add = true} : memref<8448xf32, #tpu.memory_space<vmem>>[vector<16xi32>], vector<16xf32>, vector<16xi1>
      %jit3A_469 = arith.constant 1.000000e+00 : f32
      %jit3A_470 = arith.constant 0.000000e+00 : f32
      %broadcast_in_dim3A_471 = vector.broadcast %jit3A_469 : f32 to vector<16xf32>
      %broadcast_in_dim3A_472 = vector.broadcast %jit3A_470 : f32 to vector<16xf32>
      %select_n3A_473 = arith.select %le3A_457, %broadcast_in_dim3A_471, %broadcast_in_dim3A_472 : vector<16xi1>, vector<16xf32>
      %add3A_474 = arith.addf %add3A_311, %select_n3A_473 : vector<16xf32>
      %jit3A_475 = arith.constant 1.000000e+00 : f32
      %jit3A_476 = arith.constant 0.000000e+00 : f32
      %broadcast_in_dim3A_477 = vector.broadcast %jit3A_475 : f32 to vector<16xf32>
      %broadcast_in_dim3A_478 = vector.broadcast %jit3A_476 : f32 to vector<16xf32>
      %select_n3A_479 = arith.select %ge3A_460, %broadcast_in_dim3A_477, %broadcast_in_dim3A_478 : vector<16xi1>, vector<16xf32>
      %add3A_480 = arith.addf %add3A_317, %select_n3A_479 : vector<16xf32>
      %add3A_481 = arith.addf %add3A_440, %get3A_4 : vector<16xf32>
      %add3A_482 = arith.addf %add3A_481, %get3A_85 : vector<16xf32>
      %max3A_483 = arith.constant 0.000000e+00 : f32
      %max3A_484 = vector.broadcast %max3A_483 : f32 to vector<16xf32>
      %max3A_485 = arith.maximumf %add3A_482, %max3A_484 : vector<16xf32>
      %min3A_486 = arith.constant 8.191000e+03 : f32
      %min3A_487 = vector.broadcast %min3A_486 : f32 to vector<16xf32>
      %min3A_488 = arith.minimumf %max3A_485, %min3A_487 : vector<16xf32>
      %convert_element_type3A_489 = arith.fptosi %min3A_488 : vector<16xf32> to vector<16xi32>
      %convert_element_type3A_490 = arith.sitofp %convert_element_type3A_489 : vector<16xi32> to vector<16xf32>
      %sub3A_491 = arith.subf %min3A_488, %convert_element_type3A_490 : vector<16xf32>
      %sub3A_492 = arith.constant 1.000000e+00 : f32
      %sub3A_493 = vector.broadcast %sub3A_492 : f32 to vector<16xf32>
      %sub3A_494 = arith.subf %sub3A_493, %sub3A_491 : vector<16xf32>
      %le3A_495 = arith.constant 0.000000e+00 : f32
      %le3A_496 = vector.broadcast %le3A_495 : f32 to vector<16xf32>
      %le3A_497 = arith.cmpf ole, %add3A_482, %le3A_496 : vector<16xf32>
      %ge3A_498 = arith.constant 8.191000e+03 : f32
      %ge3A_499 = vector.broadcast %ge3A_498 : f32 to vector<16xf32>
      %ge3A_500 = arith.cmpf oge, %add3A_482, %ge3A_499 : vector<16xf32>
      %or3A_501 = arith.ori %le3A_497, %ge3A_500 : vector<16xi1>
      %not3A_502 = arith.constant dense<true> : vector<16xi1>
      %not3A_503 = arith.xori %or3A_501, %not3A_502 : vector<16xi1>
      %add3A_504 = arith.constant 1 : i32
      %add3A_505 = vector.broadcast %add3A_504 : i32 to vector<16xi32>
      %add3A_506 = arith.addi %convert_element_type3A_489, %add3A_505 : vector<16xi32>
      %mul3A_507 = arith.mulf %sub3A_494, %get3A_101 : vector<16xf32>
      tpu.vector_store_idx %arg5[%convert_element_type3A_489], %mul3A_507 masked %not3A_503 {add = true} : memref<8448xf32, #tpu.memory_space<vmem>>[vector<16xi32>], vector<16xf32>, vector<16xi1>
      %mul3A_508 = arith.mulf %sub3A_491, %get3A_101 : vector<16xf32>
      tpu.vector_store_idx %arg5[%add3A_506], %mul3A_508 masked %not3A_503 {add = true} : memref<8448xf32, #tpu.memory_space<vmem>>[vector<16xi32>], vector<16xf32>, vector<16xi1>
      tpu.vector_store_idx %arg6[%convert_element_type3A_489], %sub3A_494 masked %not3A_503 {add = true} : memref<8448xf32, #tpu.memory_space<vmem>>[vector<16xi32>], vector<16xf32>, vector<16xi1>
      tpu.vector_store_idx %arg6[%add3A_506], %sub3A_491 masked %not3A_503 {add = true} : memref<8448xf32, #tpu.memory_space<vmem>>[vector<16xi32>], vector<16xf32>, vector<16xi1>
      %jit3A_509 = arith.constant 1.000000e+00 : f32
      %jit3A_510 = arith.constant 0.000000e+00 : f32
      %broadcast_in_dim3A_511 = vector.broadcast %jit3A_509 : f32 to vector<16xf32>
      %broadcast_in_dim3A_512 = vector.broadcast %jit3A_510 : f32 to vector<16xf32>
      %select_n3A_513 = arith.select %le3A_497, %broadcast_in_dim3A_511, %broadcast_in_dim3A_512 : vector<16xi1>, vector<16xf32>
      %add3A_514 = arith.addf %add3A_351, %select_n3A_513 : vector<16xf32>
      %jit3A_515 = arith.constant 1.000000e+00 : f32
      %jit3A_516 = arith.constant 0.000000e+00 : f32
      %broadcast_in_dim3A_517 = vector.broadcast %jit3A_515 : f32 to vector<16xf32>
      %broadcast_in_dim3A_518 = vector.broadcast %jit3A_516 : f32 to vector<16xf32>
      %select_n3A_519 = arith.select %ge3A_500, %broadcast_in_dim3A_517, %broadcast_in_dim3A_518 : vector<16xi1>, vector<16xf32>
      %add3A_520 = arith.addf %add3A_357, %select_n3A_519 : vector<16xf32>
      %add3A_521 = arith.addf %add3A_440, %get3A_4 : vector<16xf32>
      %add3A_522 = arith.addf %add3A_521, %get3A_89 : vector<16xf32>
      %max3A_523 = arith.constant 0.000000e+00 : f32
      %max3A_524 = vector.broadcast %max3A_523 : f32 to vector<16xf32>
      %max3A_525 = arith.maximumf %add3A_522, %max3A_524 : vector<16xf32>
      %min3A_526 = arith.constant 8.191000e+03 : f32
      %min3A_527 = vector.broadcast %min3A_526 : f32 to vector<16xf32>
      %min3A_528 = arith.minimumf %max3A_525, %min3A_527 : vector<16xf32>
      %convert_element_type3A_529 = arith.fptosi %min3A_528 : vector<16xf32> to vector<16xi32>
      %convert_element_type3A_530 = arith.sitofp %convert_element_type3A_529 : vector<16xi32> to vector<16xf32>
      %sub3A_531 = arith.subf %min3A_528, %convert_element_type3A_530 : vector<16xf32>
      %sub3A_532 = arith.constant 1.000000e+00 : f32
      %sub3A_533 = vector.broadcast %sub3A_532 : f32 to vector<16xf32>
      %sub3A_534 = arith.subf %sub3A_533, %sub3A_531 : vector<16xf32>
      %le3A_535 = arith.constant 0.000000e+00 : f32
      %le3A_536 = vector.broadcast %le3A_535 : f32 to vector<16xf32>
      %le3A_537 = arith.cmpf ole, %add3A_522, %le3A_536 : vector<16xf32>
      %ge3A_538 = arith.constant 8.191000e+03 : f32
      %ge3A_539 = vector.broadcast %ge3A_538 : f32 to vector<16xf32>
      %ge3A_540 = arith.cmpf oge, %add3A_522, %ge3A_539 : vector<16xf32>
      %or3A_541 = arith.ori %le3A_537, %ge3A_540 : vector<16xi1>
      %not3A_542 = arith.constant dense<true> : vector<16xi1>
      %not3A_543 = arith.xori %or3A_541, %not3A_542 : vector<16xi1>
      %add3A_544 = arith.constant 1 : i32
      %add3A_545 = vector.broadcast %add3A_544 : i32 to vector<16xi32>
      %add3A_546 = arith.addi %convert_element_type3A_529, %add3A_545 : vector<16xi32>
      %mul3A_547 = arith.mulf %sub3A_534, %get3A_105 : vector<16xf32>
      tpu.vector_store_idx %arg5[%convert_element_type3A_529], %mul3A_547 masked %not3A_543 {add = true} : memref<8448xf32, #tpu.memory_space<vmem>>[vector<16xi32>], vector<16xf32>, vector<16xi1>
      %mul3A_548 = arith.mulf %sub3A_531, %get3A_105 : vector<16xf32>
      tpu.vector_store_idx %arg5[%add3A_546], %mul3A_548 masked %not3A_543 {add = true} : memref<8448xf32, #tpu.memory_space<vmem>>[vector<16xi32>], vector<16xf32>, vector<16xi1>
      tpu.vector_store_idx %arg6[%convert_element_type3A_529], %sub3A_534 masked %not3A_543 {add = true} : memref<8448xf32, #tpu.memory_space<vmem>>[vector<16xi32>], vector<16xf32>, vector<16xi1>
      tpu.vector_store_idx %arg6[%add3A_546], %sub3A_531 masked %not3A_543 {add = true} : memref<8448xf32, #tpu.memory_space<vmem>>[vector<16xi32>], vector<16xf32>, vector<16xi1>
      %jit3A_549 = arith.constant 1.000000e+00 : f32
      %jit3A_550 = arith.constant 0.000000e+00 : f32
      %broadcast_in_dim3A_551 = vector.broadcast %jit3A_549 : f32 to vector<16xf32>
      %broadcast_in_dim3A_552 = vector.broadcast %jit3A_550 : f32 to vector<16xf32>
      %select_n3A_553 = arith.select %le3A_537, %broadcast_in_dim3A_551, %broadcast_in_dim3A_552 : vector<16xi1>, vector<16xf32>
      %add3A_554 = arith.addf %add3A_391, %select_n3A_553 : vector<16xf32>
      %jit3A_555 = arith.constant 1.000000e+00 : f32
      %jit3A_556 = arith.constant 0.000000e+00 : f32
      %broadcast_in_dim3A_557 = vector.broadcast %jit3A_555 : f32 to vector<16xf32>
      %broadcast_in_dim3A_558 = vector.broadcast %jit3A_556 : f32 to vector<16xf32>
      %select_n3A_559 = arith.select %ge3A_540, %broadcast_in_dim3A_557, %broadcast_in_dim3A_558 : vector<16xi1>, vector<16xf32>
      %add3A_560 = arith.addf %add3A_397, %select_n3A_559 : vector<16xf32>
      %add3A_561 = arith.addf %add3A_440, %get3A_4 : vector<16xf32>
      %add3A_562 = arith.addf %add3A_561, %get3A_93 : vector<16xf32>
      %max3A_563 = arith.constant 0.000000e+00 : f32
      %max3A_564 = vector.broadcast %max3A_563 : f32 to vector<16xf32>
      %max3A_565 = arith.maximumf %add3A_562, %max3A_564 : vector<16xf32>
      %min3A_566 = arith.constant 8.191000e+03 : f32
      %min3A_567 = vector.broadcast %min3A_566 : f32 to vector<16xf32>
      %min3A_568 = arith.minimumf %max3A_565, %min3A_567 : vector<16xf32>
      %convert_element_type3A_569 = arith.fptosi %min3A_568 : vector<16xf32> to vector<16xi32>
      %convert_element_type3A_570 = arith.sitofp %convert_element_type3A_569 : vector<16xi32> to vector<16xf32>
      %sub3A_571 = arith.subf %min3A_568, %convert_element_type3A_570 : vector<16xf32>
      %sub3A_572 = arith.constant 1.000000e+00 : f32
      %sub3A_573 = vector.broadcast %sub3A_572 : f32 to vector<16xf32>
      %sub3A_574 = arith.subf %sub3A_573, %sub3A_571 : vector<16xf32>
      %le3A_575 = arith.constant 0.000000e+00 : f32
      %le3A_576 = vector.broadcast %le3A_575 : f32 to vector<16xf32>
      %le3A_577 = arith.cmpf ole, %add3A_562, %le3A_576 : vector<16xf32>
      %ge3A_578 = arith.constant 8.191000e+03 : f32
      %ge3A_579 = vector.broadcast %ge3A_578 : f32 to vector<16xf32>
      %ge3A_580 = arith.cmpf oge, %add3A_562, %ge3A_579 : vector<16xf32>
      %or3A_581 = arith.ori %le3A_577, %ge3A_580 : vector<16xi1>
      %not3A_582 = arith.constant dense<true> : vector<16xi1>
      %not3A_583 = arith.xori %or3A_581, %not3A_582 : vector<16xi1>
      %add3A_584 = arith.constant 1 : i32
      %add3A_585 = vector.broadcast %add3A_584 : i32 to vector<16xi32>
      %add3A_586 = arith.addi %convert_element_type3A_569, %add3A_585 : vector<16xi32>
      %mul3A_587 = arith.mulf %sub3A_574, %get3A_109 : vector<16xf32>
      tpu.vector_store_idx %arg5[%convert_element_type3A_569], %mul3A_587 masked %not3A_583 {add = true} : memref<8448xf32, #tpu.memory_space<vmem>>[vector<16xi32>], vector<16xf32>, vector<16xi1>
      %mul3A_588 = arith.mulf %sub3A_571, %get3A_109 : vector<16xf32>
      tpu.vector_store_idx %arg5[%add3A_586], %mul3A_588 masked %not3A_583 {add = true} : memref<8448xf32, #tpu.memory_space<vmem>>[vector<16xi32>], vector<16xf32>, vector<16xi1>
      tpu.vector_store_idx %arg6[%convert_element_type3A_569], %sub3A_574 masked %not3A_583 {add = true} : memref<8448xf32, #tpu.memory_space<vmem>>[vector<16xi32>], vector<16xf32>, vector<16xi1>
      tpu.vector_store_idx %arg6[%add3A_586], %sub3A_571 masked %not3A_583 {add = true} : memref<8448xf32, #tpu.memory_space<vmem>>[vector<16xi32>], vector<16xf32>, vector<16xi1>
      %jit3A_589 = arith.constant 1.000000e+00 : f32
      %jit3A_590 = arith.constant 0.000000e+00 : f32
      %broadcast_in_dim3A_591 = vector.broadcast %jit3A_589 : f32 to vector<16xf32>
      %broadcast_in_dim3A_592 = vector.broadcast %jit3A_590 : f32 to vector<16xf32>
      %select_n3A_593 = arith.select %le3A_577, %broadcast_in_dim3A_591, %broadcast_in_dim3A_592 : vector<16xi1>, vector<16xf32>
      %add3A_594 = arith.addf %add3A_431, %select_n3A_593 : vector<16xf32>
      %jit3A_595 = arith.constant 1.000000e+00 : f32
      %jit3A_596 = arith.constant 0.000000e+00 : f32
      %broadcast_in_dim3A_597 = vector.broadcast %jit3A_595 : f32 to vector<16xf32>
      %broadcast_in_dim3A_598 = vector.broadcast %jit3A_596 : f32 to vector<16xf32>
      %select_n3A_599 = arith.select %ge3A_580, %broadcast_in_dim3A_597, %broadcast_in_dim3A_598 : vector<16xi1>, vector<16xf32>
      %add3A_600 = arith.addf %add3A_437, %select_n3A_599 : vector<16xf32>
      %add3A_601 = arith.constant 1.600000e+01 : f32
      %add3A_602 = vector.broadcast %add3A_601 : f32 to vector<16xf32>
      %add3A_603 = arith.addf %add3A_440, %add3A_602 : vector<16xf32>
      scf.yield %add3A_603, %add3A_474, %add3A_480, %add3A_514, %add3A_520, %add3A_554, %add3A_560, %add3A_594, %add3A_600 : vector<16xf32>, vector<16xf32>, vector<16xf32>, vector<16xf32>, vector<16xf32>, vector<16xf32>, vector<16xf32>, vector<16xf32>, vector<16xf32>
    }
    %scan3A_117 = arith.constant 8 : i32
    %mul3A_118 = arith.mulf %scan3A_116#1, %get3A_97 : vector<16xf32>
    %add3A_119 = arith.addf %add3A_73, %mul3A_118 : vector<16xf32>
    %add3A_120 = arith.addf %add3A_74, %scan3A_116#1 : vector<16xf32>
    %mul3A_121 = arith.mulf %scan3A_116#2, %get3A_97 : vector<16xf32>
    %add3A_122 = arith.addf %add3A_76, %mul3A_121 : vector<16xf32>
    %add3A_123 = arith.addf %add3A_77, %scan3A_116#2 : vector<16xf32>
    %mul3A_124 = arith.mulf %scan3A_116#3, %get3A_101 : vector<16xf32>
    %add3A_125 = arith.addf %add3A_119, %mul3A_124 : vector<16xf32>
    %add3A_126 = arith.addf %add3A_120, %scan3A_116#3 : vector<16xf32>
    %mul3A_127 = arith.mulf %scan3A_116#4, %get3A_101 : vector<16xf32>
    %add3A_128 = arith.addf %add3A_122, %mul3A_127 : vector<16xf32>
    %add3A_129 = arith.addf %add3A_123, %scan3A_116#4 : vector<16xf32>
    %mul3A_130 = arith.mulf %scan3A_116#5, %get3A_105 : vector<16xf32>
    %add3A_131 = arith.addf %add3A_125, %mul3A_130 : vector<16xf32>
    %add3A_132 = arith.addf %add3A_126, %scan3A_116#5 : vector<16xf32>
    %mul3A_133 = arith.mulf %scan3A_116#6, %get3A_105 : vector<16xf32>
    %add3A_134 = arith.addf %add3A_128, %mul3A_133 : vector<16xf32>
    %add3A_135 = arith.addf %add3A_129, %scan3A_116#6 : vector<16xf32>
    %mul3A_136 = arith.mulf %scan3A_116#7, %get3A_109 : vector<16xf32>
    %add3A_137 = arith.addf %add3A_131, %mul3A_136 : vector<16xf32>
    %add3A_138 = arith.addf %add3A_132, %scan3A_116#7 : vector<16xf32>
    %mul3A_139 = arith.mulf %scan3A_116#8, %get3A_109 : vector<16xf32>
    %add3A_140 = arith.addf %add3A_134, %mul3A_139 : vector<16xf32>
    %add3A_141 = arith.addf %add3A_135, %scan3A_116#8 : vector<16xf32>
    %get3A_142 = arith.constant 8 : i32
    %get3A_143 = arith.index_cast %get3A_142 : i32 to index
    %get3A_144 = arith.constant 0 : index
    %get3A_145 = tpu.vector_load %arg4[%get3A_143, %get3A_144] {strides = array<i32>} : memref<34x16xf32, #tpu.memory_space<vmem>>, vector<16xf32>,
    %get3A_146 = arith.constant 9 : i32
    %get3A_147 = arith.index_cast %get3A_146 : i32 to index
    %get3A_148 = arith.constant 0 : index
    %get3A_149 = tpu.vector_load %arg4[%get3A_147, %get3A_148] {strides = array<i32>} : memref<34x16xf32, #tpu.memory_space<vmem>>, vector<16xf32>,
    %get3A_150 = arith.constant 10 : i32
    %get3A_151 = arith.index_cast %get3A_150 : i32 to index
    %get3A_152 = arith.constant 0 : index
    %get3A_153 = tpu.vector_load %arg4[%get3A_151, %get3A_152] {strides = array<i32>} : memref<34x16xf32, #tpu.memory_space<vmem>>, vector<16xf32>,
    %get3A_154 = arith.constant 11 : i32
    %get3A_155 = arith.index_cast %get3A_154 : i32 to index
    %get3A_156 = arith.constant 0 : index
    %get3A_157 = tpu.vector_load %arg4[%get3A_155, %get3A_156] {strides = array<i32>} : memref<34x16xf32, #tpu.memory_space<vmem>>, vector<16xf32>,
    %get3A_158 = arith.constant 24 : i32
    %get3A_159 = arith.index_cast %get3A_158 : i32 to index
    %get3A_160 = arith.constant 0 : index
    %get3A_161 = tpu.vector_load %arg4[%get3A_159, %get3A_160] {strides = array<i32>} : memref<34x16xf32, #tpu.memory_space<vmem>>, vector<16xf32>,
    %get3A_162 = arith.constant 25 : i32
    %get3A_163 = arith.index_cast %get3A_162 : i32 to index
    %get3A_164 = arith.constant 0 : index
    %get3A_165 = tpu.vector_load %arg4[%get3A_163, %get3A_164] {strides = array<i32>} : memref<34x16xf32, #tpu.memory_space<vmem>>, vector<16xf32>,
    %get3A_166 = arith.constant 26 : i32
    %get3A_167 = arith.index_cast %get3A_166 : i32 to index
    %get3A_168 = arith.constant 0 : index
    %get3A_169 = tpu.vector_load %arg4[%get3A_167, %get3A_168] {strides = array<i32>} : memref<34x16xf32, #tpu.memory_space<vmem>>, vector<16xf32>,
    %get3A_170 = arith.constant 27 : i32
    %get3A_171 = arith.index_cast %get3A_170 : i32 to index
    %get3A_172 = arith.constant 0 : index
    %get3A_173 = tpu.vector_load %arg4[%get3A_171, %get3A_172] {strides = array<i32>} : memref<34x16xf32, #tpu.memory_space<vmem>>, vector<16xf32>,
    %add3A_174 = vector.broadcast %convert_element_type3A_13 : f32 to vector<16xf32>
    %add3A_175 = arith.addf %add3A_174, %convert_element_type3A : vector<16xf32>
    %scan3A_176 = arith.constant 0 : i32
    %scan3A_177 = arith.constant 8 : i32
    %scan3A_178 = arith.addi %scan3A_176, %scan3A_177 : i32
    %scan3A_179 = arith.constant 1 : i32
    %scan3A_180:9 = scf.for %scan3A_277 = %scan3A_176 to %scan3A_178 step %scan3A_179 iter_args(%scan3A_278 = %add3A_175, %scan3A_279 = %broadcast_in_dim3A_1, %scan3A_280 = %broadcast_in_dim3A_1, %scan3A_281 = %broadcast_in_dim3A_1, %scan3A_282 = %broadcast_in_dim3A_1, %scan3A_283 = %broadcast_in_dim3A_1, %scan3A_284 = %broadcast_in_dim3A_1, %scan3A_285 = %broadcast_in_dim3A_1, %scan3A_286 = %broadcast_in_dim3A_1) -> (vector<16xf32>, vector<16xf32>, vector<16xf32>, vector<16xf32>, vector<16xf32>, vector<16xf32>, vector<16xf32>, vector<16xf32>, vector<16xf32>)  : i32 {
      %add3A_287 = arith.addf %scan3A_278, %get3A_4 : vector<16xf32>
      %add3A_288 = arith.addf %add3A_287, %get3A_145 : vector<16xf32>
      %max3A = arith.constant 0.000000e+00 : f32
      %max3A_289 = vector.broadcast %max3A : f32 to vector<16xf32>
      %max3A_290 = arith.maximumf %add3A_288, %max3A_289 : vector<16xf32>
      %min3A = arith.constant 8.191000e+03 : f32
      %min3A_291 = vector.broadcast %min3A : f32 to vector<16xf32>
      %min3A_292 = arith.minimumf %max3A_290, %min3A_291 : vector<16xf32>
      %convert_element_type3A_293 = arith.fptosi %min3A_292 : vector<16xf32> to vector<16xi32>
      %convert_element_type3A_294 = arith.sitofp %convert_element_type3A_293 : vector<16xi32> to vector<16xf32>
      %sub3A = arith.subf %min3A_292, %convert_element_type3A_294 : vector<16xf32>
      %sub3A_295 = arith.constant 1.000000e+00 : f32
      %sub3A_296 = vector.broadcast %sub3A_295 : f32 to vector<16xf32>
      %sub3A_297 = arith.subf %sub3A_296, %sub3A : vector<16xf32>
      %le3A = arith.constant 0.000000e+00 : f32
      %le3A_298 = vector.broadcast %le3A : f32 to vector<16xf32>
      %le3A_299 = arith.cmpf ole, %add3A_288, %le3A_298 : vector<16xf32>
      %ge3A = arith.constant 8.191000e+03 : f32
      %ge3A_300 = vector.broadcast %ge3A : f32 to vector<16xf32>
      %ge3A_301 = arith.cmpf oge, %add3A_288, %ge3A_300 : vector<16xf32>
      %or3A = arith.ori %le3A_299, %ge3A_301 : vector<16xi1>
      %not3A = arith.constant dense<true> : vector<16xi1>
      %not3A_302 = arith.xori %or3A, %not3A : vector<16xi1>
      %add3A_303 = arith.constant 1 : i32
      %add3A_304 = vector.broadcast %add3A_303 : i32 to vector<16xi32>
      %add3A_305 = arith.addi %convert_element_type3A_293, %add3A_304 : vector<16xi32>
      %mul3A_306 = arith.mulf %sub3A_297, %get3A_161 : vector<16xf32>
      tpu.vector_store_idx %arg5[%convert_element_type3A_293], %mul3A_306 masked %not3A_302 {add = true} : memref<8448xf32, #tpu.memory_space<vmem>>[vector<16xi32>], vector<16xf32>, vector<16xi1>
      %mul3A_307 = arith.mulf %sub3A, %get3A_161 : vector<16xf32>
      tpu.vector_store_idx %arg5[%add3A_305], %mul3A_307 masked %not3A_302 {add = true} : memref<8448xf32, #tpu.memory_space<vmem>>[vector<16xi32>], vector<16xf32>, vector<16xi1>
      tpu.vector_store_idx %arg6[%convert_element_type3A_293], %sub3A_297 masked %not3A_302 {add = true} : memref<8448xf32, #tpu.memory_space<vmem>>[vector<16xi32>], vector<16xf32>, vector<16xi1>
      tpu.vector_store_idx %arg6[%add3A_305], %sub3A masked %not3A_302 {add = true} : memref<8448xf32, #tpu.memory_space<vmem>>[vector<16xi32>], vector<16xf32>, vector<16xi1>
      %jit3A = arith.constant 1.000000e+00 : f32
      %jit3A_308 = arith.constant 0.000000e+00 : f32
      %broadcast_in_dim3A_309 = vector.broadcast %jit3A : f32 to vector<16xf32>
      %broadcast_in_dim3A_310 = vector.broadcast %jit3A_308 : f32 to vector<16xf32>
      %select_n3A = arith.select %le3A_299, %broadcast_in_dim3A_309, %broadcast_in_dim3A_310 : vector<16xi1>, vector<16xf32>
      %add3A_311 = arith.addf %scan3A_279, %select_n3A : vector<16xf32>
      %jit3A_312 = arith.constant 1.000000e+00 : f32
      %jit3A_313 = arith.constant 0.000000e+00 : f32
      %broadcast_in_dim3A_314 = vector.broadcast %jit3A_312 : f32 to vector<16xf32>
      %broadcast_in_dim3A_315 = vector.broadcast %jit3A_313 : f32 to vector<16xf32>
      %select_n3A_316 = arith.select %ge3A_301, %broadcast_in_dim3A_314, %broadcast_in_dim3A_315 : vector<16xi1>, vector<16xf32>
      %add3A_317 = arith.addf %scan3A_280, %select_n3A_316 : vector<16xf32>
      %add3A_318 = arith.addf %scan3A_278, %get3A_4 : vector<16xf32>
      %add3A_319 = arith.addf %add3A_318, %get3A_149 : vector<16xf32>
      %max3A_320 = arith.constant 0.000000e+00 : f32
      %max3A_321 = vector.broadcast %max3A_320 : f32 to vector<16xf32>
      %max3A_322 = arith.maximumf %add3A_319, %max3A_321 : vector<16xf32>
      %min3A_323 = arith.constant 8.191000e+03 : f32
      %min3A_324 = vector.broadcast %min3A_323 : f32 to vector<16xf32>
      %min3A_325 = arith.minimumf %max3A_322, %min3A_324 : vector<16xf32>
      %convert_element_type3A_326 = arith.fptosi %min3A_325 : vector<16xf32> to vector<16xi32>
      %convert_element_type3A_327 = arith.sitofp %convert_element_type3A_326 : vector<16xi32> to vector<16xf32>
      %sub3A_328 = arith.subf %min3A_325, %convert_element_type3A_327 : vector<16xf32>
      %sub3A_329 = arith.constant 1.000000e+00 : f32
      %sub3A_330 = vector.broadcast %sub3A_329 : f32 to vector<16xf32>
      %sub3A_331 = arith.subf %sub3A_330, %sub3A_328 : vector<16xf32>
      %le3A_332 = arith.constant 0.000000e+00 : f32
      %le3A_333 = vector.broadcast %le3A_332 : f32 to vector<16xf32>
      %le3A_334 = arith.cmpf ole, %add3A_319, %le3A_333 : vector<16xf32>
      %ge3A_335 = arith.constant 8.191000e+03 : f32
      %ge3A_336 = vector.broadcast %ge3A_335 : f32 to vector<16xf32>
      %ge3A_337 = arith.cmpf oge, %add3A_319, %ge3A_336 : vector<16xf32>
      %or3A_338 = arith.ori %le3A_334, %ge3A_337 : vector<16xi1>
      %not3A_339 = arith.constant dense<true> : vector<16xi1>
      %not3A_340 = arith.xori %or3A_338, %not3A_339 : vector<16xi1>
      %add3A_341 = arith.constant 1 : i32
      %add3A_342 = vector.broadcast %add3A_341 : i32 to vector<16xi32>
      %add3A_343 = arith.addi %convert_element_type3A_326, %add3A_342 : vector<16xi32>
      %mul3A_344 = arith.mulf %sub3A_331, %get3A_165 : vector<16xf32>
      tpu.vector_store_idx %arg5[%convert_element_type3A_326], %mul3A_344 masked %not3A_340 {add = true} : memref<8448xf32, #tpu.memory_space<vmem>>[vector<16xi32>], vector<16xf32>, vector<16xi1>
      %mul3A_345 = arith.mulf %sub3A_328, %get3A_165 : vector<16xf32>
      tpu.vector_store_idx %arg5[%add3A_343], %mul3A_345 masked %not3A_340 {add = true} : memref<8448xf32, #tpu.memory_space<vmem>>[vector<16xi32>], vector<16xf32>, vector<16xi1>
      tpu.vector_store_idx %arg6[%convert_element_type3A_326], %sub3A_331 masked %not3A_340 {add = true} : memref<8448xf32, #tpu.memory_space<vmem>>[vector<16xi32>], vector<16xf32>, vector<16xi1>
      tpu.vector_store_idx %arg6[%add3A_343], %sub3A_328 masked %not3A_340 {add = true} : memref<8448xf32, #tpu.memory_space<vmem>>[vector<16xi32>], vector<16xf32>, vector<16xi1>
      %jit3A_346 = arith.constant 1.000000e+00 : f32
      %jit3A_347 = arith.constant 0.000000e+00 : f32
      %broadcast_in_dim3A_348 = vector.broadcast %jit3A_346 : f32 to vector<16xf32>
      %broadcast_in_dim3A_349 = vector.broadcast %jit3A_347 : f32 to vector<16xf32>
      %select_n3A_350 = arith.select %le3A_334, %broadcast_in_dim3A_348, %broadcast_in_dim3A_349 : vector<16xi1>, vector<16xf32>
      %add3A_351 = arith.addf %scan3A_281, %select_n3A_350 : vector<16xf32>
      %jit3A_352 = arith.constant 1.000000e+00 : f32
      %jit3A_353 = arith.constant 0.000000e+00 : f32
      %broadcast_in_dim3A_354 = vector.broadcast %jit3A_352 : f32 to vector<16xf32>
      %broadcast_in_dim3A_355 = vector.broadcast %jit3A_353 : f32 to vector<16xf32>
      %select_n3A_356 = arith.select %ge3A_337, %broadcast_in_dim3A_354, %broadcast_in_dim3A_355 : vector<16xi1>, vector<16xf32>
      %add3A_357 = arith.addf %scan3A_282, %select_n3A_356 : vector<16xf32>
      %add3A_358 = arith.addf %scan3A_278, %get3A_4 : vector<16xf32>
      %add3A_359 = arith.addf %add3A_358, %get3A_153 : vector<16xf32>
      %max3A_360 = arith.constant 0.000000e+00 : f32
      %max3A_361 = vector.broadcast %max3A_360 : f32 to vector<16xf32>
      %max3A_362 = arith.maximumf %add3A_359, %max3A_361 : vector<16xf32>
      %min3A_363 = arith.constant 8.191000e+03 : f32
      %min3A_364 = vector.broadcast %min3A_363 : f32 to vector<16xf32>
      %min3A_365 = arith.minimumf %max3A_362, %min3A_364 : vector<16xf32>
      %convert_element_type3A_366 = arith.fptosi %min3A_365 : vector<16xf32> to vector<16xi32>
      %convert_element_type3A_367 = arith.sitofp %convert_element_type3A_366 : vector<16xi32> to vector<16xf32>
      %sub3A_368 = arith.subf %min3A_365, %convert_element_type3A_367 : vector<16xf32>
      %sub3A_369 = arith.constant 1.000000e+00 : f32
      %sub3A_370 = vector.broadcast %sub3A_369 : f32 to vector<16xf32>
      %sub3A_371 = arith.subf %sub3A_370, %sub3A_368 : vector<16xf32>
      %le3A_372 = arith.constant 0.000000e+00 : f32
      %le3A_373 = vector.broadcast %le3A_372 : f32 to vector<16xf32>
      %le3A_374 = arith.cmpf ole, %add3A_359, %le3A_373 : vector<16xf32>
      %ge3A_375 = arith.constant 8.191000e+03 : f32
      %ge3A_376 = vector.broadcast %ge3A_375 : f32 to vector<16xf32>
      %ge3A_377 = arith.cmpf oge, %add3A_359, %ge3A_376 : vector<16xf32>
      %or3A_378 = arith.ori %le3A_374, %ge3A_377 : vector<16xi1>
      %not3A_379 = arith.constant dense<true> : vector<16xi1>
      %not3A_380 = arith.xori %or3A_378, %not3A_379 : vector<16xi1>
      %add3A_381 = arith.constant 1 : i32
      %add3A_382 = vector.broadcast %add3A_381 : i32 to vector<16xi32>
      %add3A_383 = arith.addi %convert_element_type3A_366, %add3A_382 : vector<16xi32>
      %mul3A_384 = arith.mulf %sub3A_371, %get3A_169 : vector<16xf32>
      tpu.vector_store_idx %arg5[%convert_element_type3A_366], %mul3A_384 masked %not3A_380 {add = true} : memref<8448xf32, #tpu.memory_space<vmem>>[vector<16xi32>], vector<16xf32>, vector<16xi1>
      %mul3A_385 = arith.mulf %sub3A_368, %get3A_169 : vector<16xf32>
      tpu.vector_store_idx %arg5[%add3A_383], %mul3A_385 masked %not3A_380 {add = true} : memref<8448xf32, #tpu.memory_space<vmem>>[vector<16xi32>], vector<16xf32>, vector<16xi1>
      tpu.vector_store_idx %arg6[%convert_element_type3A_366], %sub3A_371 masked %not3A_380 {add = true} : memref<8448xf32, #tpu.memory_space<vmem>>[vector<16xi32>], vector<16xf32>, vector<16xi1>
      tpu.vector_store_idx %arg6[%add3A_383], %sub3A_368 masked %not3A_380 {add = true} : memref<8448xf32, #tpu.memory_space<vmem>>[vector<16xi32>], vector<16xf32>, vector<16xi1>
      %jit3A_386 = arith.constant 1.000000e+00 : f32
      %jit3A_387 = arith.constant 0.000000e+00 : f32
      %broadcast_in_dim3A_388 = vector.broadcast %jit3A_386 : f32 to vector<16xf32>
      %broadcast_in_dim3A_389 = vector.broadcast %jit3A_387 : f32 to vector<16xf32>
      %select_n3A_390 = arith.select %le3A_374, %broadcast_in_dim3A_388, %broadcast_in_dim3A_389 : vector<16xi1>, vector<16xf32>
      %add3A_391 = arith.addf %scan3A_283, %select_n3A_390 : vector<16xf32>
      %jit3A_392 = arith.constant 1.000000e+00 : f32
      %jit3A_393 = arith.constant 0.000000e+00 : f32
      %broadcast_in_dim3A_394 = vector.broadcast %jit3A_392 : f32 to vector<16xf32>
      %broadcast_in_dim3A_395 = vector.broadcast %jit3A_393 : f32 to vector<16xf32>
      %select_n3A_396 = arith.select %ge3A_377, %broadcast_in_dim3A_394, %broadcast_in_dim3A_395 : vector<16xi1>, vector<16xf32>
      %add3A_397 = arith.addf %scan3A_284, %select_n3A_396 : vector<16xf32>
      %add3A_398 = arith.addf %scan3A_278, %get3A_4 : vector<16xf32>
      %add3A_399 = arith.addf %add3A_398, %get3A_157 : vector<16xf32>
      %max3A_400 = arith.constant 0.000000e+00 : f32
      %max3A_401 = vector.broadcast %max3A_400 : f32 to vector<16xf32>
      %max3A_402 = arith.maximumf %add3A_399, %max3A_401 : vector<16xf32>
      %min3A_403 = arith.constant 8.191000e+03 : f32
      %min3A_404 = vector.broadcast %min3A_403 : f32 to vector<16xf32>
      %min3A_405 = arith.minimumf %max3A_402, %min3A_404 : vector<16xf32>
      %convert_element_type3A_406 = arith.fptosi %min3A_405 : vector<16xf32> to vector<16xi32>
      %convert_element_type3A_407 = arith.sitofp %convert_element_type3A_406 : vector<16xi32> to vector<16xf32>
      %sub3A_408 = arith.subf %min3A_405, %convert_element_type3A_407 : vector<16xf32>
      %sub3A_409 = arith.constant 1.000000e+00 : f32
      %sub3A_410 = vector.broadcast %sub3A_409 : f32 to vector<16xf32>
      %sub3A_411 = arith.subf %sub3A_410, %sub3A_408 : vector<16xf32>
      %le3A_412 = arith.constant 0.000000e+00 : f32
      %le3A_413 = vector.broadcast %le3A_412 : f32 to vector<16xf32>
      %le3A_414 = arith.cmpf ole, %add3A_399, %le3A_413 : vector<16xf32>
      %ge3A_415 = arith.constant 8.191000e+03 : f32
      %ge3A_416 = vector.broadcast %ge3A_415 : f32 to vector<16xf32>
      %ge3A_417 = arith.cmpf oge, %add3A_399, %ge3A_416 : vector<16xf32>
      %or3A_418 = arith.ori %le3A_414, %ge3A_417 : vector<16xi1>
      %not3A_419 = arith.constant dense<true> : vector<16xi1>
      %not3A_420 = arith.xori %or3A_418, %not3A_419 : vector<16xi1>
      %add3A_421 = arith.constant 1 : i32
      %add3A_422 = vector.broadcast %add3A_421 : i32 to vector<16xi32>
      %add3A_423 = arith.addi %convert_element_type3A_406, %add3A_422 : vector<16xi32>
      %mul3A_424 = arith.mulf %sub3A_411, %get3A_173 : vector<16xf32>
      tpu.vector_store_idx %arg5[%convert_element_type3A_406], %mul3A_424 masked %not3A_420 {add = true} : memref<8448xf32, #tpu.memory_space<vmem>>[vector<16xi32>], vector<16xf32>, vector<16xi1>
      %mul3A_425 = arith.mulf %sub3A_408, %get3A_173 : vector<16xf32>
      tpu.vector_store_idx %arg5[%add3A_423], %mul3A_425 masked %not3A_420 {add = true} : memref<8448xf32, #tpu.memory_space<vmem>>[vector<16xi32>], vector<16xf32>, vector<16xi1>
      tpu.vector_store_idx %arg6[%convert_element_type3A_406], %sub3A_411 masked %not3A_420 {add = true} : memref<8448xf32, #tpu.memory_space<vmem>>[vector<16xi32>], vector<16xf32>, vector<16xi1>
      tpu.vector_store_idx %arg6[%add3A_423], %sub3A_408 masked %not3A_420 {add = true} : memref<8448xf32, #tpu.memory_space<vmem>>[vector<16xi32>], vector<16xf32>, vector<16xi1>
      %jit3A_426 = arith.constant 1.000000e+00 : f32
      %jit3A_427 = arith.constant 0.000000e+00 : f32
      %broadcast_in_dim3A_428 = vector.broadcast %jit3A_426 : f32 to vector<16xf32>
      %broadcast_in_dim3A_429 = vector.broadcast %jit3A_427 : f32 to vector<16xf32>
      %select_n3A_430 = arith.select %le3A_414, %broadcast_in_dim3A_428, %broadcast_in_dim3A_429 : vector<16xi1>, vector<16xf32>
      %add3A_431 = arith.addf %scan3A_285, %select_n3A_430 : vector<16xf32>
      %jit3A_432 = arith.constant 1.000000e+00 : f32
      %jit3A_433 = arith.constant 0.000000e+00 : f32
      %broadcast_in_dim3A_434 = vector.broadcast %jit3A_432 : f32 to vector<16xf32>
      %broadcast_in_dim3A_435 = vector.broadcast %jit3A_433 : f32 to vector<16xf32>
      %select_n3A_436 = arith.select %ge3A_417, %broadcast_in_dim3A_434, %broadcast_in_dim3A_435 : vector<16xi1>, vector<16xf32>
      %add3A_437 = arith.addf %scan3A_286, %select_n3A_436 : vector<16xf32>
      %add3A_438 = arith.constant 1.600000e+01 : f32
      %add3A_439 = vector.broadcast %add3A_438 : f32 to vector<16xf32>
      %add3A_440 = arith.addf %scan3A_278, %add3A_439 : vector<16xf32>
      %add3A_441 = arith.addf %add3A_440, %get3A_4 : vector<16xf32>
      %add3A_442 = arith.addf %add3A_441, %get3A_145 : vector<16xf32>
      %max3A_443 = arith.constant 0.000000e+00 : f32
      %max3A_444 = vector.broadcast %max3A_443 : f32 to vector<16xf32>
      %max3A_445 = arith.maximumf %add3A_442, %max3A_444 : vector<16xf32>
      %min3A_446 = arith.constant 8.191000e+03 : f32
      %min3A_447 = vector.broadcast %min3A_446 : f32 to vector<16xf32>
      %min3A_448 = arith.minimumf %max3A_445, %min3A_447 : vector<16xf32>
      %convert_element_type3A_449 = arith.fptosi %min3A_448 : vector<16xf32> to vector<16xi32>
      %convert_element_type3A_450 = arith.sitofp %convert_element_type3A_449 : vector<16xi32> to vector<16xf32>
      %sub3A_451 = arith.subf %min3A_448, %convert_element_type3A_450 : vector<16xf32>
      %sub3A_452 = arith.constant 1.000000e+00 : f32
      %sub3A_453 = vector.broadcast %sub3A_452 : f32 to vector<16xf32>
      %sub3A_454 = arith.subf %sub3A_453, %sub3A_451 : vector<16xf32>
      %le3A_455 = arith.constant 0.000000e+00 : f32
      %le3A_456 = vector.broadcast %le3A_455 : f32 to vector<16xf32>
      %le3A_457 = arith.cmpf ole, %add3A_442, %le3A_456 : vector<16xf32>
      %ge3A_458 = arith.constant 8.191000e+03 : f32
      %ge3A_459 = vector.broadcast %ge3A_458 : f32 to vector<16xf32>
      %ge3A_460 = arith.cmpf oge, %add3A_442, %ge3A_459 : vector<16xf32>
      %or3A_461 = arith.ori %le3A_457, %ge3A_460 : vector<16xi1>
      %not3A_462 = arith.constant dense<true> : vector<16xi1>
      %not3A_463 = arith.xori %or3A_461, %not3A_462 : vector<16xi1>
      %add3A_464 = arith.constant 1 : i32
      %add3A_465 = vector.broadcast %add3A_464 : i32 to vector<16xi32>
      %add3A_466 = arith.addi %convert_element_type3A_449, %add3A_465 : vector<16xi32>
      %mul3A_467 = arith.mulf %sub3A_454, %get3A_161 : vector<16xf32>
      tpu.vector_store_idx %arg5[%convert_element_type3A_449], %mul3A_467 masked %not3A_463 {add = true} : memref<8448xf32, #tpu.memory_space<vmem>>[vector<16xi32>], vector<16xf32>, vector<16xi1>
      %mul3A_468 = arith.mulf %sub3A_451, %get3A_161 : vector<16xf32>
      tpu.vector_store_idx %arg5[%add3A_466], %mul3A_468 masked %not3A_463 {add = true} : memref<8448xf32, #tpu.memory_space<vmem>>[vector<16xi32>], vector<16xf32>, vector<16xi1>
      tpu.vector_store_idx %arg6[%convert_element_type3A_449], %sub3A_454 masked %not3A_463 {add = true} : memref<8448xf32, #tpu.memory_space<vmem>>[vector<16xi32>], vector<16xf32>, vector<16xi1>
      tpu.vector_store_idx %arg6[%add3A_466], %sub3A_451 masked %not3A_463 {add = true} : memref<8448xf32, #tpu.memory_space<vmem>>[vector<16xi32>], vector<16xf32>, vector<16xi1>
      %jit3A_469 = arith.constant 1.000000e+00 : f32
      %jit3A_470 = arith.constant 0.000000e+00 : f32
      %broadcast_in_dim3A_471 = vector.broadcast %jit3A_469 : f32 to vector<16xf32>
      %broadcast_in_dim3A_472 = vector.broadcast %jit3A_470 : f32 to vector<16xf32>
      %select_n3A_473 = arith.select %le3A_457, %broadcast_in_dim3A_471, %broadcast_in_dim3A_472 : vector<16xi1>, vector<16xf32>
      %add3A_474 = arith.addf %add3A_311, %select_n3A_473 : vector<16xf32>
      %jit3A_475 = arith.constant 1.000000e+00 : f32
      %jit3A_476 = arith.constant 0.000000e+00 : f32
      %broadcast_in_dim3A_477 = vector.broadcast %jit3A_475 : f32 to vector<16xf32>
      %broadcast_in_dim3A_478 = vector.broadcast %jit3A_476 : f32 to vector<16xf32>
      %select_n3A_479 = arith.select %ge3A_460, %broadcast_in_dim3A_477, %broadcast_in_dim3A_478 : vector<16xi1>, vector<16xf32>
      %add3A_480 = arith.addf %add3A_317, %select_n3A_479 : vector<16xf32>
      %add3A_481 = arith.addf %add3A_440, %get3A_4 : vector<16xf32>
      %add3A_482 = arith.addf %add3A_481, %get3A_149 : vector<16xf32>
      %max3A_483 = arith.constant 0.000000e+00 : f32
      %max3A_484 = vector.broadcast %max3A_483 : f32 to vector<16xf32>
      %max3A_485 = arith.maximumf %add3A_482, %max3A_484 : vector<16xf32>
      %min3A_486 = arith.constant 8.191000e+03 : f32
      %min3A_487 = vector.broadcast %min3A_486 : f32 to vector<16xf32>
      %min3A_488 = arith.minimumf %max3A_485, %min3A_487 : vector<16xf32>
      %convert_element_type3A_489 = arith.fptosi %min3A_488 : vector<16xf32> to vector<16xi32>
      %convert_element_type3A_490 = arith.sitofp %convert_element_type3A_489 : vector<16xi32> to vector<16xf32>
      %sub3A_491 = arith.subf %min3A_488, %convert_element_type3A_490 : vector<16xf32>
      %sub3A_492 = arith.constant 1.000000e+00 : f32
      %sub3A_493 = vector.broadcast %sub3A_492 : f32 to vector<16xf32>
      %sub3A_494 = arith.subf %sub3A_493, %sub3A_491 : vector<16xf32>
      %le3A_495 = arith.constant 0.000000e+00 : f32
      %le3A_496 = vector.broadcast %le3A_495 : f32 to vector<16xf32>
      %le3A_497 = arith.cmpf ole, %add3A_482, %le3A_496 : vector<16xf32>
      %ge3A_498 = arith.constant 8.191000e+03 : f32
      %ge3A_499 = vector.broadcast %ge3A_498 : f32 to vector<16xf32>
      %ge3A_500 = arith.cmpf oge, %add3A_482, %ge3A_499 : vector<16xf32>
      %or3A_501 = arith.ori %le3A_497, %ge3A_500 : vector<16xi1>
      %not3A_502 = arith.constant dense<true> : vector<16xi1>
      %not3A_503 = arith.xori %or3A_501, %not3A_502 : vector<16xi1>
      %add3A_504 = arith.constant 1 : i32
      %add3A_505 = vector.broadcast %add3A_504 : i32 to vector<16xi32>
      %add3A_506 = arith.addi %convert_element_type3A_489, %add3A_505 : vector<16xi32>
      %mul3A_507 = arith.mulf %sub3A_494, %get3A_165 : vector<16xf32>
      tpu.vector_store_idx %arg5[%convert_element_type3A_489], %mul3A_507 masked %not3A_503 {add = true} : memref<8448xf32, #tpu.memory_space<vmem>>[vector<16xi32>], vector<16xf32>, vector<16xi1>
      %mul3A_508 = arith.mulf %sub3A_491, %get3A_165 : vector<16xf32>
      tpu.vector_store_idx %arg5[%add3A_506], %mul3A_508 masked %not3A_503 {add = true} : memref<8448xf32, #tpu.memory_space<vmem>>[vector<16xi32>], vector<16xf32>, vector<16xi1>
      tpu.vector_store_idx %arg6[%convert_element_type3A_489], %sub3A_494 masked %not3A_503 {add = true} : memref<8448xf32, #tpu.memory_space<vmem>>[vector<16xi32>], vector<16xf32>, vector<16xi1>
      tpu.vector_store_idx %arg6[%add3A_506], %sub3A_491 masked %not3A_503 {add = true} : memref<8448xf32, #tpu.memory_space<vmem>>[vector<16xi32>], vector<16xf32>, vector<16xi1>
      %jit3A_509 = arith.constant 1.000000e+00 : f32
      %jit3A_510 = arith.constant 0.000000e+00 : f32
      %broadcast_in_dim3A_511 = vector.broadcast %jit3A_509 : f32 to vector<16xf32>
      %broadcast_in_dim3A_512 = vector.broadcast %jit3A_510 : f32 to vector<16xf32>
      %select_n3A_513 = arith.select %le3A_497, %broadcast_in_dim3A_511, %broadcast_in_dim3A_512 : vector<16xi1>, vector<16xf32>
      %add3A_514 = arith.addf %add3A_351, %select_n3A_513 : vector<16xf32>
      %jit3A_515 = arith.constant 1.000000e+00 : f32
      %jit3A_516 = arith.constant 0.000000e+00 : f32
      %broadcast_in_dim3A_517 = vector.broadcast %jit3A_515 : f32 to vector<16xf32>
      %broadcast_in_dim3A_518 = vector.broadcast %jit3A_516 : f32 to vector<16xf32>
      %select_n3A_519 = arith.select %ge3A_500, %broadcast_in_dim3A_517, %broadcast_in_dim3A_518 : vector<16xi1>, vector<16xf32>
      %add3A_520 = arith.addf %add3A_357, %select_n3A_519 : vector<16xf32>
      %add3A_521 = arith.addf %add3A_440, %get3A_4 : vector<16xf32>
      %add3A_522 = arith.addf %add3A_521, %get3A_153 : vector<16xf32>
      %max3A_523 = arith.constant 0.000000e+00 : f32
      %max3A_524 = vector.broadcast %max3A_523 : f32 to vector<16xf32>
      %max3A_525 = arith.maximumf %add3A_522, %max3A_524 : vector<16xf32>
      %min3A_526 = arith.constant 8.191000e+03 : f32
      %min3A_527 = vector.broadcast %min3A_526 : f32 to vector<16xf32>
      %min3A_528 = arith.minimumf %max3A_525, %min3A_527 : vector<16xf32>
      %convert_element_type3A_529 = arith.fptosi %min3A_528 : vector<16xf32> to vector<16xi32>
      %convert_element_type3A_530 = arith.sitofp %convert_element_type3A_529 : vector<16xi32> to vector<16xf32>
      %sub3A_531 = arith.subf %min3A_528, %convert_element_type3A_530 : vector<16xf32>
      %sub3A_532 = arith.constant 1.000000e+00 : f32
      %sub3A_533 = vector.broadcast %sub3A_532 : f32 to vector<16xf32>
      %sub3A_534 = arith.subf %sub3A_533, %sub3A_531 : vector<16xf32>
      %le3A_535 = arith.constant 0.000000e+00 : f32
      %le3A_536 = vector.broadcast %le3A_535 : f32 to vector<16xf32>
      %le3A_537 = arith.cmpf ole, %add3A_522, %le3A_536 : vector<16xf32>
      %ge3A_538 = arith.constant 8.191000e+03 : f32
      %ge3A_539 = vector.broadcast %ge3A_538 : f32 to vector<16xf32>
      %ge3A_540 = arith.cmpf oge, %add3A_522, %ge3A_539 : vector<16xf32>
      %or3A_541 = arith.ori %le3A_537, %ge3A_540 : vector<16xi1>
      %not3A_542 = arith.constant dense<true> : vector<16xi1>
      %not3A_543 = arith.xori %or3A_541, %not3A_542 : vector<16xi1>
      %add3A_544 = arith.constant 1 : i32
      %add3A_545 = vector.broadcast %add3A_544 : i32 to vector<16xi32>
      %add3A_546 = arith.addi %convert_element_type3A_529, %add3A_545 : vector<16xi32>
      %mul3A_547 = arith.mulf %sub3A_534, %get3A_169 : vector<16xf32>
      tpu.vector_store_idx %arg5[%convert_element_type3A_529], %mul3A_547 masked %not3A_543 {add = true} : memref<8448xf32, #tpu.memory_space<vmem>>[vector<16xi32>], vector<16xf32>, vector<16xi1>
      %mul3A_548 = arith.mulf %sub3A_531, %get3A_169 : vector<16xf32>
      tpu.vector_store_idx %arg5[%add3A_546], %mul3A_548 masked %not3A_543 {add = true} : memref<8448xf32, #tpu.memory_space<vmem>>[vector<16xi32>], vector<16xf32>, vector<16xi1>
      tpu.vector_store_idx %arg6[%convert_element_type3A_529], %sub3A_534 masked %not3A_543 {add = true} : memref<8448xf32, #tpu.memory_space<vmem>>[vector<16xi32>], vector<16xf32>, vector<16xi1>
      tpu.vector_store_idx %arg6[%add3A_546], %sub3A_531 masked %not3A_543 {add = true} : memref<8448xf32, #tpu.memory_space<vmem>>[vector<16xi32>], vector<16xf32>, vector<16xi1>
      %jit3A_549 = arith.constant 1.000000e+00 : f32
      %jit3A_550 = arith.constant 0.000000e+00 : f32
      %broadcast_in_dim3A_551 = vector.broadcast %jit3A_549 : f32 to vector<16xf32>
      %broadcast_in_dim3A_552 = vector.broadcast %jit3A_550 : f32 to vector<16xf32>
      %select_n3A_553 = arith.select %le3A_537, %broadcast_in_dim3A_551, %broadcast_in_dim3A_552 : vector<16xi1>, vector<16xf32>
      %add3A_554 = arith.addf %add3A_391, %select_n3A_553 : vector<16xf32>
      %jit3A_555 = arith.constant 1.000000e+00 : f32
      %jit3A_556 = arith.constant 0.000000e+00 : f32
      %broadcast_in_dim3A_557 = vector.broadcast %jit3A_555 : f32 to vector<16xf32>
      %broadcast_in_dim3A_558 = vector.broadcast %jit3A_556 : f32 to vector<16xf32>
      %select_n3A_559 = arith.select %ge3A_540, %broadcast_in_dim3A_557, %broadcast_in_dim3A_558 : vector<16xi1>, vector<16xf32>
      %add3A_560 = arith.addf %add3A_397, %select_n3A_559 : vector<16xf32>
      %add3A_561 = arith.addf %add3A_440, %get3A_4 : vector<16xf32>
      %add3A_562 = arith.addf %add3A_561, %get3A_157 : vector<16xf32>
      %max3A_563 = arith.constant 0.000000e+00 : f32
      %max3A_564 = vector.broadcast %max3A_563 : f32 to vector<16xf32>
      %max3A_565 = arith.maximumf %add3A_562, %max3A_564 : vector<16xf32>
      %min3A_566 = arith.constant 8.191000e+03 : f32
      %min3A_567 = vector.broadcast %min3A_566 : f32 to vector<16xf32>
      %min3A_568 = arith.minimumf %max3A_565, %min3A_567 : vector<16xf32>
      %convert_element_type3A_569 = arith.fptosi %min3A_568 : vector<16xf32> to vector<16xi32>
      %convert_element_type3A_570 = arith.sitofp %convert_element_type3A_569 : vector<16xi32> to vector<16xf32>
      %sub3A_571 = arith.subf %min3A_568, %convert_element_type3A_570 : vector<16xf32>
      %sub3A_572 = arith.constant 1.000000e+00 : f32
      %sub3A_573 = vector.broadcast %sub3A_572 : f32 to vector<16xf32>
      %sub3A_574 = arith.subf %sub3A_573, %sub3A_571 : vector<16xf32>
      %le3A_575 = arith.constant 0.000000e+00 : f32
      %le3A_576 = vector.broadcast %le3A_575 : f32 to vector<16xf32>
      %le3A_577 = arith.cmpf ole, %add3A_562, %le3A_576 : vector<16xf32>
      %ge3A_578 = arith.constant 8.191000e+03 : f32
      %ge3A_579 = vector.broadcast %ge3A_578 : f32 to vector<16xf32>
      %ge3A_580 = arith.cmpf oge, %add3A_562, %ge3A_579 : vector<16xf32>
      %or3A_581 = arith.ori %le3A_577, %ge3A_580 : vector<16xi1>
      %not3A_582 = arith.constant dense<true> : vector<16xi1>
      %not3A_583 = arith.xori %or3A_581, %not3A_582 : vector<16xi1>
      %add3A_584 = arith.constant 1 : i32
      %add3A_585 = vector.broadcast %add3A_584 : i32 to vector<16xi32>
      %add3A_586 = arith.addi %convert_element_type3A_569, %add3A_585 : vector<16xi32>
      %mul3A_587 = arith.mulf %sub3A_574, %get3A_173 : vector<16xf32>
      tpu.vector_store_idx %arg5[%convert_element_type3A_569], %mul3A_587 masked %not3A_583 {add = true} : memref<8448xf32, #tpu.memory_space<vmem>>[vector<16xi32>], vector<16xf32>, vector<16xi1>
      %mul3A_588 = arith.mulf %sub3A_571, %get3A_173 : vector<16xf32>
      tpu.vector_store_idx %arg5[%add3A_586], %mul3A_588 masked %not3A_583 {add = true} : memref<8448xf32, #tpu.memory_space<vmem>>[vector<16xi32>], vector<16xf32>, vector<16xi1>
      tpu.vector_store_idx %arg6[%convert_element_type3A_569], %sub3A_574 masked %not3A_583 {add = true} : memref<8448xf32, #tpu.memory_space<vmem>>[vector<16xi32>], vector<16xf32>, vector<16xi1>
      tpu.vector_store_idx %arg6[%add3A_586], %sub3A_571 masked %not3A_583 {add = true} : memref<8448xf32, #tpu.memory_space<vmem>>[vector<16xi32>], vector<16xf32>, vector<16xi1>
      %jit3A_589 = arith.constant 1.000000e+00 : f32
      %jit3A_590 = arith.constant 0.000000e+00 : f32
      %broadcast_in_dim3A_591 = vector.broadcast %jit3A_589 : f32 to vector<16xf32>
      %broadcast_in_dim3A_592 = vector.broadcast %jit3A_590 : f32 to vector<16xf32>
      %select_n3A_593 = arith.select %le3A_577, %broadcast_in_dim3A_591, %broadcast_in_dim3A_592 : vector<16xi1>, vector<16xf32>
      %add3A_594 = arith.addf %add3A_431, %select_n3A_593 : vector<16xf32>
      %jit3A_595 = arith.constant 1.000000e+00 : f32
      %jit3A_596 = arith.constant 0.000000e+00 : f32
      %broadcast_in_dim3A_597 = vector.broadcast %jit3A_595 : f32 to vector<16xf32>
      %broadcast_in_dim3A_598 = vector.broadcast %jit3A_596 : f32 to vector<16xf32>
      %select_n3A_599 = arith.select %ge3A_580, %broadcast_in_dim3A_597, %broadcast_in_dim3A_598 : vector<16xi1>, vector<16xf32>
      %add3A_600 = arith.addf %add3A_437, %select_n3A_599 : vector<16xf32>
      %add3A_601 = arith.constant 1.600000e+01 : f32
      %add3A_602 = vector.broadcast %add3A_601 : f32 to vector<16xf32>
      %add3A_603 = arith.addf %add3A_440, %add3A_602 : vector<16xf32>
      scf.yield %add3A_603, %add3A_474, %add3A_480, %add3A_514, %add3A_520, %add3A_554, %add3A_560, %add3A_594, %add3A_600 : vector<16xf32>, vector<16xf32>, vector<16xf32>, vector<16xf32>, vector<16xf32>, vector<16xf32>, vector<16xf32>, vector<16xf32>, vector<16xf32>
    }
    %scan3A_181 = arith.constant 8 : i32
    %mul3A_182 = arith.mulf %scan3A_180#1, %get3A_161 : vector<16xf32>
    %add3A_183 = arith.addf %add3A_137, %mul3A_182 : vector<16xf32>
    %add3A_184 = arith.addf %add3A_138, %scan3A_180#1 : vector<16xf32>
    %mul3A_185 = arith.mulf %scan3A_180#2, %get3A_161 : vector<16xf32>
    %add3A_186 = arith.addf %add3A_140, %mul3A_185 : vector<16xf32>
    %add3A_187 = arith.addf %add3A_141, %scan3A_180#2 : vector<16xf32>
    %mul3A_188 = arith.mulf %scan3A_180#3, %get3A_165 : vector<16xf32>
    %add3A_189 = arith.addf %add3A_183, %mul3A_188 : vector<16xf32>
    %add3A_190 = arith.addf %add3A_184, %scan3A_180#3 : vector<16xf32>
    %mul3A_191 = arith.mulf %scan3A_180#4, %get3A_165 : vector<16xf32>
    %add3A_192 = arith.addf %add3A_186, %mul3A_191 : vector<16xf32>
    %add3A_193 = arith.addf %add3A_187, %scan3A_180#4 : vector<16xf32>
    %mul3A_194 = arith.mulf %scan3A_180#5, %get3A_169 : vector<16xf32>
    %add3A_195 = arith.addf %add3A_189, %mul3A_194 : vector<16xf32>
    %add3A_196 = arith.addf %add3A_190, %scan3A_180#5 : vector<16xf32>
    %mul3A_197 = arith.mulf %scan3A_180#6, %get3A_169 : vector<16xf32>
    %add3A_198 = arith.addf %add3A_192, %mul3A_197 : vector<16xf32>
    %add3A_199 = arith.addf %add3A_193, %scan3A_180#6 : vector<16xf32>
    %mul3A_200 = arith.mulf %scan3A_180#7, %get3A_173 : vector<16xf32>
    %add3A_201 = arith.addf %add3A_195, %mul3A_200 : vector<16xf32>
    %add3A_202 = arith.addf %add3A_196, %scan3A_180#7 : vector<16xf32>
    %mul3A_203 = arith.mulf %scan3A_180#8, %get3A_173 : vector<16xf32>
    %add3A_204 = arith.addf %add3A_198, %mul3A_203 : vector<16xf32>
    %add3A_205 = arith.addf %add3A_199, %scan3A_180#8 : vector<16xf32>
    %get3A_206 = arith.constant 12 : i32
    %get3A_207 = arith.index_cast %get3A_206 : i32 to index
    %get3A_208 = arith.constant 0 : index
    %get3A_209 = tpu.vector_load %arg4[%get3A_207, %get3A_208] {strides = array<i32>} : memref<34x16xf32, #tpu.memory_space<vmem>>, vector<16xf32>,
    %get3A_210 = arith.constant 13 : i32
    %get3A_211 = arith.index_cast %get3A_210 : i32 to index
    %get3A_212 = arith.constant 0 : index
    %get3A_213 = tpu.vector_load %arg4[%get3A_211, %get3A_212] {strides = array<i32>} : memref<34x16xf32, #tpu.memory_space<vmem>>, vector<16xf32>,
    %get3A_214 = arith.constant 14 : i32
    %get3A_215 = arith.index_cast %get3A_214 : i32 to index
    %get3A_216 = arith.constant 0 : index
    %get3A_217 = tpu.vector_load %arg4[%get3A_215, %get3A_216] {strides = array<i32>} : memref<34x16xf32, #tpu.memory_space<vmem>>, vector<16xf32>,
    %get3A_218 = arith.constant 15 : i32
    %get3A_219 = arith.index_cast %get3A_218 : i32 to index
    %get3A_220 = arith.constant 0 : index
    %get3A_221 = tpu.vector_load %arg4[%get3A_219, %get3A_220] {strides = array<i32>} : memref<34x16xf32, #tpu.memory_space<vmem>>, vector<16xf32>,
    %get3A_222 = arith.constant 28 : i32
    %get3A_223 = arith.index_cast %get3A_222 : i32 to index
    %get3A_224 = arith.constant 0 : index
    %get3A_225 = tpu.vector_load %arg4[%get3A_223, %get3A_224] {strides = array<i32>} : memref<34x16xf32, #tpu.memory_space<vmem>>, vector<16xf32>,
    %get3A_226 = arith.constant 29 : i32
    %get3A_227 = arith.index_cast %get3A_226 : i32 to index
    %get3A_228 = arith.constant 0 : index
    %get3A_229 = tpu.vector_load %arg4[%get3A_227, %get3A_228] {strides = array<i32>} : memref<34x16xf32, #tpu.memory_space<vmem>>, vector<16xf32>,
    %get3A_230 = arith.constant 30 : i32
    %get3A_231 = arith.index_cast %get3A_230 : i32 to index
    %get3A_232 = arith.constant 0 : index
    %get3A_233 = tpu.vector_load %arg4[%get3A_231, %get3A_232] {strides = array<i32>} : memref<34x16xf32, #tpu.memory_space<vmem>>, vector<16xf32>,
    %get3A_234 = arith.constant 31 : i32
    %get3A_235 = arith.index_cast %get3A_234 : i32 to index
    %get3A_236 = arith.constant 0 : index
    %get3A_237 = tpu.vector_load %arg4[%get3A_235, %get3A_236] {strides = array<i32>} : memref<34x16xf32, #tpu.memory_space<vmem>>, vector<16xf32>,
    %add3A_238 = vector.broadcast %convert_element_type3A_13 : f32 to vector<16xf32>
    %add3A_239 = arith.addf %add3A_238, %convert_element_type3A : vector<16xf32>
    %scan3A_240 = arith.constant 0 : i32
    %scan3A_241 = arith.constant 8 : i32
    %scan3A_242 = arith.addi %scan3A_240, %scan3A_241 : i32
    %scan3A_243 = arith.constant 1 : i32
    %scan3A_244:9 = scf.for %scan3A_277 = %scan3A_240 to %scan3A_242 step %scan3A_243 iter_args(%scan3A_278 = %add3A_239, %scan3A_279 = %broadcast_in_dim3A_1, %scan3A_280 = %broadcast_in_dim3A_1, %scan3A_281 = %broadcast_in_dim3A_1, %scan3A_282 = %broadcast_in_dim3A_1, %scan3A_283 = %broadcast_in_dim3A_1, %scan3A_284 = %broadcast_in_dim3A_1, %scan3A_285 = %broadcast_in_dim3A_1, %scan3A_286 = %broadcast_in_dim3A_1) -> (vector<16xf32>, vector<16xf32>, vector<16xf32>, vector<16xf32>, vector<16xf32>, vector<16xf32>, vector<16xf32>, vector<16xf32>, vector<16xf32>)  : i32 {
      %add3A_287 = arith.addf %scan3A_278, %get3A_4 : vector<16xf32>
      %add3A_288 = arith.addf %add3A_287, %get3A_209 : vector<16xf32>
      %max3A = arith.constant 0.000000e+00 : f32
      %max3A_289 = vector.broadcast %max3A : f32 to vector<16xf32>
      %max3A_290 = arith.maximumf %add3A_288, %max3A_289 : vector<16xf32>
      %min3A = arith.constant 8.191000e+03 : f32
      %min3A_291 = vector.broadcast %min3A : f32 to vector<16xf32>
      %min3A_292 = arith.minimumf %max3A_290, %min3A_291 : vector<16xf32>
      %convert_element_type3A_293 = arith.fptosi %min3A_292 : vector<16xf32> to vector<16xi32>
      %convert_element_type3A_294 = arith.sitofp %convert_element_type3A_293 : vector<16xi32> to vector<16xf32>
      %sub3A = arith.subf %min3A_292, %convert_element_type3A_294 : vector<16xf32>
      %sub3A_295 = arith.constant 1.000000e+00 : f32
      %sub3A_296 = vector.broadcast %sub3A_295 : f32 to vector<16xf32>
      %sub3A_297 = arith.subf %sub3A_296, %sub3A : vector<16xf32>
      %le3A = arith.constant 0.000000e+00 : f32
      %le3A_298 = vector.broadcast %le3A : f32 to vector<16xf32>
      %le3A_299 = arith.cmpf ole, %add3A_288, %le3A_298 : vector<16xf32>
      %ge3A = arith.constant 8.191000e+03 : f32
      %ge3A_300 = vector.broadcast %ge3A : f32 to vector<16xf32>
      %ge3A_301 = arith.cmpf oge, %add3A_288, %ge3A_300 : vector<16xf32>
      %or3A = arith.ori %le3A_299, %ge3A_301 : vector<16xi1>
      %not3A = arith.constant dense<true> : vector<16xi1>
      %not3A_302 = arith.xori %or3A, %not3A : vector<16xi1>
      %add3A_303 = arith.constant 1 : i32
      %add3A_304 = vector.broadcast %add3A_303 : i32 to vector<16xi32>
      %add3A_305 = arith.addi %convert_element_type3A_293, %add3A_304 : vector<16xi32>
      %mul3A_306 = arith.mulf %sub3A_297, %get3A_225 : vector<16xf32>
      tpu.vector_store_idx %arg5[%convert_element_type3A_293], %mul3A_306 masked %not3A_302 {add = true} : memref<8448xf32, #tpu.memory_space<vmem>>[vector<16xi32>], vector<16xf32>, vector<16xi1>
      %mul3A_307 = arith.mulf %sub3A, %get3A_225 : vector<16xf32>
      tpu.vector_store_idx %arg5[%add3A_305], %mul3A_307 masked %not3A_302 {add = true} : memref<8448xf32, #tpu.memory_space<vmem>>[vector<16xi32>], vector<16xf32>, vector<16xi1>
      tpu.vector_store_idx %arg6[%convert_element_type3A_293], %sub3A_297 masked %not3A_302 {add = true} : memref<8448xf32, #tpu.memory_space<vmem>>[vector<16xi32>], vector<16xf32>, vector<16xi1>
      tpu.vector_store_idx %arg6[%add3A_305], %sub3A masked %not3A_302 {add = true} : memref<8448xf32, #tpu.memory_space<vmem>>[vector<16xi32>], vector<16xf32>, vector<16xi1>
      %jit3A = arith.constant 1.000000e+00 : f32
      %jit3A_308 = arith.constant 0.000000e+00 : f32
      %broadcast_in_dim3A_309 = vector.broadcast %jit3A : f32 to vector<16xf32>
      %broadcast_in_dim3A_310 = vector.broadcast %jit3A_308 : f32 to vector<16xf32>
      %select_n3A = arith.select %le3A_299, %broadcast_in_dim3A_309, %broadcast_in_dim3A_310 : vector<16xi1>, vector<16xf32>
      %add3A_311 = arith.addf %scan3A_279, %select_n3A : vector<16xf32>
      %jit3A_312 = arith.constant 1.000000e+00 : f32
      %jit3A_313 = arith.constant 0.000000e+00 : f32
      %broadcast_in_dim3A_314 = vector.broadcast %jit3A_312 : f32 to vector<16xf32>
      %broadcast_in_dim3A_315 = vector.broadcast %jit3A_313 : f32 to vector<16xf32>
      %select_n3A_316 = arith.select %ge3A_301, %broadcast_in_dim3A_314, %broadcast_in_dim3A_315 : vector<16xi1>, vector<16xf32>
      %add3A_317 = arith.addf %scan3A_280, %select_n3A_316 : vector<16xf32>
      %add3A_318 = arith.addf %scan3A_278, %get3A_4 : vector<16xf32>
      %add3A_319 = arith.addf %add3A_318, %get3A_213 : vector<16xf32>
      %max3A_320 = arith.constant 0.000000e+00 : f32
      %max3A_321 = vector.broadcast %max3A_320 : f32 to vector<16xf32>
      %max3A_322 = arith.maximumf %add3A_319, %max3A_321 : vector<16xf32>
      %min3A_323 = arith.constant 8.191000e+03 : f32
      %min3A_324 = vector.broadcast %min3A_323 : f32 to vector<16xf32>
      %min3A_325 = arith.minimumf %max3A_322, %min3A_324 : vector<16xf32>
      %convert_element_type3A_326 = arith.fptosi %min3A_325 : vector<16xf32> to vector<16xi32>
      %convert_element_type3A_327 = arith.sitofp %convert_element_type3A_326 : vector<16xi32> to vector<16xf32>
      %sub3A_328 = arith.subf %min3A_325, %convert_element_type3A_327 : vector<16xf32>
      %sub3A_329 = arith.constant 1.000000e+00 : f32
      %sub3A_330 = vector.broadcast %sub3A_329 : f32 to vector<16xf32>
      %sub3A_331 = arith.subf %sub3A_330, %sub3A_328 : vector<16xf32>
      %le3A_332 = arith.constant 0.000000e+00 : f32
      %le3A_333 = vector.broadcast %le3A_332 : f32 to vector<16xf32>
      %le3A_334 = arith.cmpf ole, %add3A_319, %le3A_333 : vector<16xf32>
      %ge3A_335 = arith.constant 8.191000e+03 : f32
      %ge3A_336 = vector.broadcast %ge3A_335 : f32 to vector<16xf32>
      %ge3A_337 = arith.cmpf oge, %add3A_319, %ge3A_336 : vector<16xf32>
      %or3A_338 = arith.ori %le3A_334, %ge3A_337 : vector<16xi1>
      %not3A_339 = arith.constant dense<true> : vector<16xi1>
      %not3A_340 = arith.xori %or3A_338, %not3A_339 : vector<16xi1>
      %add3A_341 = arith.constant 1 : i32
      %add3A_342 = vector.broadcast %add3A_341 : i32 to vector<16xi32>
      %add3A_343 = arith.addi %convert_element_type3A_326, %add3A_342 : vector<16xi32>
      %mul3A_344 = arith.mulf %sub3A_331, %get3A_229 : vector<16xf32>
      tpu.vector_store_idx %arg5[%convert_element_type3A_326], %mul3A_344 masked %not3A_340 {add = true} : memref<8448xf32, #tpu.memory_space<vmem>>[vector<16xi32>], vector<16xf32>, vector<16xi1>
      %mul3A_345 = arith.mulf %sub3A_328, %get3A_229 : vector<16xf32>
      tpu.vector_store_idx %arg5[%add3A_343], %mul3A_345 masked %not3A_340 {add = true} : memref<8448xf32, #tpu.memory_space<vmem>>[vector<16xi32>], vector<16xf32>, vector<16xi1>
      tpu.vector_store_idx %arg6[%convert_element_type3A_326], %sub3A_331 masked %not3A_340 {add = true} : memref<8448xf32, #tpu.memory_space<vmem>>[vector<16xi32>], vector<16xf32>, vector<16xi1>
      tpu.vector_store_idx %arg6[%add3A_343], %sub3A_328 masked %not3A_340 {add = true} : memref<8448xf32, #tpu.memory_space<vmem>>[vector<16xi32>], vector<16xf32>, vector<16xi1>
      %jit3A_346 = arith.constant 1.000000e+00 : f32
      %jit3A_347 = arith.constant 0.000000e+00 : f32
      %broadcast_in_dim3A_348 = vector.broadcast %jit3A_346 : f32 to vector<16xf32>
      %broadcast_in_dim3A_349 = vector.broadcast %jit3A_347 : f32 to vector<16xf32>
      %select_n3A_350 = arith.select %le3A_334, %broadcast_in_dim3A_348, %broadcast_in_dim3A_349 : vector<16xi1>, vector<16xf32>
      %add3A_351 = arith.addf %scan3A_281, %select_n3A_350 : vector<16xf32>
      %jit3A_352 = arith.constant 1.000000e+00 : f32
      %jit3A_353 = arith.constant 0.000000e+00 : f32
      %broadcast_in_dim3A_354 = vector.broadcast %jit3A_352 : f32 to vector<16xf32>
      %broadcast_in_dim3A_355 = vector.broadcast %jit3A_353 : f32 to vector<16xf32>
      %select_n3A_356 = arith.select %ge3A_337, %broadcast_in_dim3A_354, %broadcast_in_dim3A_355 : vector<16xi1>, vector<16xf32>
      %add3A_357 = arith.addf %scan3A_282, %select_n3A_356 : vector<16xf32>
      %add3A_358 = arith.addf %scan3A_278, %get3A_4 : vector<16xf32>
      %add3A_359 = arith.addf %add3A_358, %get3A_217 : vector<16xf32>
      %max3A_360 = arith.constant 0.000000e+00 : f32
      %max3A_361 = vector.broadcast %max3A_360 : f32 to vector<16xf32>
      %max3A_362 = arith.maximumf %add3A_359, %max3A_361 : vector<16xf32>
      %min3A_363 = arith.constant 8.191000e+03 : f32
      %min3A_364 = vector.broadcast %min3A_363 : f32 to vector<16xf32>
      %min3A_365 = arith.minimumf %max3A_362, %min3A_364 : vector<16xf32>
      %convert_element_type3A_366 = arith.fptosi %min3A_365 : vector<16xf32> to vector<16xi32>
      %convert_element_type3A_367 = arith.sitofp %convert_element_type3A_366 : vector<16xi32> to vector<16xf32>
      %sub3A_368 = arith.subf %min3A_365, %convert_element_type3A_367 : vector<16xf32>
      %sub3A_369 = arith.constant 1.000000e+00 : f32
      %sub3A_370 = vector.broadcast %sub3A_369 : f32 to vector<16xf32>
      %sub3A_371 = arith.subf %sub3A_370, %sub3A_368 : vector<16xf32>
      %le3A_372 = arith.constant 0.000000e+00 : f32
      %le3A_373 = vector.broadcast %le3A_372 : f32 to vector<16xf32>
      %le3A_374 = arith.cmpf ole, %add3A_359, %le3A_373 : vector<16xf32>
      %ge3A_375 = arith.constant 8.191000e+03 : f32
      %ge3A_376 = vector.broadcast %ge3A_375 : f32 to vector<16xf32>
      %ge3A_377 = arith.cmpf oge, %add3A_359, %ge3A_376 : vector<16xf32>
      %or3A_378 = arith.ori %le3A_374, %ge3A_377 : vector<16xi1>
      %not3A_379 = arith.constant dense<true> : vector<16xi1>
      %not3A_380 = arith.xori %or3A_378, %not3A_379 : vector<16xi1>
      %add3A_381 = arith.constant 1 : i32
      %add3A_382 = vector.broadcast %add3A_381 : i32 to vector<16xi32>
      %add3A_383 = arith.addi %convert_element_type3A_366, %add3A_382 : vector<16xi32>
      %mul3A_384 = arith.mulf %sub3A_371, %get3A_233 : vector<16xf32>
      tpu.vector_store_idx %arg5[%convert_element_type3A_366], %mul3A_384 masked %not3A_380 {add = true} : memref<8448xf32, #tpu.memory_space<vmem>>[vector<16xi32>], vector<16xf32>, vector<16xi1>
      %mul3A_385 = arith.mulf %sub3A_368, %get3A_233 : vector<16xf32>
      tpu.vector_store_idx %arg5[%add3A_383], %mul3A_385 masked %not3A_380 {add = true} : memref<8448xf32, #tpu.memory_space<vmem>>[vector<16xi32>], vector<16xf32>, vector<16xi1>
      tpu.vector_store_idx %arg6[%convert_element_type3A_366], %sub3A_371 masked %not3A_380 {add = true} : memref<8448xf32, #tpu.memory_space<vmem>>[vector<16xi32>], vector<16xf32>, vector<16xi1>
      tpu.vector_store_idx %arg6[%add3A_383], %sub3A_368 masked %not3A_380 {add = true} : memref<8448xf32, #tpu.memory_space<vmem>>[vector<16xi32>], vector<16xf32>, vector<16xi1>
      %jit3A_386 = arith.constant 1.000000e+00 : f32
      %jit3A_387 = arith.constant 0.000000e+00 : f32
      %broadcast_in_dim3A_388 = vector.broadcast %jit3A_386 : f32 to vector<16xf32>
      %broadcast_in_dim3A_389 = vector.broadcast %jit3A_387 : f32 to vector<16xf32>
      %select_n3A_390 = arith.select %le3A_374, %broadcast_in_dim3A_388, %broadcast_in_dim3A_389 : vector<16xi1>, vector<16xf32>
      %add3A_391 = arith.addf %scan3A_283, %select_n3A_390 : vector<16xf32>
      %jit3A_392 = arith.constant 1.000000e+00 : f32
      %jit3A_393 = arith.constant 0.000000e+00 : f32
      %broadcast_in_dim3A_394 = vector.broadcast %jit3A_392 : f32 to vector<16xf32>
      %broadcast_in_dim3A_395 = vector.broadcast %jit3A_393 : f32 to vector<16xf32>
      %select_n3A_396 = arith.select %ge3A_377, %broadcast_in_dim3A_394, %broadcast_in_dim3A_395 : vector<16xi1>, vector<16xf32>
      %add3A_397 = arith.addf %scan3A_284, %select_n3A_396 : vector<16xf32>
      %add3A_398 = arith.addf %scan3A_278, %get3A_4 : vector<16xf32>
      %add3A_399 = arith.addf %add3A_398, %get3A_221 : vector<16xf32>
      %max3A_400 = arith.constant 0.000000e+00 : f32
      %max3A_401 = vector.broadcast %max3A_400 : f32 to vector<16xf32>
      %max3A_402 = arith.maximumf %add3A_399, %max3A_401 : vector<16xf32>
      %min3A_403 = arith.constant 8.191000e+03 : f32
      %min3A_404 = vector.broadcast %min3A_403 : f32 to vector<16xf32>
      %min3A_405 = arith.minimumf %max3A_402, %min3A_404 : vector<16xf32>
      %convert_element_type3A_406 = arith.fptosi %min3A_405 : vector<16xf32> to vector<16xi32>
      %convert_element_type3A_407 = arith.sitofp %convert_element_type3A_406 : vector<16xi32> to vector<16xf32>
      %sub3A_408 = arith.subf %min3A_405, %convert_element_type3A_407 : vector<16xf32>
      %sub3A_409 = arith.constant 1.000000e+00 : f32
      %sub3A_410 = vector.broadcast %sub3A_409 : f32 to vector<16xf32>
      %sub3A_411 = arith.subf %sub3A_410, %sub3A_408 : vector<16xf32>
      %le3A_412 = arith.constant 0.000000e+00 : f32
      %le3A_413 = vector.broadcast %le3A_412 : f32 to vector<16xf32>
      %le3A_414 = arith.cmpf ole, %add3A_399, %le3A_413 : vector<16xf32>
      %ge3A_415 = arith.constant 8.191000e+03 : f32
      %ge3A_416 = vector.broadcast %ge3A_415 : f32 to vector<16xf32>
      %ge3A_417 = arith.cmpf oge, %add3A_399, %ge3A_416 : vector<16xf32>
      %or3A_418 = arith.ori %le3A_414, %ge3A_417 : vector<16xi1>
      %not3A_419 = arith.constant dense<true> : vector<16xi1>
      %not3A_420 = arith.xori %or3A_418, %not3A_419 : vector<16xi1>
      %add3A_421 = arith.constant 1 : i32
      %add3A_422 = vector.broadcast %add3A_421 : i32 to vector<16xi32>
      %add3A_423 = arith.addi %convert_element_type3A_406, %add3A_422 : vector<16xi32>
      %mul3A_424 = arith.mulf %sub3A_411, %get3A_237 : vector<16xf32>
      tpu.vector_store_idx %arg5[%convert_element_type3A_406], %mul3A_424 masked %not3A_420 {add = true} : memref<8448xf32, #tpu.memory_space<vmem>>[vector<16xi32>], vector<16xf32>, vector<16xi1>
      %mul3A_425 = arith.mulf %sub3A_408, %get3A_237 : vector<16xf32>
      tpu.vector_store_idx %arg5[%add3A_423], %mul3A_425 masked %not3A_420 {add = true} : memref<8448xf32, #tpu.memory_space<vmem>>[vector<16xi32>], vector<16xf32>, vector<16xi1>
      tpu.vector_store_idx %arg6[%convert_element_type3A_406], %sub3A_411 masked %not3A_420 {add = true} : memref<8448xf32, #tpu.memory_space<vmem>>[vector<16xi32>], vector<16xf32>, vector<16xi1>
      tpu.vector_store_idx %arg6[%add3A_423], %sub3A_408 masked %not3A_420 {add = true} : memref<8448xf32, #tpu.memory_space<vmem>>[vector<16xi32>], vector<16xf32>, vector<16xi1>
      %jit3A_426 = arith.constant 1.000000e+00 : f32
      %jit3A_427 = arith.constant 0.000000e+00 : f32
      %broadcast_in_dim3A_428 = vector.broadcast %jit3A_426 : f32 to vector<16xf32>
      %broadcast_in_dim3A_429 = vector.broadcast %jit3A_427 : f32 to vector<16xf32>
      %select_n3A_430 = arith.select %le3A_414, %broadcast_in_dim3A_428, %broadcast_in_dim3A_429 : vector<16xi1>, vector<16xf32>
      %add3A_431 = arith.addf %scan3A_285, %select_n3A_430 : vector<16xf32>
      %jit3A_432 = arith.constant 1.000000e+00 : f32
      %jit3A_433 = arith.constant 0.000000e+00 : f32
      %broadcast_in_dim3A_434 = vector.broadcast %jit3A_432 : f32 to vector<16xf32>
      %broadcast_in_dim3A_435 = vector.broadcast %jit3A_433 : f32 to vector<16xf32>
      %select_n3A_436 = arith.select %ge3A_417, %broadcast_in_dim3A_434, %broadcast_in_dim3A_435 : vector<16xi1>, vector<16xf32>
      %add3A_437 = arith.addf %scan3A_286, %select_n3A_436 : vector<16xf32>
      %add3A_438 = arith.constant 1.600000e+01 : f32
      %add3A_439 = vector.broadcast %add3A_438 : f32 to vector<16xf32>
      %add3A_440 = arith.addf %scan3A_278, %add3A_439 : vector<16xf32>
      %add3A_441 = arith.addf %add3A_440, %get3A_4 : vector<16xf32>
      %add3A_442 = arith.addf %add3A_441, %get3A_209 : vector<16xf32>
      %max3A_443 = arith.constant 0.000000e+00 : f32
      %max3A_444 = vector.broadcast %max3A_443 : f32 to vector<16xf32>
      %max3A_445 = arith.maximumf %add3A_442, %max3A_444 : vector<16xf32>
      %min3A_446 = arith.constant 8.191000e+03 : f32
      %min3A_447 = vector.broadcast %min3A_446 : f32 to vector<16xf32>
      %min3A_448 = arith.minimumf %max3A_445, %min3A_447 : vector<16xf32>
      %convert_element_type3A_449 = arith.fptosi %min3A_448 : vector<16xf32> to vector<16xi32>
      %convert_element_type3A_450 = arith.sitofp %convert_element_type3A_449 : vector<16xi32> to vector<16xf32>
      %sub3A_451 = arith.subf %min3A_448, %convert_element_type3A_450 : vector<16xf32>
      %sub3A_452 = arith.constant 1.000000e+00 : f32
      %sub3A_453 = vector.broadcast %sub3A_452 : f32 to vector<16xf32>
      %sub3A_454 = arith.subf %sub3A_453, %sub3A_451 : vector<16xf32>
      %le3A_455 = arith.constant 0.000000e+00 : f32
      %le3A_456 = vector.broadcast %le3A_455 : f32 to vector<16xf32>
      %le3A_457 = arith.cmpf ole, %add3A_442, %le3A_456 : vector<16xf32>
      %ge3A_458 = arith.constant 8.191000e+03 : f32
      %ge3A_459 = vector.broadcast %ge3A_458 : f32 to vector<16xf32>
      %ge3A_460 = arith.cmpf oge, %add3A_442, %ge3A_459 : vector<16xf32>
      %or3A_461 = arith.ori %le3A_457, %ge3A_460 : vector<16xi1>
      %not3A_462 = arith.constant dense<true> : vector<16xi1>
      %not3A_463 = arith.xori %or3A_461, %not3A_462 : vector<16xi1>
      %add3A_464 = arith.constant 1 : i32
      %add3A_465 = vector.broadcast %add3A_464 : i32 to vector<16xi32>
      %add3A_466 = arith.addi %convert_element_type3A_449, %add3A_465 : vector<16xi32>
      %mul3A_467 = arith.mulf %sub3A_454, %get3A_225 : vector<16xf32>
      tpu.vector_store_idx %arg5[%convert_element_type3A_449], %mul3A_467 masked %not3A_463 {add = true} : memref<8448xf32, #tpu.memory_space<vmem>>[vector<16xi32>], vector<16xf32>, vector<16xi1>
      %mul3A_468 = arith.mulf %sub3A_451, %get3A_225 : vector<16xf32>
      tpu.vector_store_idx %arg5[%add3A_466], %mul3A_468 masked %not3A_463 {add = true} : memref<8448xf32, #tpu.memory_space<vmem>>[vector<16xi32>], vector<16xf32>, vector<16xi1>
      tpu.vector_store_idx %arg6[%convert_element_type3A_449], %sub3A_454 masked %not3A_463 {add = true} : memref<8448xf32, #tpu.memory_space<vmem>>[vector<16xi32>], vector<16xf32>, vector<16xi1>
      tpu.vector_store_idx %arg6[%add3A_466], %sub3A_451 masked %not3A_463 {add = true} : memref<8448xf32, #tpu.memory_space<vmem>>[vector<16xi32>], vector<16xf32>, vector<16xi1>
      %jit3A_469 = arith.constant 1.000000e+00 : f32
      %jit3A_470 = arith.constant 0.000000e+00 : f32
      %broadcast_in_dim3A_471 = vector.broadcast %jit3A_469 : f32 to vector<16xf32>
      %broadcast_in_dim3A_472 = vector.broadcast %jit3A_470 : f32 to vector<16xf32>
      %select_n3A_473 = arith.select %le3A_457, %broadcast_in_dim3A_471, %broadcast_in_dim3A_472 : vector<16xi1>, vector<16xf32>
      %add3A_474 = arith.addf %add3A_311, %select_n3A_473 : vector<16xf32>
      %jit3A_475 = arith.constant 1.000000e+00 : f32
      %jit3A_476 = arith.constant 0.000000e+00 : f32
      %broadcast_in_dim3A_477 = vector.broadcast %jit3A_475 : f32 to vector<16xf32>
      %broadcast_in_dim3A_478 = vector.broadcast %jit3A_476 : f32 to vector<16xf32>
      %select_n3A_479 = arith.select %ge3A_460, %broadcast_in_dim3A_477, %broadcast_in_dim3A_478 : vector<16xi1>, vector<16xf32>
      %add3A_480 = arith.addf %add3A_317, %select_n3A_479 : vector<16xf32>
      %add3A_481 = arith.addf %add3A_440, %get3A_4 : vector<16xf32>
      %add3A_482 = arith.addf %add3A_481, %get3A_213 : vector<16xf32>
      %max3A_483 = arith.constant 0.000000e+00 : f32
      %max3A_484 = vector.broadcast %max3A_483 : f32 to vector<16xf32>
      %max3A_485 = arith.maximumf %add3A_482, %max3A_484 : vector<16xf32>
      %min3A_486 = arith.constant 8.191000e+03 : f32
      %min3A_487 = vector.broadcast %min3A_486 : f32 to vector<16xf32>
      %min3A_488 = arith.minimumf %max3A_485, %min3A_487 : vector<16xf32>
      %convert_element_type3A_489 = arith.fptosi %min3A_488 : vector<16xf32> to vector<16xi32>
      %convert_element_type3A_490 = arith.sitofp %convert_element_type3A_489 : vector<16xi32> to vector<16xf32>
      %sub3A_491 = arith.subf %min3A_488, %convert_element_type3A_490 : vector<16xf32>
      %sub3A_492 = arith.constant 1.000000e+00 : f32
      %sub3A_493 = vector.broadcast %sub3A_492 : f32 to vector<16xf32>
      %sub3A_494 = arith.subf %sub3A_493, %sub3A_491 : vector<16xf32>
      %le3A_495 = arith.constant 0.000000e+00 : f32
      %le3A_496 = vector.broadcast %le3A_495 : f32 to vector<16xf32>
      %le3A_497 = arith.cmpf ole, %add3A_482, %le3A_496 : vector<16xf32>
      %ge3A_498 = arith.constant 8.191000e+03 : f32
      %ge3A_499 = vector.broadcast %ge3A_498 : f32 to vector<16xf32>
      %ge3A_500 = arith.cmpf oge, %add3A_482, %ge3A_499 : vector<16xf32>
      %or3A_501 = arith.ori %le3A_497, %ge3A_500 : vector<16xi1>
      %not3A_502 = arith.constant dense<true> : vector<16xi1>
      %not3A_503 = arith.xori %or3A_501, %not3A_502 : vector<16xi1>
      %add3A_504 = arith.constant 1 : i32
      %add3A_505 = vector.broadcast %add3A_504 : i32 to vector<16xi32>
      %add3A_506 = arith.addi %convert_element_type3A_489, %add3A_505 : vector<16xi32>
      %mul3A_507 = arith.mulf %sub3A_494, %get3A_229 : vector<16xf32>
      tpu.vector_store_idx %arg5[%convert_element_type3A_489], %mul3A_507 masked %not3A_503 {add = true} : memref<8448xf32, #tpu.memory_space<vmem>>[vector<16xi32>], vector<16xf32>, vector<16xi1>
      %mul3A_508 = arith.mulf %sub3A_491, %get3A_229 : vector<16xf32>
      tpu.vector_store_idx %arg5[%add3A_506], %mul3A_508 masked %not3A_503 {add = true} : memref<8448xf32, #tpu.memory_space<vmem>>[vector<16xi32>], vector<16xf32>, vector<16xi1>
      tpu.vector_store_idx %arg6[%convert_element_type3A_489], %sub3A_494 masked %not3A_503 {add = true} : memref<8448xf32, #tpu.memory_space<vmem>>[vector<16xi32>], vector<16xf32>, vector<16xi1>
      tpu.vector_store_idx %arg6[%add3A_506], %sub3A_491 masked %not3A_503 {add = true} : memref<8448xf32, #tpu.memory_space<vmem>>[vector<16xi32>], vector<16xf32>, vector<16xi1>
      %jit3A_509 = arith.constant 1.000000e+00 : f32
      %jit3A_510 = arith.constant 0.000000e+00 : f32
      %broadcast_in_dim3A_511 = vector.broadcast %jit3A_509 : f32 to vector<16xf32>
      %broadcast_in_dim3A_512 = vector.broadcast %jit3A_510 : f32 to vector<16xf32>
      %select_n3A_513 = arith.select %le3A_497, %broadcast_in_dim3A_511, %broadcast_in_dim3A_512 : vector<16xi1>, vector<16xf32>
      %add3A_514 = arith.addf %add3A_351, %select_n3A_513 : vector<16xf32>
      %jit3A_515 = arith.constant 1.000000e+00 : f32
      %jit3A_516 = arith.constant 0.000000e+00 : f32
      %broadcast_in_dim3A_517 = vector.broadcast %jit3A_515 : f32 to vector<16xf32>
      %broadcast_in_dim3A_518 = vector.broadcast %jit3A_516 : f32 to vector<16xf32>
      %select_n3A_519 = arith.select %ge3A_500, %broadcast_in_dim3A_517, %broadcast_in_dim3A_518 : vector<16xi1>, vector<16xf32>
      %add3A_520 = arith.addf %add3A_357, %select_n3A_519 : vector<16xf32>
      %add3A_521 = arith.addf %add3A_440, %get3A_4 : vector<16xf32>
      %add3A_522 = arith.addf %add3A_521, %get3A_217 : vector<16xf32>
      %max3A_523 = arith.constant 0.000000e+00 : f32
      %max3A_524 = vector.broadcast %max3A_523 : f32 to vector<16xf32>
      %max3A_525 = arith.maximumf %add3A_522, %max3A_524 : vector<16xf32>
      %min3A_526 = arith.constant 8.191000e+03 : f32
      %min3A_527 = vector.broadcast %min3A_526 : f32 to vector<16xf32>
      %min3A_528 = arith.minimumf %max3A_525, %min3A_527 : vector<16xf32>
      %convert_element_type3A_529 = arith.fptosi %min3A_528 : vector<16xf32> to vector<16xi32>
      %convert_element_type3A_530 = arith.sitofp %convert_element_type3A_529 : vector<16xi32> to vector<16xf32>
      %sub3A_531 = arith.subf %min3A_528, %convert_element_type3A_530 : vector<16xf32>
      %sub3A_532 = arith.constant 1.000000e+00 : f32
      %sub3A_533 = vector.broadcast %sub3A_532 : f32 to vector<16xf32>
      %sub3A_534 = arith.subf %sub3A_533, %sub3A_531 : vector<16xf32>
      %le3A_535 = arith.constant 0.000000e+00 : f32
      %le3A_536 = vector.broadcast %le3A_535 : f32 to vector<16xf32>
      %le3A_537 = arith.cmpf ole, %add3A_522, %le3A_536 : vector<16xf32>
      %ge3A_538 = arith.constant 8.191000e+03 : f32
      %ge3A_539 = vector.broadcast %ge3A_538 : f32 to vector<16xf32>
      %ge3A_540 = arith.cmpf oge, %add3A_522, %ge3A_539 : vector<16xf32>
      %or3A_541 = arith.ori %le3A_537, %ge3A_540 : vector<16xi1>
      %not3A_542 = arith.constant dense<true> : vector<16xi1>
      %not3A_543 = arith.xori %or3A_541, %not3A_542 : vector<16xi1>
      %add3A_544 = arith.constant 1 : i32
      %add3A_545 = vector.broadcast %add3A_544 : i32 to vector<16xi32>
      %add3A_546 = arith.addi %convert_element_type3A_529, %add3A_545 : vector<16xi32>
      %mul3A_547 = arith.mulf %sub3A_534, %get3A_233 : vector<16xf32>
      tpu.vector_store_idx %arg5[%convert_element_type3A_529], %mul3A_547 masked %not3A_543 {add = true} : memref<8448xf32, #tpu.memory_space<vmem>>[vector<16xi32>], vector<16xf32>, vector<16xi1>
      %mul3A_548 = arith.mulf %sub3A_531, %get3A_233 : vector<16xf32>
      tpu.vector_store_idx %arg5[%add3A_546], %mul3A_548 masked %not3A_543 {add = true} : memref<8448xf32, #tpu.memory_space<vmem>>[vector<16xi32>], vector<16xf32>, vector<16xi1>
      tpu.vector_store_idx %arg6[%convert_element_type3A_529], %sub3A_534 masked %not3A_543 {add = true} : memref<8448xf32, #tpu.memory_space<vmem>>[vector<16xi32>], vector<16xf32>, vector<16xi1>
      tpu.vector_store_idx %arg6[%add3A_546], %sub3A_531 masked %not3A_543 {add = true} : memref<8448xf32, #tpu.memory_space<vmem>>[vector<16xi32>], vector<16xf32>, vector<16xi1>
      %jit3A_549 = arith.constant 1.000000e+00 : f32
      %jit3A_550 = arith.constant 0.000000e+00 : f32
      %broadcast_in_dim3A_551 = vector.broadcast %jit3A_549 : f32 to vector<16xf32>
      %broadcast_in_dim3A_552 = vector.broadcast %jit3A_550 : f32 to vector<16xf32>
      %select_n3A_553 = arith.select %le3A_537, %broadcast_in_dim3A_551, %broadcast_in_dim3A_552 : vector<16xi1>, vector<16xf32>
      %add3A_554 = arith.addf %add3A_391, %select_n3A_553 : vector<16xf32>
      %jit3A_555 = arith.constant 1.000000e+00 : f32
      %jit3A_556 = arith.constant 0.000000e+00 : f32
      %broadcast_in_dim3A_557 = vector.broadcast %jit3A_555 : f32 to vector<16xf32>
      %broadcast_in_dim3A_558 = vector.broadcast %jit3A_556 : f32 to vector<16xf32>
      %select_n3A_559 = arith.select %ge3A_540, %broadcast_in_dim3A_557, %broadcast_in_dim3A_558 : vector<16xi1>, vector<16xf32>
      %add3A_560 = arith.addf %add3A_397, %select_n3A_559 : vector<16xf32>
      %add3A_561 = arith.addf %add3A_440, %get3A_4 : vector<16xf32>
      %add3A_562 = arith.addf %add3A_561, %get3A_221 : vector<16xf32>
      %max3A_563 = arith.constant 0.000000e+00 : f32
      %max3A_564 = vector.broadcast %max3A_563 : f32 to vector<16xf32>
      %max3A_565 = arith.maximumf %add3A_562, %max3A_564 : vector<16xf32>
      %min3A_566 = arith.constant 8.191000e+03 : f32
      %min3A_567 = vector.broadcast %min3A_566 : f32 to vector<16xf32>
      %min3A_568 = arith.minimumf %max3A_565, %min3A_567 : vector<16xf32>
      %convert_element_type3A_569 = arith.fptosi %min3A_568 : vector<16xf32> to vector<16xi32>
      %convert_element_type3A_570 = arith.sitofp %convert_element_type3A_569 : vector<16xi32> to vector<16xf32>
      %sub3A_571 = arith.subf %min3A_568, %convert_element_type3A_570 : vector<16xf32>
      %sub3A_572 = arith.constant 1.000000e+00 : f32
      %sub3A_573 = vector.broadcast %sub3A_572 : f32 to vector<16xf32>
      %sub3A_574 = arith.subf %sub3A_573, %sub3A_571 : vector<16xf32>
      %le3A_575 = arith.constant 0.000000e+00 : f32
      %le3A_576 = vector.broadcast %le3A_575 : f32 to vector<16xf32>
      %le3A_577 = arith.cmpf ole, %add3A_562, %le3A_576 : vector<16xf32>
      %ge3A_578 = arith.constant 8.191000e+03 : f32
      %ge3A_579 = vector.broadcast %ge3A_578 : f32 to vector<16xf32>
      %ge3A_580 = arith.cmpf oge, %add3A_562, %ge3A_579 : vector<16xf32>
      %or3A_581 = arith.ori %le3A_577, %ge3A_580 : vector<16xi1>
      %not3A_582 = arith.constant dense<true> : vector<16xi1>
      %not3A_583 = arith.xori %or3A_581, %not3A_582 : vector<16xi1>
      %add3A_584 = arith.constant 1 : i32
      %add3A_585 = vector.broadcast %add3A_584 : i32 to vector<16xi32>
      %add3A_586 = arith.addi %convert_element_type3A_569, %add3A_585 : vector<16xi32>
      %mul3A_587 = arith.mulf %sub3A_574, %get3A_237 : vector<16xf32>
      tpu.vector_store_idx %arg5[%convert_element_type3A_569], %mul3A_587 masked %not3A_583 {add = true} : memref<8448xf32, #tpu.memory_space<vmem>>[vector<16xi32>], vector<16xf32>, vector<16xi1>
      %mul3A_588 = arith.mulf %sub3A_571, %get3A_237 : vector<16xf32>
      tpu.vector_store_idx %arg5[%add3A_586], %mul3A_588 masked %not3A_583 {add = true} : memref<8448xf32, #tpu.memory_space<vmem>>[vector<16xi32>], vector<16xf32>, vector<16xi1>
      tpu.vector_store_idx %arg6[%convert_element_type3A_569], %sub3A_574 masked %not3A_583 {add = true} : memref<8448xf32, #tpu.memory_space<vmem>>[vector<16xi32>], vector<16xf32>, vector<16xi1>
      tpu.vector_store_idx %arg6[%add3A_586], %sub3A_571 masked %not3A_583 {add = true} : memref<8448xf32, #tpu.memory_space<vmem>>[vector<16xi32>], vector<16xf32>, vector<16xi1>
      %jit3A_589 = arith.constant 1.000000e+00 : f32
      %jit3A_590 = arith.constant 0.000000e+00 : f32
      %broadcast_in_dim3A_591 = vector.broadcast %jit3A_589 : f32 to vector<16xf32>
      %broadcast_in_dim3A_592 = vector.broadcast %jit3A_590 : f32 to vector<16xf32>
      %select_n3A_593 = arith.select %le3A_577, %broadcast_in_dim3A_591, %broadcast_in_dim3A_592 : vector<16xi1>, vector<16xf32>
      %add3A_594 = arith.addf %add3A_431, %select_n3A_593 : vector<16xf32>
      %jit3A_595 = arith.constant 1.000000e+00 : f32
      %jit3A_596 = arith.constant 0.000000e+00 : f32
      %broadcast_in_dim3A_597 = vector.broadcast %jit3A_595 : f32 to vector<16xf32>
      %broadcast_in_dim3A_598 = vector.broadcast %jit3A_596 : f32 to vector<16xf32>
      %select_n3A_599 = arith.select %ge3A_580, %broadcast_in_dim3A_597, %broadcast_in_dim3A_598 : vector<16xi1>, vector<16xf32>
      %add3A_600 = arith.addf %add3A_437, %select_n3A_599 : vector<16xf32>
      %add3A_601 = arith.constant 1.600000e+01 : f32
      %add3A_602 = vector.broadcast %add3A_601 : f32 to vector<16xf32>
      %add3A_603 = arith.addf %add3A_440, %add3A_602 : vector<16xf32>
      scf.yield %add3A_603, %add3A_474, %add3A_480, %add3A_514, %add3A_520, %add3A_554, %add3A_560, %add3A_594, %add3A_600 : vector<16xf32>, vector<16xf32>, vector<16xf32>, vector<16xf32>, vector<16xf32>, vector<16xf32>, vector<16xf32>, vector<16xf32>, vector<16xf32>
    }
    %scan3A_245 = arith.constant 8 : i32
    %mul3A_246 = arith.mulf %scan3A_244#1, %get3A_225 : vector<16xf32>
    %add3A_247 = arith.addf %add3A_201, %mul3A_246 : vector<16xf32>
    %add3A_248 = arith.addf %add3A_202, %scan3A_244#1 : vector<16xf32>
    %mul3A_249 = arith.mulf %scan3A_244#2, %get3A_225 : vector<16xf32>
    %add3A_250 = arith.addf %add3A_204, %mul3A_249 : vector<16xf32>
    %add3A_251 = arith.addf %add3A_205, %scan3A_244#2 : vector<16xf32>
    %mul3A_252 = arith.mulf %scan3A_244#3, %get3A_229 : vector<16xf32>
    %add3A_253 = arith.addf %add3A_247, %mul3A_252 : vector<16xf32>
    %add3A_254 = arith.addf %add3A_248, %scan3A_244#3 : vector<16xf32>
    %mul3A_255 = arith.mulf %scan3A_244#4, %get3A_229 : vector<16xf32>
    %add3A_256 = arith.addf %add3A_250, %mul3A_255 : vector<16xf32>
    %add3A_257 = arith.addf %add3A_251, %scan3A_244#4 : vector<16xf32>
    %mul3A_258 = arith.mulf %scan3A_244#5, %get3A_233 : vector<16xf32>
    %add3A_259 = arith.addf %add3A_253, %mul3A_258 : vector<16xf32>
    %add3A_260 = arith.addf %add3A_254, %scan3A_244#5 : vector<16xf32>
    %mul3A_261 = arith.mulf %scan3A_244#6, %get3A_233 : vector<16xf32>
    %add3A_262 = arith.addf %add3A_256, %mul3A_261 : vector<16xf32>
    %add3A_263 = arith.addf %add3A_257, %scan3A_244#6 : vector<16xf32>
    %mul3A_264 = arith.mulf %scan3A_244#7, %get3A_237 : vector<16xf32>
    %add3A_265 = arith.addf %add3A_259, %mul3A_264 : vector<16xf32>
    %add3A_266 = arith.addf %add3A_260, %scan3A_244#7 : vector<16xf32>
    %mul3A_267 = arith.mulf %scan3A_244#8, %get3A_237 : vector<16xf32>
    %add3A_268 = arith.addf %add3A_262, %mul3A_267 : vector<16xf32>
    %add3A_269 = arith.addf %add3A_263, %scan3A_244#8 : vector<16xf32>
    %add3A_270 = arith.constant 8192 : i32
    %add3A_271 = vector.broadcast %add3A_270 : i32 to vector<16xi32>
    %add3A_272 = arith.addi %iota3A, %add3A_271 : vector<16xi32>
    %add3A_273 = arith.constant 8320 : i32
    %add3A_274 = vector.broadcast %add3A_273 : i32 to vector<16xi32>
    %add3A_275 = arith.addi %iota3A, %add3A_274 : vector<16xi32>
    tpu.vector_store_idx %arg5[%add3A_272], %add3A_265 {add = true} : memref<8448xf32, #tpu.memory_space<vmem>>[vector<16xi32>], vector<16xf32>,
    tpu.vector_store_idx %arg6[%add3A_272], %add3A_266 {add = true} : memref<8448xf32, #tpu.memory_space<vmem>>[vector<16xi32>], vector<16xf32>,
    tpu.vector_store_idx %arg5[%add3A_275], %add3A_268 {add = true} : memref<8448xf32, #tpu.memory_space<vmem>>[vector<16xi32>], vector<16xf32>,
    tpu.vector_store_idx %arg6[%add3A_275], %add3A_269 {add = true} : memref<8448xf32, #tpu.memory_space<vmem>>[vector<16xi32>], vector<16xf32>,
    %run_scoped3A = arith.constant 0 : i32
    "tpu.region"() ({
      %run_scoped3A_277 = tpu.sem_alloc : memref<!tpu.dma_semaphore, #tpu.memory_space<semaphore_mem>>
      %dma_start3A = arith.constant 0 : i32
      %dma_start3A_278 = tpu.memref_slice %arg3[%add3A, %run_scoped3A, %dma_start3A] : memref<32x2x8448xf32, #tpu.memory_space<hbm>> -> memref<1x1x8448xf32, #tpu.memory_space<hbm>>
      %dma_start3A_279 = tpu.memref_squeeze %dma_start3A_278 : memref<1x1x8448xf32, #tpu.memory_space<hbm>> -> memref<8448xf32, #tpu.memory_space<hbm>>
      %dma_start3A_280 = arith.constant 0 : i32
      %dma_start3A_281 = tpu.memref_slice %arg3[%add3A, %run_scoped3A, %dma_start3A_280] : memref<32x2x8448xf32, #tpu.memory_space<hbm>> -> memref<1x1x8448xf32, #tpu.memory_space<hbm>>
      %dma_start3A_282 = tpu.memref_squeeze %dma_start3A_281 : memref<1x1x8448xf32, #tpu.memory_space<hbm>> -> memref<8448xf32, #tpu.memory_space<hbm>>
      tpu.enqueue_dma source(%arg5 : memref<8448xf32, #tpu.memory_space<vmem>>) target(%dma_start3A_282 : memref<8448xf32, #tpu.memory_space<hbm>>) target_semaphore(%run_scoped3A_277 : memref<!tpu.dma_semaphore, #tpu.memory_space<semaphore_mem>>)
      %dma_wait3A = arith.constant 0 : i32
      %dma_wait3A_283 = tpu.memref_slice %arg3[%add3A, %run_scoped3A, %dma_wait3A] : memref<32x2x8448xf32, #tpu.memory_space<hbm>> -> memref<1x1x8448xf32, #tpu.memory_space<hbm>>
      %dma_wait3A_284 = tpu.memref_squeeze %dma_wait3A_283 : memref<1x1x8448xf32, #tpu.memory_space<hbm>> -> memref<8448xf32, #tpu.memory_space<hbm>>
      %dma_wait3A_285 = arith.constant 0 : i32
      %dma_wait3A_286 = tpu.memref_slice %arg3[%add3A, %run_scoped3A, %dma_wait3A_285] : memref<32x2x8448xf32, #tpu.memory_space<hbm>> -> memref<1x1x8448xf32, #tpu.memory_space<hbm>>
      %dma_wait3A_287 = tpu.memref_squeeze %dma_wait3A_286 : memref<1x1x8448xf32, #tpu.memory_space<hbm>> -> memref<8448xf32, #tpu.memory_space<hbm>>
      tpu.wait_dma2 semaphore(%run_scoped3A_277 : memref<!tpu.dma_semaphore, #tpu.memory_space<semaphore_mem>>) src(%arg5 : memref<8448xf32, #tpu.memory_space<vmem>>) dst(%dma_wait3A_287 : memref<8448xf32, #tpu.memory_space<hbm>>)
      tpu.yield
    }) : () -> ()
    %run_scoped3A_276 = arith.constant 1 : i32
    "tpu.region"() ({
      %run_scoped3A_277 = tpu.sem_alloc : memref<!tpu.dma_semaphore, #tpu.memory_space<semaphore_mem>>
      %dma_start3A = arith.constant 0 : i32
      %dma_start3A_278 = tpu.memref_slice %arg3[%add3A, %run_scoped3A_276, %dma_start3A] : memref<32x2x8448xf32, #tpu.memory_space<hbm>> -> memref<1x1x8448xf32, #tpu.memory_space<hbm>>
      %dma_start3A_279 = tpu.memref_squeeze %dma_start3A_278 : memref<1x1x8448xf32, #tpu.memory_space<hbm>> -> memref<8448xf32, #tpu.memory_space<hbm>>
      %dma_start3A_280 = arith.constant 0 : i32
      %dma_start3A_281 = tpu.memref_slice %arg3[%add3A, %run_scoped3A_276, %dma_start3A_280] : memref<32x2x8448xf32, #tpu.memory_space<hbm>> -> memref<1x1x8448xf32, #tpu.memory_space<hbm>>
      %dma_start3A_282 = tpu.memref_squeeze %dma_start3A_281 : memref<1x1x8448xf32, #tpu.memory_space<hbm>> -> memref<8448xf32, #tpu.memory_space<hbm>>
      tpu.enqueue_dma source(%arg6 : memref<8448xf32, #tpu.memory_space<vmem>>) target(%dma_start3A_282 : memref<8448xf32, #tpu.memory_space<hbm>>) target_semaphore(%run_scoped3A_277 : memref<!tpu.dma_semaphore, #tpu.memory_space<semaphore_mem>>)
      %dma_wait3A = arith.constant 0 : i32
      %dma_wait3A_283 = tpu.memref_slice %arg3[%add3A, %run_scoped3A_276, %dma_wait3A] : memref<32x2x8448xf32, #tpu.memory_space<hbm>> -> memref<1x1x8448xf32, #tpu.memory_space<hbm>>
      %dma_wait3A_284 = tpu.memref_squeeze %dma_wait3A_283 : memref<1x1x8448xf32, #tpu.memory_space<hbm>> -> memref<8448xf32, #tpu.memory_space<hbm>>
      %dma_wait3A_285 = arith.constant 0 : i32
      %dma_wait3A_286 = tpu.memref_slice %arg3[%add3A, %run_scoped3A_276, %dma_wait3A_285] : memref<32x2x8448xf32, #tpu.memory_space<hbm>> -> memref<1x1x8448xf32, #tpu.memory_space<hbm>>
      %dma_wait3A_287 = tpu.memref_squeeze %dma_wait3A_286 : memref<1x1x8448xf32, #tpu.memory_space<hbm>> -> memref<8448xf32, #tpu.memory_space<hbm>>
      tpu.wait_dma2 semaphore(%run_scoped3A_277 : memref<!tpu.dma_semaphore, #tpu.memory_space<semaphore_mem>>) src(%arg6 : memref<8448xf32, #tpu.memory_space<vmem>>) dst(%dma_wait3A_287 : memref<8448xf32, #tpu.memory_space<hbm>>)
      tpu.yield
    }) : () -> ()
    return
  }
}

module attributes {stable_mosaic.version = 14 : i64} {
  func.func @_tc_norm_mul_body(%arg0: i32, %arg1: memref<32x2x8448xf32, #tpu.memory_space<vmem>>, %arg2: memref<32x8192xf32, #tpu.memory_space<vmem>>, %arg3: memref<32x8192xf32, #tpu.memory_space<vmem>>, %arg4: memref<1x8192xf32, #tpu.memory_space<vmem>>) attributes {dimension_semantics = [#tpu.dimension_semantics<arbitrary>], iteration_bounds = array<i64: 4>, scalar_prefetch = 0 : i64, scratch_operands = 1 : i64, tpu.core_type = #tpu.core_type<tc>, window_params = [{pipeline_mode = #tpu.pipeline_mode<synchronous>, transform_indices = @transform_0, window_bounds = array<i64: 32, 2, 8448>}, {transform_indices = @transform_1, window_bounds = array<i64: 32, 8192>}, {transform_indices = @transform_2, window_bounds = array<i64: 32, 8192>}]} {
    %eq3A = arith.constant 0 : i32
    %eq3A_0 = arith.cmpi eq, %arg0, %eq3A : i32
    %convert_element_type3A = arith.extui %eq3A_0 : i1 to i32
    %cond3A = arith.constant 0 : i32
    %cond3A_1 = arith.cmpi ne, %convert_element_type3A, %cond3A : i32
    scf.if %cond3A_1 {
      %get3A_10 = arith.constant 0 : index
      %get3A_11 = arith.constant 0 : index
      %get3A_12 = arith.constant 0 : index
      %get3A_13 = vector.load %arg1[%get3A_10, %get3A_11, %get3A_12] : memref<32x2x8448xf32, #tpu.memory_space<vmem>>, vector<32x2x8448xf32>
      %reduce_sum3A = arith.constant dense<0.000000e+00> : vector<2x8448xf32>
      %reduce_sum3A_14 = vector.multi_reduction <add>, %get3A_13, %reduce_sum3A [0] : vector<32x2x8448xf32> to vector<2x8448xf32>
      %slice3A = vector.extract_strided_slice %reduce_sum3A_14 {offsets = [0, 0], sizes = [1, 8448], strides = [1, 1]} : vector<2x8448xf32> to vector<1x8448xf32>
      %slice3A_15 = vector.extract_strided_slice %reduce_sum3A_14 {offsets = [1, 0], sizes = [1, 8448], strides = [1, 1]} : vector<2x8448xf32> to vector<1x8448xf32>
      %slice3A_16 = vector.extract_strided_slice %slice3A {offsets = [0, 8192], sizes = [1, 16], strides = [1, 1]} : vector<1x8448xf32> to vector<1x16xf32>
      %reduce_sum3A_17 = vector.shape_cast %slice3A_16 : vector<1x16xf32> to vector<1x1x16xf32>
      %reduce_sum3A_18 = arith.constant dense<0.000000e+00> : vector<1xf32>
      %reduce_sum3A_19 = vector.multi_reduction <add>, %reduce_sum3A_17, %reduce_sum3A_18 [1, 2] : vector<1x1x16xf32> to vector<1xf32>
      %reduce_sum3A_20 = vector.shape_cast %reduce_sum3A_19 : vector<1xf32> to vector<1x1x1xf32>
      %reduce_sum3A_21 = vector.extract %reduce_sum3A_20[0, 0, 0] : f32 from vector<1x1x1xf32>
      %slice3A_22 = vector.extract_strided_slice %slice3A_15 {offsets = [0, 8192], sizes = [1, 16], strides = [1, 1]} : vector<1x8448xf32> to vector<1x16xf32>
      %reduce_sum3A_23 = vector.shape_cast %slice3A_22 : vector<1x16xf32> to vector<1x1x16xf32>
      %reduce_sum3A_24 = arith.constant dense<0.000000e+00> : vector<1xf32>
      %reduce_sum3A_25 = vector.multi_reduction <add>, %reduce_sum3A_23, %reduce_sum3A_24 [1, 2] : vector<1x1x16xf32> to vector<1xf32>
      %reduce_sum3A_26 = vector.shape_cast %reduce_sum3A_25 : vector<1xf32> to vector<1x1x1xf32>
      %reduce_sum3A_27 = vector.extract %reduce_sum3A_26[0, 0, 0] : f32 from vector<1x1x1xf32>
      %slice3A_28 = vector.extract_strided_slice %slice3A {offsets = [0, 8320], sizes = [1, 16], strides = [1, 1]} : vector<1x8448xf32> to vector<1x16xf32>
      %reduce_sum3A_29 = vector.shape_cast %slice3A_28 : vector<1x16xf32> to vector<1x1x16xf32>
      %reduce_sum3A_30 = arith.constant dense<0.000000e+00> : vector<1xf32>
      %reduce_sum3A_31 = vector.multi_reduction <add>, %reduce_sum3A_29, %reduce_sum3A_30 [1, 2] : vector<1x1x16xf32> to vector<1xf32>
      %reduce_sum3A_32 = vector.shape_cast %reduce_sum3A_31 : vector<1xf32> to vector<1x1x1xf32>
      %reduce_sum3A_33 = vector.extract %reduce_sum3A_32[0, 0, 0] : f32 from vector<1x1x1xf32>
      %slice3A_34 = vector.extract_strided_slice %slice3A_15 {offsets = [0, 8320], sizes = [1, 16], strides = [1, 1]} : vector<1x8448xf32> to vector<1x16xf32>
      %reduce_sum3A_35 = vector.shape_cast %slice3A_34 : vector<1x16xf32> to vector<1x1x16xf32>
      %reduce_sum3A_36 = arith.constant dense<0.000000e+00> : vector<1xf32>
      %reduce_sum3A_37 = vector.multi_reduction <add>, %reduce_sum3A_35, %reduce_sum3A_36 [1, 2] : vector<1x1x16xf32> to vector<1xf32>
      %reduce_sum3A_38 = vector.shape_cast %reduce_sum3A_37 : vector<1xf32> to vector<1x1x1xf32>
      %reduce_sum3A_39 = vector.extract %reduce_sum3A_38[0, 0, 0] : f32 from vector<1x1x1xf32>
      %iota3A = tpu.iota {dimensions = array<i32: 1>} : vector<1x8192xi32>
      %slice3A_40 = vector.extract_strided_slice %slice3A {offsets = [0, 0], sizes = [1, 8192], strides = [1, 1]} : vector<1x8448xf32> to vector<1x8192xf32>
      %eq3A_41 = arith.constant 0 : i32
      %eq3A_42 = vector.broadcast %eq3A_41 : i32 to vector<1x8192xi32>
      %eq3A_43 = arith.cmpi eq, %iota3A, %eq3A_42 : vector<1x8192xi32>
      %jit3A = arith.constant 0.000000e+00 : f32
      %broadcast_in_dim3A = vector.broadcast %reduce_sum3A_21 : f32 to vector<1x8192xf32>
      %broadcast_in_dim3A_44 = vector.broadcast %jit3A : f32 to vector<1x8192xf32>
      %select_n3A = arith.select %eq3A_43, %broadcast_in_dim3A, %broadcast_in_dim3A_44 : vector<1x8192xi1>, vector<1x8192xf32>
      %add3A = arith.addf %slice3A_40, %select_n3A : vector<1x8192xf32>
      %eq3A_45 = arith.constant 8191 : i32
      %eq3A_46 = vector.broadcast %eq3A_45 : i32 to vector<1x8192xi32>
      %eq3A_47 = arith.cmpi eq, %iota3A, %eq3A_46 : vector<1x8192xi32>
      %jit3A_48 = arith.constant 0.000000e+00 : f32
      %broadcast_in_dim3A_49 = vector.broadcast %reduce_sum3A_33 : f32 to vector<1x8192xf32>
      %broadcast_in_dim3A_50 = vector.broadcast %jit3A_48 : f32 to vector<1x8192xf32>
      %select_n3A_51 = arith.select %eq3A_47, %broadcast_in_dim3A_49, %broadcast_in_dim3A_50 : vector<1x8192xi1>, vector<1x8192xf32>
      %add3A_52 = arith.addf %add3A, %select_n3A_51 : vector<1x8192xf32>
      %slice3A_53 = vector.extract_strided_slice %slice3A_15 {offsets = [0, 0], sizes = [1, 8192], strides = [1, 1]} : vector<1x8448xf32> to vector<1x8192xf32>
      %eq3A_54 = arith.constant 0 : i32
      %eq3A_55 = vector.broadcast %eq3A_54 : i32 to vector<1x8192xi32>
      %eq3A_56 = arith.cmpi eq, %iota3A, %eq3A_55 : vector<1x8192xi32>
      %jit3A_57 = arith.constant 0.000000e+00 : f32
      %broadcast_in_dim3A_58 = vector.broadcast %reduce_sum3A_27 : f32 to vector<1x8192xf32>
      %broadcast_in_dim3A_59 = vector.broadcast %jit3A_57 : f32 to vector<1x8192xf32>
      %select_n3A_60 = arith.select %eq3A_56, %broadcast_in_dim3A_58, %broadcast_in_dim3A_59 : vector<1x8192xi1>, vector<1x8192xf32>
      %add3A_61 = arith.addf %slice3A_53, %select_n3A_60 : vector<1x8192xf32>
      %eq3A_62 = arith.constant 8191 : i32
      %eq3A_63 = vector.broadcast %eq3A_62 : i32 to vector<1x8192xi32>
      %eq3A_64 = arith.cmpi eq, %iota3A, %eq3A_63 : vector<1x8192xi32>
      %jit3A_65 = arith.constant 0.000000e+00 : f32
      %broadcast_in_dim3A_66 = vector.broadcast %reduce_sum3A_39 : f32 to vector<1x8192xf32>
      %broadcast_in_dim3A_67 = vector.broadcast %jit3A_65 : f32 to vector<1x8192xf32>
      %select_n3A_68 = arith.select %eq3A_64, %broadcast_in_dim3A_66, %broadcast_in_dim3A_67 : vector<1x8192xi1>, vector<1x8192xf32>
      %add3A_69 = arith.addf %add3A_61, %select_n3A_68 : vector<1x8192xf32>
      %max3A = arith.constant 9.99999997E-7 : f32
      %max3A_70 = vector.broadcast %max3A : f32 to vector<1x8192xf32>
      %max3A_71 = arith.maximumf %add3A_69, %max3A_70 : vector<1x8192xf32>
      %div3A = arith.divf %add3A_52, %max3A_71 : vector<1x8192xf32>
      %reduce_sum3A_72 = arith.constant dense<0.000000e+00> : vector<1xf32>
      %reduce_sum3A_73 = vector.multi_reduction <add>, %div3A, %reduce_sum3A_72 [1] : vector<1x8192xf32> to vector<1xf32>
      %broadcast_in_dim3A_74 = vector.shape_cast %reduce_sum3A_73 : vector<1xf32> to vector<1x1xf32>
      %max3A_75 = arith.constant 9.99999997E-7 : f32
      %max3A_76 = vector.broadcast %max3A_75 : f32 to vector<1x1xf32>
      %max3A_77 = arith.maximumf %broadcast_in_dim3A_74, %max3A_76 : vector<1x1xf32>
      %div3A_78 = vector.broadcast %max3A_77 : vector<1x1xf32> to vector<1x8192xf32>
      %div3A_79 = arith.divf %div3A, %div3A_78 : vector<1x8192xf32>
      %swap3A_80 = arith.constant 0 : index
      %swap3A_81 = arith.constant 0 : index
      %swap3A_82 = vector.load %arg4[%swap3A_80, %swap3A_81] : memref<1x8192xf32, #tpu.memory_space<vmem>>, vector<1x8192xf32>
      tpu.vector_store %arg4[%swap3A_80, %swap3A_81], %div3A_79 {strides = array<i32>} : memref<1x8192xf32, #tpu.memory_space<vmem>>, vector<1x8192xf32>,
    } else {
    }
    %get3A = arith.constant 0 : index
    %get3A_2 = arith.constant 0 : index
    %get3A_3 = vector.load %arg2[%get3A, %get3A_2] : memref<32x8192xf32, #tpu.memory_space<vmem>>, vector<32x8192xf32>
    %get3A_4 = arith.constant 0 : index
    %get3A_5 = arith.constant 0 : index
    %get3A_6 = vector.load %arg4[%get3A_4, %get3A_5] : memref<1x8192xf32, #tpu.memory_space<vmem>>, vector<1x8192xf32>
    %mul3A = vector.broadcast %get3A_6 : vector<1x8192xf32> to vector<32x8192xf32>
    %mul3A_7 = arith.mulf %get3A_3, %mul3A : vector<32x8192xf32>
    %swap3A = arith.constant 0 : index
    %swap3A_8 = arith.constant 0 : index
    %swap3A_9 = vector.load %arg3[%swap3A, %swap3A_8] : memref<32x8192xf32, #tpu.memory_space<vmem>>, vector<32x8192xf32>
    tpu.vector_store %arg3[%swap3A, %swap3A_8], %mul3A_7 {strides = array<i32>} : memref<32x8192xf32, #tpu.memory_space<vmem>>, vector<32x8192xf32>,
    return
  }
  func.func @transform_0(%arg0: i32) -> (i32, i32, i32) {
    %c0_i32 = arith.constant 0 : i32
    %c0_i32_0 = arith.constant 0 : i32
    %c0_i32_1 = arith.constant 0 : i32
    %c0_i32_2 = arith.constant 0 : i32
    return %c0_i32, %c0_i32_0, %c0_i32_1 : i32, i32, i32
  }
  func.func @transform_1(%arg0: i32) -> (i32, i32) {
    %c0_i32 = arith.constant 0 : i32
    %c0_i32_0 = arith.constant 0 : i32
    return %arg0, %c0_i32 : i32, i32
  }
  func.func @transform_2(%arg0: i32) -> (i32, i32) {
    %c0_i32 = arith.constant 0 : i32
    %c0_i32_0 = arith.constant 0 : i32
    return %arg0, %c0_i32 : i32, i32
  }
}

</mosaic_0001>

<sc_bundles>
// kernel: kernel.4.cloned.1.call-start
scs
__scs_entry_jumppad:
0x0: {  	(pc) =	sbr.rel $0x88, $3  }
0x1: {  	(tag) =	ssettag $0x0;
	lr =	simm.s32 $0x1  }
0x2: {  	[smem:$0x3F98] =	sst lr;
	_ =	strace $0xD0000000  }
0x3: {  	_ = 	snop  }
0x4: {  	_ = 	snop  }
0x5: {  	_ = 	snop  }
0x6: {  	_ = 	snop  }
0x7: {  	_ = 	snop  }
__scs_overlays_trampoline_lowered:
0x8: {  	[smem:$0x3FA7] =	sst s0  }
0x9: {  	[smem:$0x3FA8] =	sst s1  }
0xa: {  	[smem:$0x3FA9] =	sst s2  }
0xb: {  	[smem:$0x3FAA] =	sst s3  }
0xc: {  	[smem:$0x3FAB] =	sst s4  }
0xd: {  	[smem:$0x3FAC] =	sst s5  }
0xe: {  	[smem:$0x3FAD] =	sst s6  }
0xf: {  	[smem:$0x3FAE] =	sst s7  }
0x10: {  	[smem:$0x3FAF] =	sst s8  }
0x11: {  	[smem:$0x3FB0] =	sst s9;
	s0 =	simm.s32 @!p0 $0x0  }
0x12: {  	s1 =	sld [smem:$0x3F96];
	s0 =	simm.s32 @p0 $0x1  }
0x13: {  	[smem:$0x3FB1] =	sst s0;
	s0 =	simm.s32 @!p1 $0x0  }
0x14: {  	s2 =	sld [smem:$0x3F95];
	s0 =	simm.s32 @p1 $0x1  }
0x15: {  	[smem:$0x3FB2] =	sst s0;
	s0 =	simm.s32 @!p2 $0x0  }
0x16: {  	s3 =	sld [smem:$0x3FDB];
	s0 =	simm.s32 @p2 $0x1  }
0x17: {  	s4 =	simm.s32 $0x1BF5;
	[smem:$0x3FB4] =	sst s0  }
0x18: {  	s0 =	sld [smem:$0x3F97];
	_ =	swait.ge [sflag:s4], $0x0  }
0x19: {  	s7 =	sld [smem:$0x3F98]  }
0x1a: {  	s8 =	sadd.s32 $0xFFFFE003, lr  }
0x1b: {  	s9 =	sadd.s32 $0xFFFFFEF7, lr;
	s5 =	simm.s32 $0xFFFFFFFF;
	p2 =	slt.u32 s8, $0xFFFFF086  }
0x1c: {  	p1 =	slt.u32 s9, $0xF7A;
	s5 =	simm.s32 @!p2 $0x0  }
0x1d: {  	s5 =	simm.s32 @p1 $0x1;
	p0 =	seq.s32 s7, s2  }
0x1e: {  	s7 =	smul.u32 @!p0 $0xF7A, s2;
	p2 =	seq.s32 @!p0 s5, $0x0  }
0x1f: {  	s9 =	smul.u32 $0xF7A, s1;
	s8 =	simm.s32 @!p0 $0x1BF5;
	p2 =	por !p2, p0  }
0x20: {  	[sflag:s8] =	ssyncset.s32 @!p0 $0xFFFFF086;
	s6 =	sadd.s32 @!p0 s3, s7;
	s7 =	simm.s32 @!p0 $0x108  }
0x21: {  	s3 =	sadd.s32 s3, s9;
	s6 =	sadd.s32 @!p0 $0x88, s6;
	s7 =	simm.s32 @p2 $0x1082  }
0x22: {  	[simem:s7], [sflag:s8] =	dma.local @!p0 [hbm:s6], $0xF7A  }
0x23: {  	s9 =	sor.u32 $0xD0000000, s2;
	s6 =	simm.s32 $0x108;
	_ =	swait.ge @!p0 [sflag:s8], $0x0  }
0x24: {  	s3 =	sadd.s32 $0x88, s3;
	s6 =	simm.s32 @!p1 $0x1082;
	[sflag:s4] =	ssyncset.s32 $0xFFFFF086  }
0x25: {  	[simem:s6], [sflag:s4] =	dma.local [hbm:s3], $0xF7A  }
0x26: {  	[smem:$0x3F98] =	sst s1;
	(tag) =	ssettag s2;
	_ =	strace s9  }
0x27: {  	s1 =	sld [smem:$0x3FA8]  }
0x28: {  	s2 =	sld [smem:$0x3FA9]  }
0x29: {  	s4 =	sld [smem:$0x3FAB]  }
0x2a: {  	p0 =	seq.s32 s5, $0x0;
	s5 =	sld [smem:$0x3FAC]  }
0x2b: {  	s6 =	sld [smem:$0x3FAD]  }
0x2c: {  	s7 =	sld [smem:$0x3FAE]  }
0x2d: {  	s3 =	simm.s32 $0x108;
	s8 =	sld [smem:$0x3FAF]  }
0x2e: {  	s3 =	simm.s32 @!p0 $0x1082;
	s9 =	sld [smem:$0x3FB0]  }
0x2f: {  	lr =	sadd.s32 s0, s3;
	s0 =	sld [smem:$0x3FA7]  }
0x30: {  	s3 =	sld [smem:$0x3FAA]  }
0x31: {  	[smem:$0x3FB3] =	sst s10  }
0x32: {  	s10 =	sld [smem:$0x3FB1];
	_ =	sdelay $0x3  }
0x33: {  	p0 =	seq.s32 s10, $0x1;
	s10 =	sld [smem:$0x3FB3];
	_ =	sdelay $0x3  }
0x34: {  	[smem:$0x3FB3] =	sst s10  }
0x35: {  	s10 =	sld [smem:$0x3FB2];
	_ =	sdelay $0x3  }
0x36: {  	p1 =	seq.s32 s10, $0x1;
	s10 =	sld [smem:$0x3FB3];
	_ =	sdelay $0x3  }
0x37: {  	[smem:$0x3FB3] =	sst s10  }
0x38: {  	s10 =	sld [smem:$0x3FB4]  }
0x39: {  	_ = 	snop;
	(pc) =	sbr.ind lr, $3  }
0x3a: {  	_ = 	snop  }
0x3b: {  	_ = 	snop  }
0x3c: {  	p2 =	seq.s32 s10, $0x1;
	s10 =	sld [smem:$0x3FB3]  }
0x3d: {  	_ =	shalt  }
0x3e: {  	_ =	shalt  }
0x3f: {  	_ =	shalt  }
0x40: {  	_ =	shalt  }
0x41: {  	_ =	shalt  }
0x42: {  	_ =	shalt  }
0x43: {  	_ =	shalt  }
0x44: {  	_ =	shalt  }
0x45: {  	_ =	shalt  }
0x46: {  	_ =	shalt  }
0x47: {  	_ =	shalt  }
0x48: {  	_ =	shalt  }
0x49: {  	_ =	shalt  }
0x4a: {  	_ =	shalt  }
0x4b: {  	_ =	shalt  }
0x4c: {  	_ =	shalt  }
0x4d: {  	_ =	shalt  }
0x4e: {  	_ =	shalt  }
0x4f: {  	_ =	shalt  }
0x50: {  	_ =	shalt  }
0x51: {  	_ =	shalt  }
0x52: {  	_ =	shalt  }
0x53: {  	_ =	shalt  }
0x54: {  	_ =	shalt  }
0x55: {  	_ =	shalt  }
0x56: {  	_ =	shalt  }
0x57: {  	_ =	shalt  }
0x58: {  	_ =	shalt  }
0x59: {  	_ =	shalt  }
0x5a: {  	_ =	shalt  }
0x5b: {  	_ =	shalt  }
0x5c: {  	_ =	shalt  }
0x5d: {  	_ =	shalt  }
0x5e: {  	_ =	shalt  }
0x5f: {  	_ =	shalt  }
0x60: {  	_ =	shalt  }
0x61: {  	_ =	shalt  }
0x62: {  	_ =	shalt  }
0x63: {  	_ =	shalt  }
0x64: {  	_ =	shalt  }
0x65: {  	_ =	shalt  }
0x66: {  	_ =	shalt  }
0x67: {  	_ =	shalt  }
0x68: {  	_ =	shalt  }
0x69: {  	_ =	shalt  }
0x6a: {  	_ =	shalt  }
0x6b: {  	_ =	shalt  }
0x6c: {  	_ =	shalt  }
0x6d: {  	_ =	shalt  }
0x6e: {  	_ =	shalt  }
0x6f: {  	_ =	shalt  }
0x70: {  	_ =	shalt  }
0x71: {  	_ =	shalt  }
0x72: {  	_ =	shalt  }
0x73: {  	_ =	shalt  }
0x74: {  	_ =	shalt  }
0x75: {  	_ =	shalt  }
0x76: {  	_ =	shalt  }
0x77: {  	_ =	shalt  }
0x78: {  	_ =	shalt  }
0x79: {  	_ =	shalt  }
0x7a: {  	_ =	shalt  }
0x7b: {  	_ =	shalt  }
0x7c: {  	_ =	shalt  }
0x7d: {  	_ =	shalt  }
0x7e: {  	_ =	shalt  }
0x7f: {  	_ =	shalt  }
0x80: {  	_ =	shalt  }
0x81: {  	_ =	shalt  }
0x82: {  	_ =	shalt  }
0x83: {  	_ =	shalt  }
0x84: {  	_ =	shalt  }
0x85: {  	_ =	shalt  }
0x86: {  	_ =	shalt  }
0x87: {  	_ =	shalt  }
.Lfunc_end0:
.L_simem_size_0:
called_computation_lowered:
.L_overlay_start_0:
0x88: {  	s2 =	sld [smem:$0x3FD9]  }
0x89: {  	s3 =	sld [smem:$0x3FFE];
	_ =	sdelay $0x1  }
0x8a: {  	s1 =	srdreg.scid  }
0x8b: {  	s0 =	sand.u32 $0x1, s1  }
0x8c: {  	s17 =	sshll.u32 s0, $0xA;
	s2 =	sadd.s32 s3, s2  }
0x8d: {  	s2 =	sadd.s32 s2, s17  }
0x8e: {  	[smem:$0x3FBF] =	sst s2  }
0x8f: {  	_ = 	snop  }
0x90: {  	s2 =	sld [smem:$0x3FD0];
	(tm) =	ssettm $0x1  }
0x91: {  	s18 =	sld [smem:$0x3FFB];
	_ =	sdelay $0x3  }
0x92: {  	_ =	strace s18  }
0x93: {  	s3 =	sld [smem:$0x3FFC];
	_ =	sdelay $0x3  }
0x94: {  	_ =	strace s3  }
0x95: {  	s3 =	sld [smem:$0x3FFD];
	_ =	sdelay $0x3  }
0x96: {  	_ =	strace s3  }
0x97: {  	_ =	strace $0x8FFFFFFF  }
0x98: {  	s19 =	sld [smem:$0x3FDB];
	_ =	sdelay $0x1  }
0x99: {  	s4 =	simm.s32 $_scs_section_size  }
0x9a: {  	s5 =	simm.s32 $_size__tile_overlayer_lowered;
	s6 =	simm.s32 $_tile_overlayer_lowered  }
0x9b: {  	s22 =	simm.s32 $0x1BFF;
	s21 =	sshll.u32 s6, $0x1;
	s3 =	sadd.s32 s4, s19  }
0x9c: {  	s7 =	simm.s32 $0x0;
	s20 =	sshll.u32 s5, $0x1;
	s5 =	sadd.s32 s21, s3  }
0x9d: {  	[timem:s7], [sflag:s22] =	dma.local [hbm:s5], s20  }
0x9e: {  	_ =	swait.ge [sflag:s22], s20  }
0x9f: {  	s4 =	ssub.s32 $0x0, s20;
	[sflag:s22] =	ssyncset.done $0x0  }
0xa0: {  	[sflag:s22] =	ssyncadd.s32 s4;
	_ =	sdelay $0x1  }
0xa1: {  	s23 =	simm.s32 $0x1B8B  }
0xa2: {  	_ =	swait.ge [sflag:s23], $0x1  }
0xa3: {  	[sflag:s23] =	ssyncset.done $0x0  }
0xa4: {  	s25 =	simm.s32 $0x1B8E;
	s24 =	sld [smem:$0x3FFE];
	[sflag:s23] =	ssyncadd.s32 $0xFFFFFFFF  }
0xa5: {  	s26 =	simm.s32 $execute0_lowered;
	[smem:$0x3FD2] =	sst s25  }
0xa6: {  	s5 =	sshll.u32 s26, $0x1;
	_ =	strace $0x80000046;
	[dreg:$0x1] =	wrdreg $0xFFFFFFFF  }
0xa7: {  	s28 =	simm.s32 $_size_execute0_lowered;
	s3 =	sadd.s32 s3, s5;
	[dreg:$0x0] =	wrdreg $0x0  }
0xa8: {  	s5 =	sshll.u32 s28, $0x1;
	[dreg:$0x2] =	wrdreg s3  }
0xa9: {  	[dreg:$0x3] =	wrdreg s5  }
0xaa: {  	[dreg:$0x4] =	wrdreg $0xC0  }
0xab: {  	_ =	task [dreg:s7], $0x5FFFF  }
0xac: {  	[dreg:$0x1] =	wrdreg $0xFFFFFFFF  }
0xad: {  	[dreg:$0x0] =	wrdreg $0x60  }
0xae: {  	[dreg:$0x2] =	wrdreg s24  }
0xaf: {  	[dreg:$0x3] =	wrdreg s2  }
0xb0: {  	[dreg:$0x4] =	wrdreg $0x9  }
0xb1: {  	_ =	task.clear_ibuf [dreg:s7], $0x5FFFF;
	_ =	strace $0x90000046  }
0xb2: {  	s29 =	simm.s32 $0x9;
	_ =	strace $0x80000048  }
0xb3: {  	_ =	swait.ge [sflag:s29], $0x1  }
0xb4: {  	[sflag:s29] =	ssyncadd.s32 $0xFFFFFFFF  }
0xb5: {  	_ =	strace $0x90000048  }
0xb6: {  	_ =	sfence  }
0xb7: {  	s30 =	sld [smem:$0x0];
	_ =	sdelay $0x2  }
0xb8: {  	s31 =	sshll.u32 s1, $0xD;
	s1 =	sshrl.u32 s1, $0x2  }
0xb9: {  	s3 =	sand.u32 $0x4000, s31;
	s1 =	sadd.s32 s1, s30  }
0xba: {  	s0 =	sor.u32 s3, s0;
	s1 =	sshll.u32 s1, $0x11  }
0xbb: {  	s0 =	sor.u32 s1, s0  }
0xbc: {  	s0 =	sadd.s32 $0x8F2B, s0  }
0xbd: {  	[sflag:s0] =	ssyncadd.remote.s32 $0x1  }
0xbe: {  	_ =	sfence.sel $0xFFFF  }
0xbf: {  	[dreg:$0x0] =	wrdreg $0xFFFFFFFF;
	(pc) =	sbr.abs _section_cstart, $3  }
0xc0: {  	[dreg:$0x1] =	wrdreg $0xFFFFFFFF  }
0xc1: {  	_ =	task.clear_ibuf [dreg:s7], $0x2FFFF;
	_ =	strace $0x9FFFFFFF  }
0xc2: {  	(tm) =	ssettm $0x7FFFFFFF  }
0xc3: {  	_ =	shalt  }
tec
execute0_lowered:
.L_overlay_start_1:
0x0: {  	(tag) =	ssettag $0x1  }
0x1: {  	v0 =	vimm.f32 $1.500000000e+01;
	vm0 =	vcmask $0x300  }
0x2: {  	vm14 =	vcmask $0x704;
	v0 =	vsel vm0, $0x0, v0  }
0x3: {  	vm15 =	vcmask $0xB08;
	v0 =	vsel vm14, $0x3F800000, v0  }
0x4: {  	vm4 =	vcmask $0xF0C;
	v0 =	vsel vm15, $0x40000000, v0  }
0x5: {  	vm5 =	vcmask $0x1310;
	v0 =	vsel vm4, $0x40400000, v0  }
0x6: {  	vm6 =	vcmask $0x1714;
	v0 =	vsel vm5, $0x40800000, v0  }
0x7: {  	vm7 =	vcmask $0x1B18;
	v0 =	vsel vm6, $0x40A00000, v0  }
0x8: {  	vm8 =	vcmask $0x1F1C;
	v0 =	vsel vm7, $0x40C00000, v0  }
0x9: {  	vm9 =	vcmask $0x2320;
	v0 =	vsel vm8, $0x40E00000, v0  }
0xa: {  	s0 =	srdreg.scid;
	vm10 =	vcmask $0x2724;
	v0 =	vsel vm9, $0x41000000, v0  }
0xb: {  	s4 =	rddreg [dreg:$0x0];
	vm11 =	vcmask $0x2B28;
	s3 =	sand.u32 $0x1, s0;
	v0 =	vsel vm10, $0x41100000, v0  }
0xc: {  	s5 =	rddreg [dreg:$0x1];
	vm12 =	vcmask $0x2F2C;
	s0 =	stileid.u32;
	s6 =	sshll.u32 s3, $0x4;
	v0 =	vsel vm11, $0x41200000, v0  }
0xd: {  	s1 =	rddreg [dreg:$0x2];
	s2 =	simm.s32 $0x0;
	vm13 =	vcmask $0x3330;
	s6 =	sor.u32 s0, s6;
	v0 =	vsel vm12, $0x41300000, v0  }
0xe: {  	s10 =	simm.s32 $0x80;
	vm14 =	vcmask $0x3734;
	s7 =	smul.u32 $0x840, s6;
	s6 =	sshll.u32 s6, $0x8;
	v0 =	vsel vm13, $0x41400000, v0  }
0xf: {  	s11 =	simm.s32 $0x100;
	s3 =	ssub.s32 $0x2, s3;
	vm15 =	vcmask $0x3B38;
	s9 =	scvt.s32.f32 s6;
	v0 =	vsel vm14, $0x41500000, v0  }
0x10: {  	s12 =	simm.s32 $0x0;
	[smem:$0x7FF] =	sst s2;
	s8 =	sshrl.u32 s3, $0x1;
	v0 =	vsel vm15, $0x41600000, v0  }
0x11: {  	s4 =	sadd.s32 $0xA00, s4;
	_ =	strace $0x80000047;
	s8 =	ssub.s32 s3, s8;
	v0 =	vadd.f32 s9, v0  }
0x12: {  	s6 =	smax.u32 s8, $0x1;
	s8 =	simm.s32 $0x1400;
	s3 =	sadd.s32 s5, s7  }
0x13: {  	v2 =	vimm.f32 $1.000000000e+00;
	s7 =	simm.s32 $0x1;
	s5 =	sadd.s32 $0x10, s3;
	s9 =	simm.s32 $0x3500;
	[tilespmem:$0x1FFF0] =	vst v0;
	v0 =	vimm.f32 $0.0e+00  }
.LBB2_1:
0x14: {  	[tilespmem:s2], [sflag:$0x1] =	stream.linear.gather [hbm4b:s4+s2], $0x1100, $0x38;
	[tilespmem:$0x5600] =	vst v63  }
0x15: {  	_ =	swait.ge [sflag:s7], $0x1100  }
0x16: {  	[sflag:s7] =	ssyncset.done $0x0  }
0x17: {  	[sflag:s7] =	ssyncadd.s32 $0xFFFFEF00  }
0x18: {  	s13 =	simm.s32 $0x0;
	s14 =	simm.s32 $0x100;
	v4 =	vld [tilespmem:$0x1000]  }
.LBB2_2:
0x19: {  	p0 =	sne.s32 s14, $0x8300;
	[tilespmem:s13+$0x3530] =	vst v0  }
0x1a: {  	[tilespmem:s13+$0x1400] =	vst v0  }
0x1b: {  	[tilespmem:s13+$0x3500] =	vst v0  }
.Ltmp0:
0x1c: {  	[tilespmem:s13+$0x1410] =	vst v0;
	(pc) =	sbr.rel @p0 .LBB2_2-.Ltmp0, $4  }
0x1d: {  	[tilespmem:s13+$0x3510] =	vst v0  }
0x1e: {  	[tilespmem:s13+$0x1420] =	vst v0  }
0x1f: {  	[tilespmem:s13+$0x3520] =	vst v0  }
0x20: {  	[tilespmem:s13+$0x1430] =	vst v0;
	s13 =	sshra.s32 s14, $0x2;
	s14 =	sadd.s32 $0x100, s14  }
0x21: {  	[tilespmem:s13+$0x3530] =	vst v0  }
0x22: {  	[tilespmem:s13+$0x1400] =	vst v0  }
0x23: {  	[tilespmem:s13+$0x3500] =	vst v0  }
0x24: {  	[tilespmem:s13+$0x1410] =	vst v0  }
0x25: {  	[tilespmem:s13+$0x3510] =	vst v0  }
0x26: {  	[tilespmem:s13+$0x1420] =	vst v0  }
0x27: {  	[tilespmem:s13+$0x3520] =	vst v0  }
0x28: {  	[tilespmem:s13+$0x1430] =	vst v0;
	v5 =	vld [tilespmem:$0x1FFF0]  }
0x29: {  	v17 =	vld [tilespmem:$0x0]  }
0x2a: {  	v18 =	vld [tilespmem:$0x80]  }
0x2b: {  	v19 =	vld [tilespmem:$0x100]  }
0x2c: {  	v20 =	vld [tilespmem:$0x180];
	_ =	sdelay $0x1  }
0x2d: {  	v16 =	vadd.f32 v5, v4  }
0x2e: {  	v14 =	vadd.f32 $1.600000000e+01, v5  }
0x2f: {  	v0 =	vadd.f32 v16, v17;
	v1 =	vadd.f32 v16, v18  }
0x30: {  	v8 =	vimm.f32 $0.0e+00;
	v5 =	vadd.f32 v16, v19;
	v9 =	vadd.f32 v16, v20  }
0x31: {  	v15 =	vadd.f32 v14, v4;
	v31 =	vadd.f32 $1.600000000e+01, v14;
	v3 =	vmax.f32 v0, $0.0e+00  }
0x32: {  	v6 =	vmax.f32 v1, $0.0e+00;
	vm0 =	vge.f32 v0, $8.191000000e+03;
	vm1 =	vge.f32 v1, $8.191000000e+03  }
0x33: {  	vm3 =	vle.f32 v0, $0.0e+00;
	vm5 =	vle.f32 v5, $0.0e+00;
	vm2 =	vle.f32 v1, $0.0e+00  }
0x34: {  	v1 =	vmax.f32 v5, $0.0e+00;
	v12 =	vmax.f32 v9, $0.0e+00;
	vm4 =	vge.f32 v5, $8.191000000e+03  }
0x35: {  	vm8 =	vge.f32 v9, $8.191000000e+03;
	v3 =	vmin.f32 v3, $8.191000000e+03;
	v6 =	vmin.f32 v6, $8.191000000e+03  }
0x36: {  	vm2 =	vmneg vm2;
	vm4 =	vmneg vm4;
	vm7 =	vmneg vm3  }
0x37: {  	vm3 =	vmneg vm1;
	vm1 =	vle.f32 v9, $0.0e+00;
	vm6 =	vmneg vm0  }
0x38: {  	vm5 =	vmneg vm5;
	vm0 =	vmneg vm8;
	v1 =	vmin.f32 v1, $8.191000000e+03  }
0x39: {  	v7 =	vtrunc.f32 v3;
	v11 =	vsel vm2, $0x0, v2;
	v23 =	vsel vm3, $0x0, v2  }
0x3a: {  	vm1 =	vmneg vm1;
	v37 =	vsel vm5, $0x0, v2;
	v34 =	vtrunc.f32 v1  }
0x3b: {  	vm11 =	vmand vm7, vm6;
	v45 =	vsel vm6, $0x0, v2;
	vm5 =	vmand vm5, vm4  }
0x3c: {  	v10 =	vcvt.f32.s32 v7;
	v7 =	vtrunc.f32 v6;
	v9 =	vadd.f32 v23, v8  }
0x3d: {  	v23 =	vadd.f32 v11, v8;
	v34 =	vcvt.f32.s32 v34;
	v22 =	vcvt.f32.s32 v7  }
0x3e: {  	v48 =	vld [tilespmem:$0x800];
	v7 =	vsel vm7, $0x0, v2;
	v0 =	vcvt.s32.f32 v10;
	v28 =	vadd.s32 $0x1, v10  }
0x3f: {  	v21 =	vadd.f32 v7, v8;
	v62 =	vcvt.s32.f32 v34;
	v26 =	vadd.s32 $0x1, v22  }
0x40: {  	v7 =	vcvt.s32.f32 v22;
	v13 =	vsub.f32 v3, v0;
	v0 =	vmin.f32 v12, $8.191000000e+03  }
0x41: {  	v40 =	vsub.f32 v1, v62;
	v1 =	vadd.s32 $0x1, v34;
	v3 =	vtrunc.f32 v0  }
0x42: {  	v50 =	vld [tilespmem:$0x880];
	v30 =	vsub.f32 v6, v7;
	v6 =	vadd.f32 v15, v17;
	v7 =	vsel vm4, $0x0, v2  }
0x43: {  	v12 =	vsub.f32 $1.000000000e+00, v13;
	v5 =	vmul.f32 v13, v48;
	v24 =	vcvt.f32.s32 v3  }
0x44: {  	v3 =	vsel vm0, $0x0, v2;
	v39 =	vadd.f32 v8, v7;
	vm0 =	vmand vm1, vm0  }
0x45: {  	v32 =	vsub.f32 $1.000000000e+00, v30;
	vm7 =	vge.f32 v6, $8.191000000e+03;
	v43 =	vadd.f32 v8, v3  }
0x46: {  	v49 =	vld [tilespmem:$0x980];
	vm8 =	vle.f32 v6, $0.0e+00;
	v36 =	vmul.f32 v12, v48;
	v11 =	vcvt.s32.f32 v24  }
0x47: {  	v27 =	vadd.s32 $0x1, v24;
	vm12 =	vmneg vm7;
	v41 =	vmul.f32 v32, v50  }
0x48: {  	v25 =	vsub.f32 v0, v11;
	v11 =	vadd.f32 v15, v18;
	v0 =	vmax.f32 v6, $0.0e+00  }
0x49: {  	v6 =	vsel vm1, $0x0, v2;
	vm1 =	vmneg vm8;
	vm8 =	vmand vm2, vm3  }
0x4a: {  	v51 =	vld [tilespmem:$0x900];
	v33 =	vmin.f32 v0, $8.191000000e+03;
	v44 =	vadd.f32 v8, v6;
	v6 =	vadd.f32 v15, v19  }
0x4b: {  	[tilespmem:v10+s8+$0x0] =	vst.idx.add.f32.msk vm11, v36;
	v29 =	vsub.f32 $1.000000000e+00, v25;
	v3 =	vmul.f32 v25, v49;
	v7 =	vmax.f32 v11, $0.0e+00  }
0x4c: {  	[tilespmem:v28+s8+$0x0] =	vst.idx.add.f32.msk vm11, v5;
	vm6 =	vle.f32 v11, $0.0e+00;
	vm2 =	vge.f32 v11, $8.191000000e+03;
	v11 =	vadd.f32 v15, v20  }
0x4d: {  	[tilespmem:v10+s9+$0x0] =	vst.idx.add.f32.msk vm11, v12;
	v10 =	vmul.f32 v30, v50;
	v35 =	vmin.f32 v7, $8.191000000e+03;
	v7 =	vadd.f32 v8, v37  }
0x4e: {  	vm3 =	vmneg vm6;
	vm9 =	vmneg vm2;
	v38 =	vmax.f32 v6, $0.0e+00  }
0x4f: {  	vm2 =	vle.f32 v6, $0.0e+00;
	vm4 =	vge.f32 v6, $8.191000000e+03;
	v8 =	vadd.f32 v45, v8  }
0x50: {  	v0 =	vmul.f32 v29, v49;
	v46 =	vtrunc.f32 v35;
	v47 =	vmax.f32 v11, $0.0e+00  }
0x51: {  	v38 =	vmin.f32 v38, $8.191000000e+03;
	vm2 =	vmneg vm2;
	vm4 =	vmneg vm4  }
0x52: {  	v63 =	vsel vm9, $0x0, v2;
	vm6 =	vle.f32 v11, $0.0e+00;
	vm7 =	vge.f32 v11, $8.191000000e+03  }
0x53: {  	v11 =	vtrunc.f32 v33;
	v6 =	vtrunc.f32 v38;
	v42 =	vsel vm2, $0x0, v2  }
0x54: {  	v54 =	vadd.f32 v63, v9;
	v9 =	vsel vm4, $0x0, v2;
	vm6 =	vmneg vm6  }
0x55: {  	v36 =	vmin.f32 v47, $8.191000000e+03;
	vm10 =	vmneg vm7;
	vm7 =	vmand vm1, vm12  }
0x56: {  	v37 =	vcvt.f32.s32 v46;
	v52 =	vadd.f32 v7, v42;
	v7 =	vsub.f32 $1.000000000e+00, v40  }
0x57: {  	v53 =	vadd.f32 v39, v9;
	v42 =	vmul.f32 v40, v51;
	v9 =	vsel vm6, $0x0, v2  }
0x58: {  	[tilespmem:v28+s9+$0x0] =	vst.idx.add.f32.msk vm11, v13;
	v5 =	vtrunc.f32 v36;
	v39 =	vcvt.f32.s32 v11;
	v11 =	vsel vm10, $0x0, v2  }
0x59: {  	[tilespmem:v22+s8+$0x0] =	vst.idx.add.f32.msk vm8, v41;
	v41 =	vsel vm3, $0x0, v2;
	v44 =	vadd.f32 v44, v9;
	v9 =	vsel vm12, $0x0, v2  }
0x5a: {  	s13 =	simm.s32 $0x7;
	v43 =	vadd.f32 v43, v11;
	[tilespmem:v26+s8+$0x0] =	vst.idx.add.f32.msk vm8, v10;
	v10 =	vcvt.s32.f32 v37;
	v11 =	vcvt.s32.f32 v39  }
.LBB2_4:
0x5b: {  	p0 =	sne.s32 s13, $0x1;
	s13 =	sadd.s32 $0xFFFFFFFF, s13;
	[tilespmem:v22+s9+$0x0] =	vst.idx.add.f32.msk vm8, v32;
	v12 =	vmul.f32 v7, v51;
	v28 =	vadd.f32 v9, v8;
	v6 =	vcvt.f32.s32 v6  }
0x5c: {  	vm3 =	vmand vm3, vm9;
	[tilespmem:v26+s9+$0x0] =	vst.idx.add.f32.msk vm8, v30;
	v8 =	vsub.f32 v33, v11;
	v9 =	vsub.f32 v35, v10  }
0x5d: {  	v10 =	vadd.f32 v41, v23;
	[tilespmem:v34+s8+$0x0] =	vst.idx.add.f32.msk vm5, v12;
	v11 =	vcvt.s32.f32 v6;
	v12 =	vadd.s32 $0x1, v6  }
0x5e: {  	v13 =	vsel vm1, $0x0, v2;
	v23 =	vadd.s32 $0x1, v37;
	[tilespmem:v1+s8+$0x0] =	vst.idx.add.f32.msk vm5, v42;
	v22 =	vsub.f32 $1.000000000e+00, v9  }
0x5f: {  	v13 =	vadd.f32 v13, v21;
	[tilespmem:v34+s9+$0x0] =	vst.idx.add.f32.msk vm5, v7;
	v7 =	vadd.s32 $0x1, v39;
	v11 =	vsub.f32 v38, v11  }
0x60: {  	v21 =	vmul.f32 v8, v48;
	[tilespmem:v1+s9+$0x0] =	vst.idx.add.f32.msk vm5, v40;
	v1 =	vsub.f32 $1.000000000e+00, v8;
	v26 =	vmul.f32 v22, v50  }
0x61: {  	vm1 =	vmand vm2, vm4;
	v5 =	vcvt.f32.s32 v5;
	[tilespmem:v24+s8+$0x0] =	vst.idx.add.f32.msk vm0, v0;
	v0 =	vmul.f32 v9, v50  }
0x62: {  	v30 =	vadd.f32 v31, v4;
	v32 =	vsub.f32 $1.000000000e+00, v11;
	[tilespmem:v27+s8+$0x0] =	vst.idx.add.f32.msk vm0, v3;
	v3 =	vmul.f32 v1, v48  }
0x63: {  	v31 =	vadd.f32 $1.600000000e+01, v31;
	[tilespmem:v24+s9+$0x0] =	vst.idx.add.f32.msk vm0, v29;
	v24 =	vmul.f32 v11, v51;
	v29 =	vcvt.s32.f32 v5  }
0x64: {  	v33 =	vadd.f32 v30, v17;
	v34 =	vadd.f32 v30, v18;
	[tilespmem:v27+s9+$0x0] =	vst.idx.add.f32.msk vm0, v25;
	vm0 =	vmand vm6, vm10  }
0x65: {  	v25 =	vadd.f32 v30, v19;
	v27 =	vadd.s32 $0x1, v5;
	[tilespmem:v39+s8+$0x0] =	vst.idx.add.f32.msk vm7, v3;
	v3 =	vsub.f32 v36, v29  }
0x66: {  	v35 =	vmax.f32 v34, $0.0e+00;
	v29 =	vmax.f32 v33, $0.0e+00;
	[tilespmem:v7+s8+$0x0] =	vst.idx.add.f32.msk vm7, v21;
	v21 =	vmul.f32 v32, v51  }
0x67: {  	v35 =	vmin.f32 v35, $8.191000000e+03;
	v30 =	vadd.f32 v30, v20;
	v29 =	vmin.f32 v29, $8.191000000e+03;
	[tilespmem:v39+s9+$0x0] =	vst.idx.add.f32.msk vm7, v1  }
0x68: {  	vm5 =	vge.f32 v33, $8.191000000e+03;
	vm6 =	vge.f32 v34, $8.191000000e+03;
	v1 =	vtrunc.f32 v29;
	[tilespmem:v7+s9+$0x0] =	vst.idx.add.f32.msk vm7, v8  }
0x69: {  	vm8 =	vle.f32 v33, $0.0e+00;
	v1 =	vcvt.f32.s32 v1;
	vm7 =	vle.f32 v25, $0.0e+00;
	[tilespmem:v37+s8+$0x0] =	vst.idx.add.f32.msk vm3, v26  }
0x6a: {  	vm2 =	vle.f32 v34, $0.0e+00;
	v7 =	vmax.f32 v25, $0.0e+00;
	[tilespmem:v23+s8+$0x0] =	vst.idx.add.f32.msk vm3, v0;
	v0 =	vmul.f32 v3, v49  }
0x6b: {  	vm2 =	vmneg vm2;
	v33 =	vsub.f32 $1.000000000e+00, v3;
	v8 =	vcvt.s32.f32 v1;
	[tilespmem:v37+s9+$0x0] =	vst.idx.add.f32.msk vm3, v22  }
0x6c: {  	v34 =	vsel vm2, $0x0, v2;
	v26 =	vmax.f32 v30, $0.0e+00;
	v22 =	vtrunc.f32 v35;
	[tilespmem:v23+s9+$0x0] =	vst.idx.add.f32.msk vm3, v9  }
0x6d: {  	v8 =	vsub.f32 v29, v8;
	v22 =	vcvt.f32.s32 v22;
	vm3 =	vge.f32 v25, $8.191000000e+03;
	[tilespmem:v6+s8+$0x0] =	vst.idx.add.f32.msk vm1, v21  }
0x6e: {  	v9 =	vadd.s32 $0x1, v1;
	v25 =	vmin.f32 v26, $8.191000000e+03;
	vm4 =	vmneg vm3;
	[tilespmem:v12+s8+$0x0] =	vst.idx.add.f32.msk vm1, v24  }
0x6f: {  	v36 =	vsub.f32 $1.000000000e+00, v8;
	v37 =	vmul.f32 v8, v48;
	[tilespmem:v6+s9+$0x0] =	vst.idx.add.f32.msk vm1, v32;
	v6 =	vmul.f32 v33, v49  }
0x70: {  	vm8 =	vmneg vm8;
	vm3 =	vmneg vm6;
	v23 =	vtrunc.f32 v25;
	[tilespmem:v12+s9+$0x0] =	vst.idx.add.f32.msk vm1, v11  }
0x71: {  	v29 =	vsel vm3, $0x0, v2;
	v11 =	vmul.f32 v36, v48;
	v12 =	vsel vm8, $0x0, v2;
	[tilespmem:v5+s8+$0x0] =	vst.idx.add.f32.msk vm0, v6  }
0x72: {  	vm9 =	vge.f32 v30, $8.191000000e+03;
	vm1 =	vle.f32 v30, $0.0e+00;
	v21 =	vadd.f32 v12, v13;
	[tilespmem:v27+s8+$0x0] =	vst.idx.add.f32.msk vm0, v0  }
0x73: {  	v26 =	vadd.s32 $0x1, v22;
	vm1 =	vmneg vm1;
	v6 =	vadd.f32 v31, v4;
	[tilespmem:v5+s9+$0x0] =	vst.idx.add.f32.msk vm0, v33  }
0x74: {  	vm9 =	vmneg vm9;
	vm6 =	vmneg vm5;
	vm5 =	vmneg vm7;
	[tilespmem:v27+s9+$0x0] =	vst.idx.add.f32.msk vm0, v3  }
0x75: {  	v24 =	vcvt.f32.s32 v23;
	v0 =	vcvt.s32.f32 v22;
	v3 =	vsel vm9, $0x0, v2  }
0x76: {  	v7 =	vmin.f32 v7, $8.191000000e+03;
	v12 =	vsel vm5, $0x0, v2;
	v5 =	vadd.f32 v29, v54  }
0x77: {  	v23 =	vadd.f32 v34, v10;
	v10 =	vtrunc.f32 v7;
	v13 =	vcvt.s32.f32 v24  }
0x78: {  	vm7 =	vmand vm8, vm6;
	v34 =	vadd.f32 v6, v17;
	v30 =	vsub.f32 v35, v0  }
0x79: {  	v25 =	vsub.f32 v25, v13;
	v13 =	vadd.f32 v6, v18;
	v0 =	vsel vm4, $0x0, v2  }
0x7a: {  	v39 =	vadd.f32 v53, v0;
	v0 =	vmax.f32 v34, $0.0e+00;
	v32 =	vsub.f32 $1.000000000e+00, v30  }
0x7b: {  	v27 =	vadd.s32 $0x1, v24;
	v29 =	vsub.f32 $1.000000000e+00, v25;
	vm8 =	vge.f32 v34, $8.191000000e+03  }
0x7c: {  	v31 =	vadd.f32 $1.600000000e+01, v31;
	vm0 =	vmand vm1, vm9;
	v33 =	vmin.f32 v0, $8.191000000e+03  }
0x7d: {  	v43 =	vadd.f32 v43, v3;
	vm9 =	vle.f32 v34, $0.0e+00;
	v0 =	vmul.f32 v29, v49  }
0x7e: {  	v3 =	vmul.f32 v25, v49;
	[tilespmem:v1+s8+$0x0] =	vst.idx.add.f32.msk vm7, v11;
	v11 =	vsel vm1, $0x0, v2;
	vm1 =	vmneg vm9  }
0x7f: {  	v35 =	vmax.f32 v13, $0.0e+00;
	v41 =	vmul.f32 v32, v50;
	[tilespmem:v9+s8+$0x0] =	vst.idx.add.f32.msk vm7, v37;
	v11 =	vadd.f32 v44, v11  }
0x80: {  	v34 =	vcvt.f32.s32 v10;
	vm11 =	vmneg vm8;
	v35 =	vmin.f32 v35, $8.191000000e+03;
	[tilespmem:v1+s9+$0x0] =	vst.idx.add.f32.msk vm7, v36  }
0x81: {  	[tilespmem:v9+s9+$0x0] =	vst.idx.add.f32.msk vm7, v8;
	v8 =	vsel vm6, $0x0, v2;
	v9 =	vtrunc.f32 v35;
	vm6 =	vle.f32 v13, $0.0e+00  }
0x82: {  	v10 =	vadd.f32 v52, v12;
	vm8 =	vmand vm2, vm3;
	vm3 =	vmneg vm6  }
0x83: {  	v12 =	vadd.f32 v6, v20;
	vm2 =	vge.f32 v13, $8.191000000e+03;
	v1 =	vadd.f32 v6, v19  }
0x84: {  	vm5 =	vmand vm5, vm4;
	vm9 =	vmneg vm2;
	v6 =	vcvt.s32.f32 v34  }
0x85: {  	v36 =	vmax.f32 v12, $0.0e+00;
	v13 =	vmax.f32 v1, $0.0e+00;
	vm2 =	vle.f32 v1, $0.0e+00  }
0x86: {  	vm4 =	vge.f32 v1, $8.191000000e+03;
	v38 =	vmin.f32 v13, $8.191000000e+03;
	vm2 =	vmneg vm2  }
0x87: {  	v40 =	vsub.f32 v7, v6;
	vm4 =	vmneg vm4;
	v6 =	vtrunc.f32 v38  }
0x88: {  	v1 =	vadd.s32 $0x1, v34;
	v7 =	vsel vm9, $0x0, v2;
	v13 =	vsel vm2, $0x0, v2  }
0x89: {  	v54 =	vadd.f32 v7, v5;
	v52 =	vadd.f32 v10, v13;
	v10 =	vsel vm4, $0x0, v2  }
0x8a: {  	v36 =	vmin.f32 v36, $8.191000000e+03;
	v7 =	vsub.f32 $1.000000000e+00, v40;
	v42 =	vmul.f32 v40, v51  }
0x8b: {  	vm6 =	vle.f32 v12, $0.0e+00;
	v5 =	vtrunc.f32 v36;
	v13 =	vtrunc.f32 v33  }
0x8c: {  	vm7 =	vge.f32 v12, $8.191000000e+03;
	vm6 =	vmneg vm6;
	v53 =	vadd.f32 v39, v10  }
.Ltmp1:
0x8d: {  	vm10 =	vmneg vm7;
	v39 =	vcvt.f32.s32 v13;
	v10 =	vsel vm6, $0x0, v2;
	(pc) =	sbr.rel @p0 .LBB2_4-.Ltmp1, $4  }
0x8e: {  	vm7 =	vmand vm1, vm11;
	v44 =	vadd.f32 v11, v10;
	v10 =	vsel vm10, $0x0, v2  }
0x8f: {  	v8 =	vadd.f32 v8, v28;
	v37 =	vcvt.f32.s32 v9;
	v11 =	vmul.f32 v30, v50  }
0x90: {  	v9 =	vsel vm11, $0x0, v2;
	v43 =	vadd.f32 v43, v10;
	[tilespmem:v22+s8+$0x0] =	vst.idx.add.f32.msk vm8, v41;
	v41 =	vsel vm3, $0x0, v2  }
0x91: {  	v10 =	vcvt.s32.f32 v37;
	[tilespmem:v26+s8+$0x0] =	vst.idx.add.f32.msk vm8, v11;
	v11 =	vcvt.s32.f32 v39  }
0x92: {  	_ =	sdelay $0x4  }
0x93: {  	[tilespmem:v22+s9+$0x0] =	vst.idx.add.f32.msk vm8, v32;
	v12 =	vmul.f32 v7, v51  }
0x94: {  	[tilespmem:v26+s9+$0x0] =	vst.idx.add.f32.msk vm8, v30  }
0x95: {  	[tilespmem:v34+s8+$0x0] =	vst.idx.add.f32.msk vm5, v12  }
0x96: {  	[tilespmem:v1+s8+$0x0] =	vst.idx.add.f32.msk vm5, v42  }
0x97: {  	v11 =	vsub.f32 v33, v11;
	[tilespmem:v34+s9+$0x0] =	vst.idx.add.f32.msk vm5, v7  }
0x98: {  	[tilespmem:v1+s9+$0x0] =	vst.idx.add.f32.msk vm5, v40  }
0x99: {  	v7 =	vsub.f32 $1.000000000e+00, v11;
	v1 =	vadd.s32 $0x1, v39;
	[tilespmem:v24+s8+$0x0] =	vst.idx.add.f32.msk vm0, v0  }
0x9a: {  	vm3 =	vmand vm3, vm9;
	[tilespmem:v27+s8+$0x0] =	vst.idx.add.f32.msk vm0, v3  }
0x9b: {  	v0 =	vcvt.f32.s32 v6;
	v6 =	vmul.f32 v7, v48;
	v3 =	vsub.f32 v35, v10;
	[tilespmem:v24+s9+$0x0] =	vst.idx.add.f32.msk vm0, v29  }
0x9c: {  	v12 =	vmul.f32 v11, v48;
	[tilespmem:v27+s9+$0x0] =	vst.idx.add.f32.msk vm0, v25  }
0x9d: {  	v17 =	vadd.s32 $0x1, v37;
	v10 =	vcvt.s32.f32 v0;
	v13 =	vsub.f32 $1.000000000e+00, v3;
	[tilespmem:v39+s8+$0x0] =	vst.idx.add.f32.msk vm7, v6  }
0x9e: {  	v5 =	vcvt.f32.s32 v5;
	[tilespmem:v1+s8+$0x0] =	vst.idx.add.f32.msk vm7, v12  }
0x9f: {  	vm0 =	vmand vm2, vm4;
	v6 =	vsub.f32 v38, v10;
	v10 =	vmul.f32 v13, v50;
	[tilespmem:v39+s9+$0x0] =	vst.idx.add.f32.msk vm7, v7  }
0xa0: {  	v7 =	vmul.f32 v3, v50;
	[tilespmem:v1+s9+$0x0] =	vst.idx.add.f32.msk vm7, v11  }
0xa1: {  	v12 =	vcvt.s32.f32 v5;
	v1 =	vadd.s32 $0x1, v0;
	v11 =	vsub.f32 $1.000000000e+00, v6;
	[tilespmem:v37+s8+$0x0] =	vst.idx.add.f32.msk vm3, v10  }
0xa2: {  	[tilespmem:v17+s8+$0x0] =	vst.idx.add.f32.msk vm3, v7  }
0xa3: {  	vm2 =	vmand vm6, vm10;
	v7 =	vsub.f32 v36, v12;
	v10 =	vmul.f32 v11, v51;
	[tilespmem:v37+s9+$0x0] =	vst.idx.add.f32.msk vm3, v13  }
0xa4: {  	v12 =	vmul.f32 v6, v51;
	[tilespmem:v17+s9+$0x0] =	vst.idx.add.f32.msk vm3, v3  }
0xa5: {  	v3 =	vadd.s32 $0x1, v5;
	v13 =	vsub.f32 $1.000000000e+00, v7;
	[tilespmem:v0+s8+$0x0] =	vst.idx.add.f32.msk vm0, v10  }
0xa6: {  	[tilespmem:v1+s8+$0x0] =	vst.idx.add.f32.msk vm0, v12  }
0xa7: {  	[tilespmem:v0+s9+$0x0] =	vst.idx.add.f32.msk vm0, v11;
	v0 =	vmul.f32 v13, v49  }
0xa8: {  	v10 =	vmul.f32 v7, v49;
	[tilespmem:v1+s9+$0x0] =	vst.idx.add.f32.msk vm0, v6  }
0xa9: {  	[tilespmem:v5+s8+$0x0] =	vst.idx.add.f32.msk vm2, v0  }
0xaa: {  	[tilespmem:v3+s8+$0x0] =	vst.idx.add.f32.msk vm2, v10  }
0xab: {  	[tilespmem:v5+s9+$0x0] =	vst.idx.add.f32.msk vm2, v13  }
0xac: {  	[tilespmem:v3+s9+$0x0] =	vst.idx.add.f32.msk vm2, v7  }
0xad: {  	v29 =	vld [tilespmem:$0x200]  }
0xae: {  	v30 =	vld [tilespmem:$0x280]  }
0xaf: {  	v31 =	vld [tilespmem:$0x300]  }
0xb0: {  	v1 =	vadd.f32 v41, v23;
	v32 =	vld [tilespmem:$0x380]  }
0xb1: {  	[tilespmem:$0x1FF30] =	vst v43;
	v0 =	vadd.f32 v9, v8  }
0xb2: {  	v43 =	vadd.f32 $1.600000000e+01, v14;
	[tilespmem:$0x1FFD0] =	vst v1;
	v1 =	vsel vm1, $0x0, v2  }
0xb3: {  	[tilespmem:$0x1FFC0] =	vst v0;
	v1 =	vadd.f32 v1, v21;
	v0 =	vadd.f32 v16, v29  }
0xb4: {  	v3 =	vadd.f32 v16, v30;
	v5 =	vadd.f32 v16, v31  }
0xb5: {  	v8 =	vimm.f32 $0.0e+00;
	v7 =	vadd.f32 v16, v32;
	v62 =	vadd.f32 v15, v32  }
0xb6: {  	[tilespmem:$0x1FFE0] =	vst v1;
	v1 =	vmax.f32 v0, $0.0e+00;
	v6 =	vmax.f32 v3, $0.0e+00;
	vm0 =	vge.f32 v0, $8.191000000e+03  }
0xb7: {  	vm1 =	vge.f32 v3, $8.191000000e+03;
	vm3 =	vle.f32 v0, $0.0e+00;
	vm5 =	vle.f32 v5, $0.0e+00  }
0xb8: {  	vm2 =	vle.f32 v3, $0.0e+00;
	v0 =	vmax.f32 v5, $0.0e+00;
	v12 =	vmax.f32 v7, $0.0e+00  }
0xb9: {  	vm4 =	vge.f32 v5, $8.191000000e+03;
	vm8 =	vge.f32 v7, $8.191000000e+03;
	v45 =	vmax.f32 v62, $0.0e+00  }
0xba: {  	v1 =	vmin.f32 v1, $8.191000000e+03;
	v6 =	vmin.f32 v6, $8.191000000e+03;
	vm2 =	vmneg vm2  }
0xbb: {  	vm4 =	vmneg vm4;
	vm7 =	vmneg vm3;
	vm3 =	vmneg vm1  }
0xbc: {  	vm1 =	vle.f32 v7, $0.0e+00;
	vm6 =	vmneg vm0;
	vm5 =	vmneg vm5  }
0xbd: {  	vm0 =	vmneg vm8;
	v26 =	vmin.f32 v0, $8.191000000e+03;
	v45 =	vmin.f32 v45, $8.191000000e+03  }
0xbe: {  	v9 =	vtrunc.f32 v1;
	v10 =	vtrunc.f32 v6;
	v11 =	vsel vm2, $0x0, v2  }
0xbf: {  	v17 =	vsel vm7, $0x0, v2;
	v19 =	vsel vm3, $0x0, v2;
	vm1 =	vmneg vm1  }
0xc0: {  	v23 =	vsel vm5, $0x0, v2;
	vm11 =	vmand vm7, vm6;
	v9 =	vcvt.f32.s32 v9  }
0xc1: {  	v34 =	vcvt.f32.s32 v10;
	v35 =	vadd.f32 v11, v8;
	v11 =	vtrunc.f32 v26  }
0xc2: {  	v18 =	vld [tilespmem:$0xA00];
	vm5 =	vmand vm5, vm4;
	v33 =	vadd.f32 v17, v8;
	v20 =	vcvt.f32.s32 v11  }
0xc3: {  	v24 =	vadd.f32 v19, v8;
	v3 =	vcvt.s32.f32 v9;
	v7 =	vcvt.s32.f32 v34  }
0xc4: {  	v11 =	vsel vm6, $0x0, v2;
	v10 =	vadd.s32 $0x1, v9;
	v38 =	vadd.s32 $0x1, v34  }
0xc5: {  	v13 =	vsub.f32 v1, v3;
	v1 =	vmin.f32 v12, $8.191000000e+03;
	v42 =	vsub.f32 v6, v7  }
0xc6: {  	v6 =	vadd.f32 v15, v29;
	v7 =	vsel vm4, $0x0, v2;
	v3 =	vtrunc.f32 v1  }
0xc7: {  	v22 =	vld [tilespmem:$0xA80];
	v28 =	vadd.f32 v8, v7;
	v12 =	vsub.f32 $1.000000000e+00, v13;
	v5 =	vmul.f32 v13, v18  }
0xc8: {  	v36 =	vcvt.f32.s32 v3;
	v3 =	vsel vm0, $0x0, v2;
	v17 =	vsub.f32 $1.000000000e+00, v42  }
0xc9: {  	vm7 =	vge.f32 v6, $8.191000000e+03;
	vm0 =	vmand vm1, vm0;
	vm8 =	vle.f32 v6, $0.0e+00  }
0xca: {  	v59 =	vadd.f32 v8, v3;
	vm12 =	vmneg vm7;
	v0 =	vcvt.s32.f32 v36  }
0xcb: {  	v21 =	vld [tilespmem:$0xB80];
	vm7 =	vge.f32 v62, $8.191000000e+03;
	v25 =	vmul.f32 v12, v18;
	v39 =	vadd.s32 $0x1, v36  }
0xcc: {  	v60 =	vmul.f32 v17, v22;
	vm10 =	vmneg vm7;
	v37 =	vsub.f32 v1, v0  }
0xcd: {  	v1 =	vadd.f32 v15, v30;
	v0 =	vmax.f32 v6, $0.0e+00;
	v6 =	vsel vm1, $0x0, v2  }
0xce: {  	vm1 =	vmneg vm8;
	vm8 =	vmand vm2, vm3;
	v19 =	vmin.f32 v0, $8.191000000e+03  }
0xcf: {  	v46 =	vadd.f32 v8, v6;
	v6 =	vcvt.s32.f32 v20;
	vm7 =	vmand vm1, vm12  }
0xd0: {  	v41 =	vsub.f32 $1.000000000e+00, v37;
	v3 =	vmul.f32 v37, v21;
	v7 =	vmax.f32 v1, $0.0e+00  }
0xd1: {  	[tilespmem:$0x1FF40] =	vst v54;
	vm6 =	vle.f32 v1, $0.0e+00;
	vm2 =	vge.f32 v1, $8.191000000e+03;
	v1 =	vadd.f32 v15, v31  }
0xd2: {  	[tilespmem:$0x1FF60] =	vst v44;
	v44 =	vmin.f32 v7, $8.191000000e+03;
	v7 =	vadd.f32 v8, v23;
	vm3 =	vmneg vm6  }
0xd3: {  	[tilespmem:$0x1FFB0] =	vst v49;
	vm9 =	vmneg vm2;
	v49 =	vsub.f32 v26, v6;
	vm6 =	vle.f32 v62, $0.0e+00  }
0xd4: {  	[tilespmem:$0x1FF50] =	vst v53;
	v8 =	vadd.f32 v11, v8;
	v11 =	vsel vm10, $0x0, v2;
	v0 =	vmul.f32 v41, v21  }
0xd5: {  	[tilespmem:$0x1FF90] =	vst v50;
	v23 =	vld [tilespmem:$0xB00];
	v61 =	vtrunc.f32 v44;
	v27 =	vmax.f32 v1, $0.0e+00;
	vm2 =	vle.f32 v1, $0.0e+00  }
0xd6: {  	[tilespmem:v9+s8+$0x0] =	vst.idx.add.f32.msk vm11, v25;
	vm4 =	vge.f32 v1, $8.191000000e+03;
	v26 =	vsel vm9, $0x0, v2;
	v1 =	vadd.s32 $0x1, v20  }
0xd7: {  	vm6 =	vmneg vm6;
	[tilespmem:v10+s8+$0x0] =	vst.idx.add.f32.msk vm11, v5;
	v5 =	vtrunc.f32 v45;
	v50 =	vsel vm3, $0x0, v2  }
0xd8: {  	[tilespmem:$0x1FF70] =	vst v52;
	v47 =	vmin.f32 v27, $8.191000000e+03;
	vm2 =	vmneg vm2;
	vm4 =	vmneg vm4  }
0xd9: {  	v27 =	vadd.f32 v26, v24;
	v25 =	vsel vm6, $0x0, v2;
	[tilespmem:v9+s9+$0x0] =	vst.idx.add.f32.msk vm11, v12;
	v9 =	vsel vm12, $0x0, v2  }
0xda: {  	[tilespmem:$0x1FF80] =	vst v48;
	v6 =	vtrunc.f32 v47;
	v63 =	vsel vm2, $0x0, v2;
	v26 =	vsel vm4, $0x0, v2  }
0xdb: {  	[tilespmem:v10+s9+$0x0] =	vst.idx.add.f32.msk vm11, v13;
	v10 =	vmul.f32 v42, v22;
	v26 =	vadd.f32 v28, v26;
	v28 =	vtrunc.f32 v19  }
0xdc: {  	[tilespmem:$0x1FFA0] =	vst v51;
	v25 =	vadd.f32 v46, v25;
	v46 =	vcvt.f32.s32 v61;
	v48 =	vcvt.f32.s32 v28  }
0xdd: {  	v24 =	vadd.f32 v7, v63;
	v7 =	vsub.f32 $1.000000000e+00, v49;
	[tilespmem:v34+s8+$0x0] =	vst.idx.add.f32.msk vm8, v60;
	v51 =	vmul.f32 v49, v23  }
0xde: {  	s13 =	simm.s32 $0x7;
	v28 =	vadd.f32 v59, v11;
	[tilespmem:v38+s8+$0x0] =	vst.idx.add.f32.msk vm8, v10;
	v10 =	vcvt.s32.f32 v46;
	v11 =	vcvt.s32.f32 v48  }
.LBB2_6:
0xdf: {  	p0 =	sne.s32 s13, $0x1;
	s13 =	sadd.s32 $0xFFFFFFFF, s13;
	[tilespmem:v34+s9+$0x0] =	vst.idx.add.f32.msk vm8, v17;
	v12 =	vmul.f32 v7, v23;
	v40 =	vadd.f32 v9, v8;
	v6 =	vcvt.f32.s32 v6  }
0xe0: {  	vm3 =	vmand vm3, vm9;
	[tilespmem:v38+s9+$0x0] =	vst.idx.add.f32.msk vm8, v42;
	v8 =	vsub.f32 v19, v11;
	v9 =	vsub.f32 v44, v10  }
0xe1: {  	v10 =	vadd.f32 v50, v35;
	[tilespmem:v20+s8+$0x0] =	vst.idx.add.f32.msk vm5, v12;
	v11 =	vcvt.s32.f32 v6;
	v12 =	vadd.s32 $0x1, v6  }
0xe2: {  	v13 =	vsel vm1, $0x0, v2;
	v19 =	vadd.s32 $0x1, v46;
	[tilespmem:v1+s8+$0x0] =	vst.idx.add.f32.msk vm5, v51;
	v17 =	vsub.f32 $1.000000000e+00, v9  }
0xe3: {  	v13 =	vadd.f32 v13, v33;
	[tilespmem:v20+s9+$0x0] =	vst.idx.add.f32.msk vm5, v7;
	v7 =	vadd.s32 $0x1, v48;
	v11 =	vsub.f32 v47, v11  }
0xe4: {  	v20 =	vmul.f32 v8, v18;
	[tilespmem:v1+s9+$0x0] =	vst.idx.add.f32.msk vm5, v49;
	v1 =	vsub.f32 $1.000000000e+00, v8;
	v33 =	vmul.f32 v17, v22  }
0xe5: {  	vm1 =	vmand vm2, vm4;
	v5 =	vcvt.f32.s32 v5;
	[tilespmem:v36+s8+$0x0] =	vst.idx.add.f32.msk vm0, v0;
	v0 =	vmul.f32 v9, v22  }
0xe6: {  	v34 =	vadd.f32 v43, v4;
	v35 =	vsub.f32 $1.000000000e+00, v11;
	[tilespmem:v39+s8+$0x0] =	vst.idx.add.f32.msk vm0, v3;
	v3 =	vmul.f32 v1, v18  }
0xe7: {  	v43 =	vadd.f32 $1.600000000e+01, v43;
	v38 =	vcvt.s32.f32 v5;
	[tilespmem:v36+s9+$0x0] =	vst.idx.add.f32.msk vm0, v41;
	v36 =	vmul.f32 v11, v23  }
0xe8: {  	v42 =	vadd.f32 v34, v30;
	v41 =	vadd.f32 v34, v29;
	[tilespmem:v39+s9+$0x0] =	vst.idx.add.f32.msk vm0, v37;
	vm0 =	vmand vm6, vm10  }
0xe9: {  	v37 =	vadd.f32 v34, v31;
	v39 =	vadd.s32 $0x1, v5;
	[tilespmem:v48+s8+$0x0] =	vst.idx.add.f32.msk vm7, v3;
	v3 =	vsub.f32 v45, v38  }
0xea: {  	v44 =	vmax.f32 v42, $0.0e+00;
	v38 =	vmax.f32 v41, $0.0e+00;
	[tilespmem:v7+s8+$0x0] =	vst.idx.add.f32.msk vm7, v20;
	v20 =	vmul.f32 v35, v23  }
0xeb: {  	v44 =	vmin.f32 v44, $8.191000000e+03;
	v45 =	vadd.f32 v34, v32;
	v38 =	vmin.f32 v38, $8.191000000e+03;
	[tilespmem:v48+s9+$0x0] =	vst.idx.add.f32.msk vm7, v1  }
0xec: {  	vm6 =	vge.f32 v42, $8.191000000e+03;
	vm5 =	vge.f32 v41, $8.191000000e+03;
	v1 =	vtrunc.f32 v38;
	[tilespmem:v7+s9+$0x0] =	vst.idx.add.f32.msk vm7, v8  }
0xed: {  	vm8 =	vle.f32 v41, $0.0e+00;
	v1 =	vcvt.f32.s32 v1;
	vm7 =	vle.f32 v37, $0.0e+00;
	[tilespmem:v46+s8+$0x0] =	vst.idx.add.f32.msk vm3, v33  }
0xee: {  	vm2 =	vle.f32 v42, $0.0e+00;
	v7 =	vmax.f32 v37, $0.0e+00;
	[tilespmem:v19+s8+$0x0] =	vst.idx.add.f32.msk vm3, v0;
	v0 =	vmul.f32 v3, v21  }
0xef: {  	vm2 =	vmneg vm2;
	v8 =	vcvt.s32.f32 v1;
	[tilespmem:v46+s9+$0x0] =	vst.idx.add.f32.msk vm3, v17;
	v17 =	vsub.f32 $1.000000000e+00, v3  }
0xf0: {  	v41 =	vsel vm2, $0x0, v2;
	v42 =	vmax.f32 v45, $0.0e+00;
	v33 =	vtrunc.f32 v44;
	[tilespmem:v19+s9+$0x0] =	vst.idx.add.f32.msk vm3, v9  }
0xf1: {  	v34 =	vcvt.f32.s32 v33;
	v8 =	vsub.f32 v38, v8;
	vm3 =	vge.f32 v37, $8.191000000e+03;
	[tilespmem:v6+s8+$0x0] =	vst.idx.add.f32.msk vm1, v20  }
0xf2: {  	v9 =	vadd.s32 $0x1, v1;
	v19 =	vmin.f32 v42, $8.191000000e+03;
	vm4 =	vmneg vm3;
	[tilespmem:v12+s8+$0x0] =	vst.idx.add.f32.msk vm1, v36  }
0xf3: {  	v20 =	vsub.f32 $1.000000000e+00, v8;
	v46 =	vmul.f32 v8, v18;
	[tilespmem:v6+s9+$0x0] =	vst.idx.add.f32.msk vm1, v35;
	v6 =	vmul.f32 v17, v21  }
0xf4: {  	vm8 =	vmneg vm8;
	vm3 =	vmneg vm6;
	v35 =	vtrunc.f32 v19;
	[tilespmem:v12+s9+$0x0] =	vst.idx.add.f32.msk vm1, v11  }
0xf5: {  	v37 =	vsel vm3, $0x0, v2;
	v11 =	vmul.f32 v20, v18;
	v12 =	vsel vm8, $0x0, v2;
	[tilespmem:v5+s8+$0x0] =	vst.idx.add.f32.msk vm0, v6  }
0xf6: {  	vm9 =	vge.f32 v45, $8.191000000e+03;
	vm1 =	vle.f32 v45, $0.0e+00;
	v33 =	vadd.f32 v12, v13;
	[tilespmem:v39+s8+$0x0] =	vst.idx.add.f32.msk vm0, v0  }
0xf7: {  	v38 =	vadd.s32 $0x1, v34;
	vm1 =	vmneg vm1;
	v6 =	vadd.f32 v43, v4;
	[tilespmem:v5+s9+$0x0] =	vst.idx.add.f32.msk vm0, v17  }
0xf8: {  	vm9 =	vmneg vm9;
	vm6 =	vmneg vm5;
	vm5 =	vmneg vm7;
	[tilespmem:v39+s9+$0x0] =	vst.idx.add.f32.msk vm0, v3  }
0xf9: {  	v36 =	vcvt.f32.s32 v35;
	v0 =	vcvt.s32.f32 v34;
	v3 =	vsel vm9, $0x0, v2  }
0xfa: {  	v7 =	vmin.f32 v7, $8.191000000e+03;
	v12 =	vsel vm5, $0x0, v2;
	v5 =	vadd.f32 v37, v27  }
0xfb: {  	v35 =	vadd.f32 v41, v10;
	v10 =	vtrunc.f32 v7;
	v13 =	vcvt.s32.f32 v36  }
0xfc: {  	vm7 =	vmand vm8, vm6;
	v27 =	vadd.f32 v6, v29;
	v42 =	vsub.f32 v44, v0  }
0xfd: {  	v0 =	vsel vm4, $0x0, v2;
	v37 =	vsub.f32 v19, v13;
	v13 =	vadd.f32 v6, v30  }
0xfe: {  	v26 =	vadd.f32 v26, v0;
	v0 =	vmax.f32 v27, $0.0e+00;
	v17 =	vsub.f32 $1.000000000e+00, v42  }
0xff: {  	v39 =	vadd.s32 $0x1, v36;
	vm8 =	vge.f32 v27, $8.191000000e+03;
	v41 =	vsub.f32 $1.000000000e+00, v37  }
0x100: {  	v43 =	vadd.f32 $1.600000000e+01, v43;
	vm0 =	vmand vm1, vm9;
	v19 =	vmin.f32 v0, $8.191000000e+03  }
0x101: {  	v28 =	vadd.f32 v28, v3;
	vm9 =	vle.f32 v27, $0.0e+00;
	v0 =	vmul.f32 v41, v21  }
0x102: {  	v3 =	vmul.f32 v37, v21;
	[tilespmem:v1+s8+$0x0] =	vst.idx.add.f32.msk vm7, v11;
	v11 =	vsel vm1, $0x0, v2;
	vm1 =	vmneg vm9  }
0x103: {  	v50 =	vmul.f32 v17, v22;
	[tilespmem:v9+s8+$0x0] =	vst.idx.add.f32.msk vm7, v46;
	v11 =	vadd.f32 v25, v11;
	v25 =	vmax.f32 v13, $0.0e+00  }
0x104: {  	vm11 =	vmneg vm8;
	[tilespmem:v1+s9+$0x0] =	vst.idx.add.f32.msk vm7, v20;
	v20 =	vcvt.f32.s32 v10;
	v44 =	vmin.f32 v25, $8.191000000e+03  }
0x105: {  	[tilespmem:v9+s9+$0x0] =	vst.idx.add.f32.msk vm7, v8;
	v8 =	vsel vm6, $0x0, v2;
	v9 =	vtrunc.f32 v44;
	vm6 =	vle.f32 v13, $0.0e+00  }
0x106: {  	vm8 =	vmand vm2, vm3;
	v10 =	vadd.f32 v24, v12;
	vm3 =	vmneg vm6  }
0x107: {  	vm2 =	vge.f32 v13, $8.191000000e+03;
	v1 =	vadd.f32 v6, v31;
	v12 =	vadd.f32 v6, v32  }
0x108: {  	vm5 =	vmand vm5, vm4;
	vm9 =	vmneg vm2;
	v6 =	vcvt.s32.f32 v20  }
0x109: {  	v13 =	vmax.f32 v1, $0.0e+00;
	vm2 =	vle.f32 v1, $0.0e+00;
	v25 =	vmax.f32 v12, $0.0e+00  }
0x10a: {  	vm4 =	vge.f32 v1, $8.191000000e+03;
	v47 =	vmin.f32 v13, $8.191000000e+03;
	vm2 =	vmneg vm2  }
0x10b: {  	vm4 =	vmneg vm4;
	v49 =	vsub.f32 v7, v6;
	v6 =	vtrunc.f32 v47  }
0x10c: {  	v1 =	vadd.s32 $0x1, v20;
	v7 =	vsel vm9, $0x0, v2;
	v13 =	vsel vm2, $0x0, v2  }
0x10d: {  	v27 =	vadd.f32 v7, v5;
	v24 =	vadd.f32 v10, v13;
	v10 =	vsel vm4, $0x0, v2  }
0x10e: {  	v45 =	vmin.f32 v25, $8.191000000e+03;
	v7 =	vsub.f32 $1.000000000e+00, v49;
	v51 =	vmul.f32 v49, v23  }
0x10f: {  	vm6 =	vle.f32 v12, $0.0e+00;
	v13 =	vtrunc.f32 v19;
	v5 =	vtrunc.f32 v45  }
0x110: {  	vm7 =	vge.f32 v12, $8.191000000e+03;
	vm6 =	vmneg vm6;
	v26 =	vadd.f32 v26, v10  }
.Ltmp2:
0x111: {  	vm10 =	vmneg vm7;
	v48 =	vcvt.f32.s32 v13;
	v10 =	vsel vm6, $0x0, v2;
	(pc) =	sbr.rel @p0 .LBB2_6-.Ltmp2, $4  }
0x112: {  	vm7 =	vmand vm1, vm11;
	v25 =	vadd.f32 v11, v10;
	v10 =	vsel vm10, $0x0, v2  }
0x113: {  	v8 =	vadd.f32 v8, v40;
	v46 =	vcvt.f32.s32 v9;
	v11 =	vmul.f32 v42, v22  }
0x114: {  	v9 =	vsel vm11, $0x0, v2;
	v28 =	vadd.f32 v28, v10;
	[tilespmem:v34+s8+$0x0] =	vst.idx.add.f32.msk vm8, v50;
	v50 =	vsel vm3, $0x0, v2  }
0x115: {  	v10 =	vcvt.s32.f32 v46;
	[tilespmem:v38+s8+$0x0] =	vst.idx.add.f32.msk vm8, v11;
	v11 =	vcvt.s32.f32 v48  }
0x116: {  	_ =	sdelay $0x4  }
0x117: {  	[tilespmem:v34+s9+$0x0] =	vst.idx.add.f32.msk vm8, v17;
	v12 =	vmul.f32 v7, v23  }
0x118: {  	[tilespmem:v38+s9+$0x0] =	vst.idx.add.f32.msk vm8, v42  }
0x119: {  	[tilespmem:v20+s8+$0x0] =	vst.idx.add.f32.msk vm5, v12  }
0x11a: {  	[tilespmem:v1+s8+$0x0] =	vst.idx.add.f32.msk vm5, v51  }
0x11b: {  	v11 =	vsub.f32 v19, v11;
	[tilespmem:v20+s9+$0x0] =	vst.idx.add.f32.msk vm5, v7  }
0x11c: {  	[tilespmem:v1+s9+$0x0] =	vst.idx.add.f32.msk vm5, v49  }
0x11d: {  	v7 =	vsub.f32 $1.000000000e+00, v11;
	v1 =	vadd.s32 $0x1, v48;
	[tilespmem:v36+s8+$0x0] =	vst.idx.add.f32.msk vm0, v0  }
0x11e: {  	vm3 =	vmand vm3, vm9;
	[tilespmem:v39+s8+$0x0] =	vst.idx.add.f32.msk vm0, v3  }
0x11f: {  	v0 =	vcvt.f32.s32 v6;
	v6 =	vmul.f32 v7, v18;
	v3 =	vsub.f32 v44, v10;
	[tilespmem:v36+s9+$0x0] =	vst.idx.add.f32.msk vm0, v41  }
0x120: {  	v12 =	vmul.f32 v11, v18;
	[tilespmem:v39+s9+$0x0] =	vst.idx.add.f32.msk vm0, v37  }
0x121: {  	v17 =	vadd.s32 $0x1, v46;
	v10 =	vcvt.s32.f32 v0;
	v13 =	vsub.f32 $1.000000000e+00, v3;
	[tilespmem:v48+s8+$0x0] =	vst.idx.add.f32.msk vm7, v6  }
0x122: {  	v5 =	vcvt.f32.s32 v5;
	[tilespmem:v1+s8+$0x0] =	vst.idx.add.f32.msk vm7, v12  }
0x123: {  	vm0 =	vmand vm2, vm4;
	v6 =	vsub.f32 v47, v10;
	v10 =	vmul.f32 v13, v22;
	[tilespmem:v48+s9+$0x0] =	vst.idx.add.f32.msk vm7, v7  }
0x124: {  	v7 =	vmul.f32 v3, v22;
	[tilespmem:v1+s9+$0x0] =	vst.idx.add.f32.msk vm7, v11  }
0x125: {  	v12 =	vcvt.s32.f32 v5;
	v1 =	vadd.s32 $0x1, v0;
	v11 =	vsub.f32 $1.000000000e+00, v6;
	[tilespmem:v46+s8+$0x0] =	vst.idx.add.f32.msk vm3, v10  }
0x126: {  	[tilespmem:v17+s8+$0x0] =	vst.idx.add.f32.msk vm3, v7  }
0x127: {  	vm2 =	vmand vm6, vm10;
	v7 =	vsub.f32 v45, v12;
	v10 =	vmul.f32 v11, v23;
	[tilespmem:v46+s9+$0x0] =	vst.idx.add.f32.msk vm3, v13  }
0x128: {  	v12 =	vmul.f32 v6, v23;
	[tilespmem:v17+s9+$0x0] =	vst.idx.add.f32.msk vm3, v3  }
0x129: {  	v3 =	vadd.s32 $0x1, v5;
	v13 =	vsub.f32 $1.000000000e+00, v7;
	[tilespmem:v0+s8+$0x0] =	vst.idx.add.f32.msk vm0, v10  }
0x12a: {  	[tilespmem:v1+s8+$0x0] =	vst.idx.add.f32.msk vm0, v12  }
0x12b: {  	[tilespmem:v0+s9+$0x0] =	vst.idx.add.f32.msk vm0, v11;
	v0 =	vmul.f32 v13, v21  }
0x12c: {  	v10 =	vmul.f32 v7, v21;
	[tilespmem:v1+s9+$0x0] =	vst.idx.add.f32.msk vm0, v6  }
0x12d: {  	[tilespmem:v5+s8+$0x0] =	vst.idx.add.f32.msk vm2, v0  }
0x12e: {  	[tilespmem:v3+s8+$0x0] =	vst.idx.add.f32.msk vm2, v10  }
0x12f: {  	[tilespmem:v5+s9+$0x0] =	vst.idx.add.f32.msk vm2, v13  }
0x130: {  	[tilespmem:v3+s9+$0x0] =	vst.idx.add.f32.msk vm2, v7  }
0x131: {  	v41 =	vld [tilespmem:$0x400]  }
0x132: {  	v42 =	vld [tilespmem:$0x480]  }
0x133: {  	v43 =	vld [tilespmem:$0x500]  }
0x134: {  	v1 =	vadd.f32 v50, v35;
	v44 =	vld [tilespmem:$0x580]  }
0x135: {  	v0 =	vadd.f32 v9, v8  }
0x136: {  	v55 =	vadd.f32 $1.600000000e+01, v14;
	[tilespmem:$0x1FF10] =	vst v1;
	v1 =	vsel vm1, $0x0, v2  }
0x137: {  	[tilespmem:$0x1FF00] =	vst v0;
	v1 =	vadd.f32 v1, v33;
	v0 =	vadd.f32 v16, v41  }
0x138: {  	v3 =	vadd.f32 v16, v42;
	v5 =	vadd.f32 v16, v43  }
0x139: {  	v8 =	vimm.f32 $0.0e+00;
	v7 =	vadd.f32 v16, v44;
	v61 =	vadd.f32 v15, v44  }
0x13a: {  	[tilespmem:$0x1FF20] =	vst v1;
	v1 =	vmax.f32 v0, $0.0e+00;
	v6 =	vmax.f32 v3, $0.0e+00;
	vm0 =	vge.f32 v0, $8.191000000e+03  }
0x13b: {  	vm1 =	vge.f32 v3, $8.191000000e+03;
	vm3 =	vle.f32 v0, $0.0e+00;
	vm5 =	vle.f32 v5, $0.0e+00  }
0x13c: {  	vm2 =	vle.f32 v3, $0.0e+00;
	v0 =	vmax.f32 v5, $0.0e+00;
	v12 =	vmax.f32 v7, $0.0e+00  }
0x13d: {  	vm4 =	vge.f32 v5, $8.191000000e+03;
	vm8 =	vge.f32 v7, $8.191000000e+03;
	v62 =	vmax.f32 v61, $0.0e+00  }
0x13e: {  	v1 =	vmin.f32 v1, $8.191000000e+03;
	v6 =	vmin.f32 v6, $8.191000000e+03;
	vm2 =	vmneg vm2  }
0x13f: {  	vm4 =	vmneg vm4;
	vm7 =	vmneg vm3;
	vm3 =	vmneg vm1  }
0x140: {  	vm1 =	vle.f32 v7, $0.0e+00;
	vm6 =	vmneg vm0;
	vm5 =	vmneg vm5  }
0x141: {  	vm0 =	vmneg vm8;
	v36 =	vmin.f32 v0, $8.191000000e+03;
	v9 =	vtrunc.f32 v1  }
0x142: {  	v10 =	vtrunc.f32 v6;
	v11 =	vsel vm2, $0x0, v2;
	v17 =	vsel vm7, $0x0, v2  }
0x143: {  	v19 =	vsel vm3, $0x0, v2;
	vm1 =	vmneg vm1;
	v63 =	vsel vm5, $0x0, v2  }
0x144: {  	vm11 =	vmand vm7, vm6;
	vm5 =	vmand vm5, vm4;
	v9 =	vcvt.f32.s32 v9  }
0x145: {  	v46 =	vcvt.f32.s32 v10;
	v45 =	vadd.f32 v17, v8;
	v32 =	vadd.f32 v19, v8  }
0x146: {  	v29 =	vld [tilespmem:$0xC00];
	v50 =	vadd.f32 v11, v8;
	v11 =	vtrunc.f32 v36;
	v3 =	vcvt.s32.f32 v9  }
0x147: {  	v20 =	vcvt.f32.s32 v11;
	v11 =	vsel vm6, $0x0, v2;
	v7 =	vcvt.s32.f32 v46  }
0x148: {  	v10 =	vadd.s32 $0x1, v9;
	v49 =	vadd.s32 $0x1, v46;
	v13 =	vsub.f32 v1, v3  }
0x149: {  	v1 =	vmin.f32 v12, $8.191000000e+03;
	v54 =	vsub.f32 v6, v7;
	v7 =	vsel vm4, $0x0, v2  }
0x14a: {  	v34 =	vld [tilespmem:$0xC80];
	v6 =	vadd.f32 v15, v41;
	v3 =	vtrunc.f32 v1;
	v37 =	vadd.f32 v8, v7  }
0x14b: {  	v12 =	vsub.f32 $1.000000000e+00, v13;
	v5 =	vmul.f32 v13, v29;
	v47 =	vcvt.f32.s32 v3  }
0x14c: {  	v3 =	vsel vm0, $0x0, v2;
	v17 =	vsub.f32 $1.000000000e+00, v54;
	vm7 =	vge.f32 v6, $8.191000000e+03  }
0x14d: {  	vm0 =	vmand vm1, vm0;
	vm8 =	vle.f32 v6, $0.0e+00;
	v40 =	vadd.f32 v8, v3  }
0x14e: {  	vm12 =	vmneg vm7;
	vm7 =	vge.f32 v61, $8.191000000e+03;
	v0 =	vcvt.s32.f32 v47  }
0x14f: {  	v33 =	vld [tilespmem:$0xD80];
	v31 =	vmul.f32 v12, v29;
	v51 =	vadd.s32 $0x1, v47;
	v52 =	vmul.f32 v17, v34  }
0x150: {  	vm10 =	vmneg vm7;
	v48 =	vsub.f32 v1, v0;
	v1 =	vadd.f32 v15, v42  }
0x151: {  	v35 =	vld [tilespmem:$0xD00];
	v0 =	vmax.f32 v6, $0.0e+00;
	v6 =	vsel vm1, $0x0, v2;
	vm1 =	vmneg vm8  }
0x152: {  	vm8 =	vmand vm2, vm3;
	[tilespmem:v9+s8+$0x0] =	vst.idx.add.f32.msk vm11, v31;
	v31 =	vmin.f32 v62, $8.191000000e+03;
	v19 =	vmin.f32 v0, $8.191000000e+03  }
0x153: {  	v57 =	vadd.f32 v8, v6;
	v6 =	vcvt.s32.f32 v20;
	[tilespmem:v10+s8+$0x0] =	vst.idx.add.f32.msk vm11, v5;
	v5 =	vtrunc.f32 v31  }
0x154: {  	vm7 =	vmand vm1, vm12;
	v53 =	vsub.f32 $1.000000000e+00, v48;
	v3 =	vmul.f32 v48, v33  }
0x155: {  	v7 =	vmax.f32 v1, $0.0e+00;
	vm6 =	vle.f32 v1, $0.0e+00;
	vm2 =	vge.f32 v1, $8.191000000e+03  }
0x156: {  	v1 =	vadd.f32 v15, v43;
	[tilespmem:v9+s9+$0x0] =	vst.idx.add.f32.msk vm11, v12;
	v9 =	vsel vm12, $0x0, v2;
	v30 =	vmin.f32 v7, $8.191000000e+03  }
0x157: {  	v7 =	vadd.f32 v8, v63;
	vm3 =	vmneg vm6;
	vm9 =	vmneg vm2  }
0x158: {  	vm6 =	vle.f32 v61, $0.0e+00;
	v61 =	vtrunc.f32 v19;
	v8 =	vadd.f32 v11, v8  }
0x159: {  	[tilespmem:v10+s9+$0x0] =	vst.idx.add.f32.msk vm11, v13;
	v10 =	vmul.f32 v54, v34;
	v11 =	vsel vm10, $0x0, v2;
	v0 =	vmul.f32 v53, v33  }
0x15a: {  	v59 =	vtrunc.f32 v30;
	v58 =	vmax.f32 v1, $0.0e+00;
	vm2 =	vle.f32 v1, $0.0e+00  }
0x15b: {  	vm4 =	vge.f32 v1, $8.191000000e+03;
	v63 =	vsel vm9, $0x0, v2;
	v1 =	vadd.s32 $0x1, v20  }
0x15c: {  	vm6 =	vmneg vm6;
	v40 =	vadd.f32 v40, v11;
	v56 =	vmin.f32 v58, $8.191000000e+03  }
0x15d: {  	vm2 =	vmneg vm2;
	v58 =	vsub.f32 v36, v6;
	vm4 =	vmneg vm4  }
0x15e: {  	v39 =	vadd.f32 v63, v32;
	v32 =	vcvt.f32.s32 v59;
	v63 =	vsel vm4, $0x0, v2  }
0x15f: {  	v6 =	vtrunc.f32 v56;
	v38 =	vadd.f32 v37, v63;
	v37 =	vsel vm6, $0x0, v2  }
0x160: {  	v60 =	vsel vm2, $0x0, v2;
	v37 =	vadd.f32 v57, v37;
	v57 =	vcvt.f32.s32 v61  }
0x161: {  	[tilespmem:v46+s8+$0x0] =	vst.idx.add.f32.msk vm8, v52;
	v36 =	vadd.f32 v7, v60;
	v7 =	vsub.f32 $1.000000000e+00, v58;
	v60 =	vmul.f32 v58, v35  }
0x162: {  	s13 =	simm.s32 $0x7;
	v59 =	vsel vm3, $0x0, v2;
	[tilespmem:v49+s8+$0x0] =	vst.idx.add.f32.msk vm8, v10;
	v10 =	vcvt.s32.f32 v32;
	v11 =	vcvt.s32.f32 v57  }
.LBB2_8:
0x163: {  	p0 =	sne.s32 s13, $0x1;
	s13 =	sadd.s32 $0xFFFFFFFF, s13;
	[tilespmem:v46+s9+$0x0] =	vst.idx.add.f32.msk vm8, v17;
	v12 =	vmul.f32 v7, v35;
	v52 =	vadd.f32 v9, v8;
	v6 =	vcvt.f32.s32 v6  }
0x164: {  	vm3 =	vmand vm3, vm9;
	[tilespmem:v49+s9+$0x0] =	vst.idx.add.f32.msk vm8, v54;
	v8 =	vsub.f32 v19, v11;
	v9 =	vsub.f32 v30, v10  }
0x165: {  	v10 =	vadd.f32 v59, v50;
	[tilespmem:v20+s8+$0x0] =	vst.idx.add.f32.msk vm5, v12;
	v11 =	vcvt.s32.f32 v6;
	v12 =	vadd.s32 $0x1, v6  }
0x166: {  	v13 =	vsel vm1, $0x0, v2;
	v19 =	vadd.s32 $0x1, v32;
	[tilespmem:v1+s8+$0x0] =	vst.idx.add.f32.msk vm5, v60;
	v17 =	vsub.f32 $1.000000000e+00, v9  }
0x167: {  	v13 =	vadd.f32 v13, v45;
	[tilespmem:v20+s9+$0x0] =	vst.idx.add.f32.msk vm5, v7;
	v7 =	vadd.s32 $0x1, v57;
	v11 =	vsub.f32 v56, v11  }
0x168: {  	v20 =	vmul.f32 v8, v29;
	[tilespmem:v1+s9+$0x0] =	vst.idx.add.f32.msk vm5, v58;
	v1 =	vsub.f32 $1.000000000e+00, v8;
	v30 =	vmul.f32 v17, v34  }
0x169: {  	vm1 =	vmand vm2, vm4;
	v5 =	vcvt.f32.s32 v5;
	[tilespmem:v47+s8+$0x0] =	vst.idx.add.f32.msk vm0, v0;
	v0 =	vmul.f32 v9, v34  }
0x16a: {  	v45 =	vadd.f32 v55, v4;
	v49 =	vsub.f32 $1.000000000e+00, v11;
	[tilespmem:v51+s8+$0x0] =	vst.idx.add.f32.msk vm0, v3;
	v3 =	vmul.f32 v1, v29  }
0x16b: {  	v55 =	vadd.f32 $1.600000000e+01, v55;
	v46 =	vcvt.s32.f32 v5;
	[tilespmem:v47+s9+$0x0] =	vst.idx.add.f32.msk vm0, v53;
	v47 =	vmul.f32 v11, v35  }
0x16c: {  	v50 =	vadd.f32 v45, v41;
	v53 =	vadd.f32 v45, v42;
	[tilespmem:v51+s9+$0x0] =	vst.idx.add.f32.msk vm0, v48;
	vm0 =	vmand vm6, vm10  }
0x16d: {  	v48 =	vadd.f32 v45, v43;
	[tilespmem:v57+s8+$0x0] =	vst.idx.add.f32.msk vm7, v3;
	v3 =	vsub.f32 v31, v46;
	v31 =	vadd.s32 $0x1, v5  }
0x16e: {  	v46 =	vmax.f32 v50, $0.0e+00;
	v51 =	vmax.f32 v53, $0.0e+00;
	[tilespmem:v7+s8+$0x0] =	vst.idx.add.f32.msk vm7, v20;
	v20 =	vmul.f32 v49, v35  }
0x16f: {  	v54 =	vadd.f32 v45, v44;
	v46 =	vmin.f32 v46, $8.191000000e+03;
	v51 =	vmin.f32 v51, $8.191000000e+03;
	[tilespmem:v57+s9+$0x0] =	vst.idx.add.f32.msk vm7, v1  }
0x170: {  	vm5 =	vge.f32 v50, $8.191000000e+03;
	vm6 =	vge.f32 v53, $8.191000000e+03;
	v1 =	vtrunc.f32 v46;
	[tilespmem:v7+s9+$0x0] =	vst.idx.add.f32.msk vm7, v8  }
0x171: {  	vm8 =	vle.f32 v50, $0.0e+00;
	v1 =	vcvt.f32.s32 v1;
	vm7 =	vle.f32 v48, $0.0e+00;
	[tilespmem:v32+s8+$0x0] =	vst.idx.add.f32.msk vm3, v30  }
0x172: {  	vm2 =	vle.f32 v53, $0.0e+00;
	v7 =	vmax.f32 v48, $0.0e+00;
	[tilespmem:v19+s8+$0x0] =	vst.idx.add.f32.msk vm3, v0;
	v0 =	vmul.f32 v3, v33  }
0x173: {  	vm2 =	vmneg vm2;
	v8 =	vcvt.s32.f32 v1;
	[tilespmem:v32+s9+$0x0] =	vst.idx.add.f32.msk vm3, v17;
	v17 =	vsub.f32 $1.000000000e+00, v3  }
0x174: {  	v45 =	vmax.f32 v54, $0.0e+00;
	v30 =	vtrunc.f32 v51;
	v32 =	vsel vm2, $0x0, v2;
	[tilespmem:v19+s9+$0x0] =	vst.idx.add.f32.msk vm3, v9  }
0x175: {  	v8 =	vsub.f32 v46, v8;
	v46 =	vcvt.f32.s32 v30;
	vm3 =	vge.f32 v48, $8.191000000e+03;
	[tilespmem:v6+s8+$0x0] =	vst.idx.add.f32.msk vm1, v20  }
0x176: {  	v9 =	vadd.s32 $0x1, v1;
	v19 =	vmin.f32 v45, $8.191000000e+03;
	vm4 =	vmneg vm3;
	[tilespmem:v12+s8+$0x0] =	vst.idx.add.f32.msk vm1, v47  }
0x177: {  	v20 =	vsub.f32 $1.000000000e+00, v8;
	v30 =	vmul.f32 v8, v29;
	[tilespmem:v6+s9+$0x0] =	vst.idx.add.f32.msk vm1, v49;
	v6 =	vmul.f32 v17, v33  }
0x178: {  	vm8 =	vmneg vm8;
	vm3 =	vmneg vm6;
	v47 =	vtrunc.f32 v19;
	[tilespmem:v12+s9+$0x0] =	vst.idx.add.f32.msk vm1, v11  }
0x179: {  	v48 =	vsel vm3, $0x0, v2;
	v11 =	vmul.f32 v20, v29;
	v12 =	vsel vm8, $0x0, v2;
	[tilespmem:v5+s8+$0x0] =	vst.idx.add.f32.msk vm0, v6  }
0x17a: {  	vm9 =	vge.f32 v54, $8.191000000e+03;
	vm1 =	vle.f32 v54, $0.0e+00;
	v45 =	vadd.f32 v12, v13;
	[tilespmem:v31+s8+$0x0] =	vst.idx.add.f32.msk vm0, v0  }
0x17b: {  	v49 =	vadd.s32 $0x1, v46;
	vm1 =	vmneg vm1;
	v6 =	vadd.f32 v55, v4;
	[tilespmem:v5+s9+$0x0] =	vst.idx.add.f32.msk vm0, v17  }
0x17c: {  	vm9 =	vmneg vm9;
	vm6 =	vmneg vm5;
	vm5 =	vmneg vm7;
	[tilespmem:v31+s9+$0x0] =	vst.idx.add.f32.msk vm0, v3  }
0x17d: {  	v47 =	vcvt.f32.s32 v47;
	v0 =	vcvt.s32.f32 v46;
	v3 =	vsel vm9, $0x0, v2  }
0x17e: {  	v7 =	vmin.f32 v7, $8.191000000e+03;
	v12 =	vsel vm5, $0x0, v2;
	v5 =	vadd.f32 v48, v39  }
0x17f: {  	v50 =	vadd.f32 v32, v10;
	v10 =	vtrunc.f32 v7;
	v13 =	vcvt.s32.f32 v47  }
0x180: {  	vm7 =	vmand vm8, vm6;
	v54 =	vsub.f32 v51, v0;
	v31 =	vadd.f32 v6, v41  }
0x181: {  	v48 =	vsub.f32 v19, v13;
	v13 =	vadd.f32 v6, v42;
	v0 =	vsel vm4, $0x0, v2  }
0x182: {  	v32 =	vadd.f32 v38, v0;
	v17 =	vsub.f32 $1.000000000e+00, v54;
	v0 =	vmax.f32 v31, $0.0e+00  }
0x183: {  	v51 =	vadd.s32 $0x1, v47;
	v53 =	vsub.f32 $1.000000000e+00, v48;
	vm8 =	vge.f32 v31, $8.191000000e+03  }
0x184: {  	v55 =	vadd.f32 $1.600000000e+01, v55;
	vm0 =	vmand vm1, vm9;
	v19 =	vmin.f32 v0, $8.191000000e+03  }
0x185: {  	v40 =	vadd.f32 v40, v3;
	vm9 =	vle.f32 v31, $0.0e+00;
	v0 =	vmul.f32 v53, v33  }
0x186: {  	v3 =	vmul.f32 v48, v33;
	[tilespmem:v1+s8+$0x0] =	vst.idx.add.f32.msk vm7, v11;
	v11 =	vsel vm1, $0x0, v2;
	vm1 =	vmneg vm9  }
0x187: {  	v59 =	vmul.f32 v17, v34;
	[tilespmem:v9+s8+$0x0] =	vst.idx.add.f32.msk vm7, v30;
	v11 =	vadd.f32 v37, v11;
	v30 =	vmax.f32 v13, $0.0e+00  }
0x188: {  	vm11 =	vmneg vm8;
	[tilespmem:v1+s9+$0x0] =	vst.idx.add.f32.msk vm7, v20;
	v20 =	vcvt.f32.s32 v10;
	v30 =	vmin.f32 v30, $8.191000000e+03  }
0x189: {  	[tilespmem:v9+s9+$0x0] =	vst.idx.add.f32.msk vm7, v8;
	v8 =	vsel vm6, $0x0, v2;
	v9 =	vtrunc.f32 v30;
	vm6 =	vle.f32 v13, $0.0e+00  }
0x18a: {  	vm8 =	vmand vm2, vm3;
	v10 =	vadd.f32 v36, v12;
	vm3 =	vmneg vm6  }
0x18b: {  	vm2 =	vge.f32 v13, $8.191000000e+03;
	v1 =	vadd.f32 v6, v43;
	v12 =	vadd.f32 v6, v44  }
0x18c: {  	vm5 =	vmand vm5, vm4;
	vm9 =	vmneg vm2;
	v6 =	vcvt.s32.f32 v20  }
0x18d: {  	v13 =	vmax.f32 v1, $0.0e+00;
	vm2 =	vle.f32 v1, $0.0e+00;
	v31 =	vmax.f32 v12, $0.0e+00  }
0x18e: {  	vm4 =	vge.f32 v1, $8.191000000e+03;
	v56 =	vmin.f32 v13, $8.191000000e+03;
	vm2 =	vmneg vm2  }
0x18f: {  	vm4 =	vmneg vm4;
	v58 =	vsub.f32 v7, v6;
	v6 =	vtrunc.f32 v56  }
0x190: {  	v1 =	vadd.s32 $0x1, v20;
	v7 =	vsel vm9, $0x0, v2;
	v13 =	vsel vm2, $0x0, v2  }
0x191: {  	v39 =	vadd.f32 v7, v5;
	v36 =	vadd.f32 v10, v13;
	v10 =	vsel vm4, $0x0, v2  }
0x192: {  	v31 =	vmin.f32 v31, $8.191000000e+03;
	v7 =	vsub.f32 $1.000000000e+00, v58;
	v60 =	vmul.f32 v58, v35  }
0x193: {  	vm6 =	vle.f32 v12, $0.0e+00;
	v13 =	vtrunc.f32 v19;
	v5 =	vtrunc.f32 v31  }
0x194: {  	vm7 =	vge.f32 v12, $8.191000000e+03;
	vm6 =	vmneg vm6;
	v38 =	vadd.f32 v32, v10  }
.Ltmp3:
0x195: {  	vm10 =	vmneg vm7;
	v57 =	vcvt.f32.s32 v13;
	v10 =	vsel vm6, $0x0, v2;
	(pc) =	sbr.rel @p0 .LBB2_8-.Ltmp3, $4  }
0x196: {  	vm7 =	vmand vm1, vm11;
	v37 =	vadd.f32 v11, v10;
	v10 =	vsel vm10, $0x0, v2  }
0x197: {  	v8 =	vadd.f32 v8, v52;
	v32 =	vcvt.f32.s32 v9;
	v11 =	vmul.f32 v54, v34  }
0x198: {  	v9 =	vsel vm11, $0x0, v2;
	v40 =	vadd.f32 v40, v10;
	[tilespmem:v46+s8+$0x0] =	vst.idx.add.f32.msk vm8, v59;
	v59 =	vsel vm3, $0x0, v2  }
0x199: {  	v10 =	vcvt.s32.f32 v32;
	[tilespmem:v49+s8+$0x0] =	vst.idx.add.f32.msk vm8, v11;
	v11 =	vcvt.s32.f32 v57  }
0x19a: {  	_ =	sdelay $0x4  }
0x19b: {  	[tilespmem:v46+s9+$0x0] =	vst.idx.add.f32.msk vm8, v17;
	v12 =	vmul.f32 v7, v35  }
0x19c: {  	[tilespmem:v49+s9+$0x0] =	vst.idx.add.f32.msk vm8, v54  }
0x19d: {  	[tilespmem:v20+s8+$0x0] =	vst.idx.add.f32.msk vm5, v12  }
0x19e: {  	[tilespmem:v1+s8+$0x0] =	vst.idx.add.f32.msk vm5, v60  }
0x19f: {  	v11 =	vsub.f32 v19, v11;
	[tilespmem:v20+s9+$0x0] =	vst.idx.add.f32.msk vm5, v7  }
0x1a0: {  	[tilespmem:v1+s9+$0x0] =	vst.idx.add.f32.msk vm5, v58  }
0x1a1: {  	v7 =	vsub.f32 $1.000000000e+00, v11;
	v1 =	vadd.s32 $0x1, v57;
	[tilespmem:v47+s8+$0x0] =	vst.idx.add.f32.msk vm0, v0  }
0x1a2: {  	vm3 =	vmand vm3, vm9;
	[tilespmem:v51+s8+$0x0] =	vst.idx.add.f32.msk vm0, v3  }
0x1a3: {  	v0 =	vcvt.f32.s32 v6;
	v6 =	vmul.f32 v7, v29;
	v3 =	vsub.f32 v30, v10;
	[tilespmem:v47+s9+$0x0] =	vst.idx.add.f32.msk vm0, v53  }
0x1a4: {  	v12 =	vmul.f32 v11, v29;
	[tilespmem:v51+s9+$0x0] =	vst.idx.add.f32.msk vm0, v48  }
0x1a5: {  	v17 =	vadd.s32 $0x1, v32;
	v10 =	vcvt.s32.f32 v0;
	v13 =	vsub.f32 $1.000000000e+00, v3;
	[tilespmem:v57+s8+$0x0] =	vst.idx.add.f32.msk vm7, v6  }
0x1a6: {  	v5 =	vcvt.f32.s32 v5;
	[tilespmem:v1+s8+$0x0] =	vst.idx.add.f32.msk vm7, v12  }
0x1a7: {  	vm0 =	vmand vm2, vm4;
	v6 =	vsub.f32 v56, v10;
	v10 =	vmul.f32 v13, v34;
	[tilespmem:v57+s9+$0x0] =	vst.idx.add.f32.msk vm7, v7  }
0x1a8: {  	v7 =	vmul.f32 v3, v34;
	[tilespmem:v1+s9+$0x0] =	vst.idx.add.f32.msk vm7, v11  }
0x1a9: {  	v12 =	vcvt.s32.f32 v5;
	v1 =	vadd.s32 $0x1, v0;
	v11 =	vsub.f32 $1.000000000e+00, v6;
	[tilespmem:v32+s8+$0x0] =	vst.idx.add.f32.msk vm3, v10  }
0x1aa: {  	[tilespmem:v17+s8+$0x0] =	vst.idx.add.f32.msk vm3, v7  }
0x1ab: {  	vm2 =	vmand vm6, vm10;
	v7 =	vsub.f32 v31, v12;
	v10 =	vmul.f32 v11, v35;
	[tilespmem:v32+s9+$0x0] =	vst.idx.add.f32.msk vm3, v13  }
0x1ac: {  	v12 =	vmul.f32 v6, v35;
	[tilespmem:v17+s9+$0x0] =	vst.idx.add.f32.msk vm3, v3  }
0x1ad: {  	v3 =	vadd.s32 $0x1, v5;
	v13 =	vsub.f32 $1.000000000e+00, v7;
	[tilespmem:v0+s8+$0x0] =	vst.idx.add.f32.msk vm0, v10  }
0x1ae: {  	[tilespmem:v1+s8+$0x0] =	vst.idx.add.f32.msk vm0, v12  }
0x1af: {  	[tilespmem:v0+s9+$0x0] =	vst.idx.add.f32.msk vm0, v11;
	v0 =	vmul.f32 v13, v33  }
0x1b0: {  	v10 =	vmul.f32 v7, v33;
	[tilespmem:v1+s9+$0x0] =	vst.idx.add.f32.msk vm0, v6  }
0x1b1: {  	[tilespmem:v5+s8+$0x0] =	vst.idx.add.f32.msk vm2, v0  }
0x1b2: {  	[tilespmem:v3+s8+$0x0] =	vst.idx.add.f32.msk vm2, v10  }
0x1b3: {  	[tilespmem:v5+s9+$0x0] =	vst.idx.add.f32.msk vm2, v13  }
0x1b4: {  	[tilespmem:v3+s9+$0x0] =	vst.idx.add.f32.msk vm2, v7  }
0x1b5: {  	v46 =	vld [tilespmem:$0x600]  }
0x1b6: {  	v47 =	vld [tilespmem:$0x680]  }
0x1b7: {  	v1 =	vadd.f32 v59, v50;
	v48 =	vld [tilespmem:$0x700]  }
0x1b8: {  	v49 =	vld [tilespmem:$0x780]  }
0x1b9: {  	v0 =	vadd.f32 v9, v8;
	[tilespmem:$0x1FEC0] =	vst v1;
	v1 =	vsel vm1, $0x0, v2  }
0x1ba: {  	v1 =	vadd.f32 v1, v45  }
0x1bb: {  	[tilespmem:$0x1FEB0] =	vst v0;
	v0 =	vadd.f32 v16, v46;
	v3 =	vadd.f32 v16, v47  }
0x1bc: {  	v31 =	vimm.f32 $0.0e+00;
	v5 =	vadd.f32 v16, v48  }
0x1bd: {  	[tilespmem:$0x1FED0] =	vst v1;
	v7 =	vadd.f32 v16, v49;
	v1 =	vmax.f32 v0, $0.0e+00;
	v6 =	vmax.f32 v3, $0.0e+00  }
0x1be: {  	vm0 =	vge.f32 v0, $8.191000000e+03;
	vm2 =	vge.f32 v3, $8.191000000e+03;
	vm4 =	vle.f32 v0, $0.0e+00  }
0x1bf: {  	vm5 =	vle.f32 v5, $0.0e+00;
	vm1 =	vle.f32 v3, $0.0e+00;
	v0 =	vmax.f32 v5, $0.0e+00  }
0x1c0: {  	v12 =	vmax.f32 v7, $0.0e+00;
	vm3 =	vge.f32 v5, $8.191000000e+03;
	vm8 =	vge.f32 v7, $8.191000000e+03  }
0x1c1: {  	v1 =	vmin.f32 v1, $8.191000000e+03;
	v6 =	vmin.f32 v6, $8.191000000e+03;
	vm1 =	vmneg vm1  }
0x1c2: {  	vm3 =	vmneg vm3;
	vm7 =	vmneg vm4;
	vm4 =	vmneg vm2  }
0x1c3: {  	vm2 =	vle.f32 v7, $0.0e+00;
	vm6 =	vmneg vm0;
	vm5 =	vmneg vm5  }
0x1c4: {  	vm0 =	vmneg vm8;
	v50 =	vmin.f32 v0, $8.191000000e+03;
	v8 =	vtrunc.f32 v1  }
0x1c5: {  	v9 =	vsel vm1, $0x0, v2;
	v5 =	vsel vm7, $0x0, v2;
	vm2 =	vmneg vm2  }
0x1c6: {  	v7 =	vsel vm0, $0x0, v2;
	v41 =	vsel vm5, $0x0, v2;
	vm11 =	vmand vm7, vm6  }
0x1c7: {  	vm9 =	vmand vm1, vm4;
	v11 =	vcvt.f32.s32 v8;
	v8 =	vtrunc.f32 v6  }
0x1c8: {  	v54 =	vadd.f32 v5, v31;
	v60 =	vadd.f32 v9, v31;
	v9 =	vtrunc.f32 v50  }
0x1c9: {  	v16 =	vld [tilespmem:$0xE00];
	vm0 =	vmand vm2, vm0;
	v55 =	vcvt.f32.s32 v8;
	v8 =	vsel vm4, $0x0, v2  }
0x1ca: {  	v30 =	vcvt.f32.s32 v9;
	v9 =	vadd.f32 v31, v41;
	v3 =	vcvt.s32.f32 v11  }
0x1cb: {  	[tilespmem:$0x1FEA0] =	vst v18;
	v18 =	vadd.s32 $0x1, v11;
	v8 =	vadd.f32 v8, v31;
	v5 =	vcvt.s32.f32 v55  }
0x1cc: {  	v58 =	vadd.s32 $0x1, v55;
	v13 =	vsub.f32 v1, v3;
	v1 =	vmin.f32 v12, $8.191000000e+03  }
0x1cd: {  	v12 =	vsel vm6, $0x0, v2;
	v3 =	vtrunc.f32 v1;
	v63 =	vsub.f32 v6, v5  }
0x1ce: {  	[tilespmem:$0x1FE90] =	vst v21;
	v45 =	vld [tilespmem:$0xE80];
	v5 =	vadd.f32 v15, v46;
	v44 =	vsub.f32 $1.000000000e+00, v13;
	v21 =	vmul.f32 v13, v16  }
0x1cf: {  	v56 =	vcvt.f32.s32 v3;
	v3 =	vsel vm3, $0x0, v2;
	v19 =	vsub.f32 $1.000000000e+00, v63  }
0x1d0: {  	v51 =	vadd.f32 v31, v3;
	vm7 =	vge.f32 v5, $8.191000000e+03;
	v3 =	vadd.f32 $1.600000000e+01, v14  }
0x1d1: {  	vm8 =	vle.f32 v5, $0.0e+00;
	v42 =	vmul.f32 v44, v16;
	v0 =	vcvt.s32.f32 v56  }
0x1d2: {  	v59 =	vadd.s32 $0x1, v56;
	vm12 =	vmneg vm7;
	vm7 =	vmand vm5, vm3  }
0x1d3: {  	v43 =	vld [tilespmem:$0xF80];
	v6 =	vmul.f32 v19, v45;
	v57 =	vsub.f32 v1, v0;
	v1 =	vadd.f32 v15, v47  }
0x1d4: {  	v14 =	vld [tilespmem:$0xF00];
	v0 =	vmax.f32 v5, $0.0e+00;
	v5 =	vsel vm2, $0x0, v2;
	vm2 =	vmneg vm8  }
0x1d5: {  	[tilespmem:v11+s8+$0x0] =	vst.idx.add.f32.msk vm11, v42;
	v20 =	vmin.f32 v0, $8.191000000e+03;
	v0 =	vadd.f32 v31, v7;
	v62 =	vadd.f32 v31, v5  }
0x1d6: {  	[tilespmem:$0x1FEE0] =	vst v6;
	v6 =	vadd.f32 v15, v49;
	v5 =	vcvt.s32.f32 v30;
	vm8 =	vmand vm2, vm12  }
0x1d7: {  	[tilespmem:v18+s8+$0x0] =	vst.idx.add.f32.msk vm11, v21;
	v61 =	vsub.f32 $1.000000000e+00, v57;
	v7 =	vmax.f32 v1, $0.0e+00;
	vm6 =	vle.f32 v1, $0.0e+00  }
0x1d8: {  	vm1 =	vge.f32 v1, $8.191000000e+03;
	v1 =	vadd.f32 v15, v48;
	[tilespmem:v11+s9+$0x0] =	vst.idx.add.f32.msk vm11, v44;
	v11 =	vsel vm12, $0x0, v2  }
0x1d9: {  	[tilespmem:$0x1FEF0] =	vst v0;
	v0 =	vmul.f32 v57, v43;
	v32 =	vmin.f32 v7, $8.191000000e+03;
	vm6 =	vmneg vm6  }
0x1da: {  	vm10 =	vmneg vm1;
	v10 =	vmax.f32 v6, $0.0e+00;
	vm3 =	vge.f32 v6, $8.191000000e+03  }
0x1db: {  	v17 =	vmul.f32 v61, v43;
	v53 =	vtrunc.f32 v32;
	v7 =	vmax.f32 v1, $0.0e+00  }
0x1dc: {  	vm1 =	vle.f32 v1, $0.0e+00;
	v15 =	vsel vm10, $0x0, v2;
	v42 =	vmin.f32 v10, $8.191000000e+03  }
0x1dd: {  	v10 =	vtrunc.f32 v20;
	vm3 =	vmneg vm3;
	v41 =	vmin.f32 v7, $8.191000000e+03  }
0x1de: {  	[tilespmem:v18+s9+$0x0] =	vst.idx.add.f32.msk vm11, v13;
	vm4 =	vmneg vm1;
	vm1 =	vge.f32 v1, $8.191000000e+03;
	v1 =	vsub.f32 v50, v5  }
0x1df: {  	v18 =	vld [tilespmem:$0x1FEF0];
	v5 =	vadd.s32 $0x1, v30;
	v52 =	vadd.f32 v15, v8;
	v44 =	vcvt.f32.s32 v10  }
0x1e0: {  	v10 =	vld [tilespmem:$0x1FEE0];
	vm5 =	vmneg vm1;
	v50 =	vsel vm4, $0x0, v2;
	vm1 =	vle.f32 v6, $0.0e+00  }
0x1e1: {  	v13 =	vsel vm3, $0x0, v2;
	v15 =	vadd.f32 v9, v50;
	vm1 =	vmneg vm1  }
0x1e2: {  	v9 =	vsel vm5, $0x0, v2;
	v8 =	vsub.f32 $1.000000000e+00, v1;
	v6 =	vsel vm1, $0x0, v2  }
0x1e3: {  	v7 =	vtrunc.f32 v41;
	v51 =	vadd.f32 v51, v9;
	v50 =	vadd.f32 v62, v6  }
0x1e4: {  	v62 =	vadd.f32 v12, v31;
	v12 =	vmul.f32 v63, v45;
	v31 =	vcvt.f32.s32 v53  }
0x1e5: {  	v9 =	vmul.f32 v1, v14;
	v6 =	vtrunc.f32 v42;
	v53 =	vadd.f32 v18, v13;
	[tilespmem:v55+s8+$0x0] =	vst.idx.add.f32.msk vm9, v10  }
0x1e6: {  	s13 =	simm.s32 $0x7;
	v13 =	vcvt.s32.f32 v44;
	v10 =	vsel vm6, $0x0, v2;
	[tilespmem:v58+s8+$0x0] =	vst.idx.add.f32.msk vm9, v12;
	v12 =	vcvt.s32.f32 v31  }
.LBB2_10:
0x1e7: {  	p0 =	sne.s32 s13, $0x1;
	s13 =	sadd.s32 $0xFFFFFFFF, s13;
	[tilespmem:v55+s9+$0x0] =	vst.idx.add.f32.msk vm9, v19;
	v19 =	vmul.f32 v8, v14;
	v62 =	vadd.f32 v11, v62;
	v7 =	vcvt.f32.s32 v7  }
0x1e8: {  	vm6 =	vmand vm6, vm10;
	[tilespmem:v58+s9+$0x0] =	vst.idx.add.f32.msk vm9, v63;
	v11 =	vsub.f32 v20, v13;
	v12 =	vsub.f32 v32, v12  }
0x1e9: {  	v10 =	vadd.f32 v10, v60;
	[tilespmem:v30+s8+$0x0] =	vst.idx.add.f32.msk vm7, v19;
	v13 =	vcvt.s32.f32 v7;
	v19 =	vadd.s32 $0x1, v7  }
0x1ea: {  	v32 =	vadd.s32 $0x1, v31;
	[tilespmem:v5+s8+$0x0] =	vst.idx.add.f32.msk vm7, v9;
	v9 =	vsel vm2, $0x0, v2;
	v20 =	vsub.f32 $1.000000000e+00, v12  }
0x1eb: {  	[tilespmem:v30+s9+$0x0] =	vst.idx.add.f32.msk vm7, v8;
	v8 =	vadd.s32 $0x1, v44;
	v9 =	vadd.f32 v9, v54;
	v13 =	vsub.f32 v41, v13  }
0x1ec: {  	[tilespmem:v5+s9+$0x0] =	vst.idx.add.f32.msk vm7, v1;
	v1 =	vsub.f32 $1.000000000e+00, v11;
	v5 =	vmul.f32 v11, v16;
	v30 =	vmul.f32 v20, v45  }
0x1ed: {  	v6 =	vcvt.f32.s32 v6;
	vm2 =	vmand vm4, vm5;
	[tilespmem:v56+s8+$0x0] =	vst.idx.add.f32.msk vm0, v17;
	v17 =	vmul.f32 v12, v45  }
0x1ee: {  	v41 =	vadd.f32 v3, v4;
	v54 =	vsub.f32 $1.000000000e+00, v13;
	[tilespmem:v59+s8+$0x0] =	vst.idx.add.f32.msk vm0, v0;
	v0 =	vmul.f32 v1, v16  }
0x1ef: {  	v55 =	vcvt.s32.f32 v6;
	v3 =	vadd.f32 $1.600000000e+01, v3;
	[tilespmem:v56+s9+$0x0] =	vst.idx.add.f32.msk vm0, v61;
	v56 =	vmul.f32 v13, v14  }
0x1f0: {  	v58 =	vadd.f32 v41, v46;
	v60 =	vadd.f32 v41, v47;
	[tilespmem:v59+s9+$0x0] =	vst.idx.add.f32.msk vm0, v57;
	vm0 =	vmand vm1, vm3  }
0x1f1: {  	v57 =	vadd.f32 v41, v48;
	[tilespmem:v44+s8+$0x0] =	vst.idx.add.f32.msk vm8, v0;
	v0 =	vsub.f32 v42, v55;
	v42 =	vadd.s32 $0x1, v6  }
0x1f2: {  	v59 =	vmax.f32 v60, $0.0e+00;
	v55 =	vmax.f32 v58, $0.0e+00;
	[tilespmem:v8+s8+$0x0] =	vst.idx.add.f32.msk vm8, v5;
	v5 =	vmul.f32 v54, v14  }
0x1f3: {  	v41 =	vadd.f32 v41, v49;
	v59 =	vmin.f32 v59, $8.191000000e+03;
	v55 =	vmin.f32 v55, $8.191000000e+03;
	[tilespmem:v44+s9+$0x0] =	vst.idx.add.f32.msk vm8, v1  }
0x1f4: {  	vm5 =	vge.f32 v58, $8.191000000e+03;
	vm4 =	vge.f32 v60, $8.191000000e+03;
	v1 =	vtrunc.f32 v55;
	[tilespmem:v8+s9+$0x0] =	vst.idx.add.f32.msk vm8, v11  }
0x1f5: {  	vm7 =	vle.f32 v57, $0.0e+00;
	v1 =	vcvt.f32.s32 v1;
	vm8 =	vle.f32 v58, $0.0e+00;
	[tilespmem:v31+s8+$0x0] =	vst.idx.add.f32.msk vm6, v30  }
0x1f6: {  	vm1 =	vle.f32 v60, $0.0e+00;
	v8 =	vmax.f32 v57, $0.0e+00;
	v11 =	vmul.f32 v0, v43;
	[tilespmem:v32+s8+$0x0] =	vst.idx.add.f32.msk vm6, v17  }
0x1f7: {  	vm1 =	vmneg vm1;
	v17 =	vcvt.s32.f32 v1;
	[tilespmem:v31+s9+$0x0] =	vst.idx.add.f32.msk vm6, v20;
	v20 =	vsub.f32 $1.000000000e+00, v0  }
0x1f8: {  	v44 =	vmax.f32 v41, $0.0e+00;
	v30 =	vtrunc.f32 v59;
	v31 =	vsel vm1, $0x0, v2;
	[tilespmem:v32+s9+$0x0] =	vst.idx.add.f32.msk vm6, v12  }
0x1f9: {  	vm3 =	vge.f32 v57, $8.191000000e+03;
	v12 =	vsub.f32 v55, v17;
	v55 =	vcvt.f32.s32 v30;
	[tilespmem:v7+s8+$0x0] =	vst.idx.add.f32.msk vm2, v5  }
0x1fa: {  	vm3 =	vmneg vm3;
	v17 =	vmin.f32 v44, $8.191000000e+03;
	v5 =	vadd.s32 $0x1, v1;
	[tilespmem:v19+s8+$0x0] =	vst.idx.add.f32.msk vm2, v56  }
0x1fb: {  	v30 =	vsub.f32 $1.000000000e+00, v12;
	v32 =	vmul.f32 v12, v16;
	[tilespmem:v7+s9+$0x0] =	vst.idx.add.f32.msk vm2, v54;
	v7 =	vmul.f32 v20, v43  }
0x1fc: {  	vm4 =	vmneg vm4;
	vm8 =	vmneg vm8;
	v44 =	vtrunc.f32 v17;
	[tilespmem:v19+s9+$0x0] =	vst.idx.add.f32.msk vm2, v13  }
0x1fd: {  	v57 =	vsel vm4, $0x0, v2;
	v13 =	vmul.f32 v30, v16;
	v19 =	vsel vm8, $0x0, v2;
	[tilespmem:v6+s8+$0x0] =	vst.idx.add.f32.msk vm0, v7  }
0x1fe: {  	vm9 =	vge.f32 v41, $8.191000000e+03;
	vm2 =	vle.f32 v41, $0.0e+00;
	v54 =	vadd.f32 v19, v9;
	[tilespmem:v42+s8+$0x0] =	vst.idx.add.f32.msk vm0, v11  }
0x1ff: {  	v58 =	vadd.s32 $0x1, v55;
	vm2 =	vmneg vm2;
	v7 =	vadd.f32 v3, v4;
	[tilespmem:v6+s9+$0x0] =	vst.idx.add.f32.msk vm0, v20  }
0x200: {  	vm9 =	vmneg vm9;
	vm6 =	vmneg vm5;
	vm5 =	vmneg vm7;
	[tilespmem:v42+s9+$0x0] =	vst.idx.add.f32.msk vm0, v0  }
0x201: {  	v56 =	vcvt.f32.s32 v44;
	v6 =	vsel vm9, $0x0, v2;
	v0 =	vcvt.s32.f32 v55  }
0x202: {  	v8 =	vmin.f32 v8, $8.191000000e+03;
	v9 =	vadd.f32 v57, v52;
	v11 =	vsel vm5, $0x0, v2  }
0x203: {  	v60 =	vadd.f32 v31, v10;
	v10 =	vtrunc.f32 v8;
	v19 =	vcvt.s32.f32 v56  }
0x204: {  	vm7 =	vmand vm8, vm6;
	v63 =	vsub.f32 v59, v0;
	v0 =	vadd.f32 v7, v46  }
0x205: {  	v20 =	vsel vm3, $0x0, v2;
	v57 =	vsub.f32 v17, v19;
	v31 =	vadd.f32 v7, v47  }
0x206: {  	v44 =	vadd.f32 v51, v20;
	v19 =	vsub.f32 $1.000000000e+00, v63;
	v17 =	vmax.f32 v0, $0.0e+00  }
0x207: {  	v61 =	vsub.f32 $1.000000000e+00, v57;
	v59 =	vadd.s32 $0x1, v56;
	vm8 =	vge.f32 v0, $8.191000000e+03  }
0x208: {  	v3 =	vadd.f32 $1.600000000e+01, v3;
	vm0 =	vmand vm2, vm9;
	v20 =	vmin.f32 v17, $8.191000000e+03  }
0x209: {  	v53 =	vadd.f32 v53, v6;
	vm9 =	vle.f32 v0, $0.0e+00;
	v17 =	vmul.f32 v61, v43  }
0x20a: {  	v6 =	vsel vm2, $0x0, v2;
	v0 =	vmul.f32 v57, v43;
	vm2 =	vmneg vm9;
	[tilespmem:v1+s8+$0x0] =	vst.idx.add.f32.msk vm7, v13  }
0x20b: {  	v50 =	vadd.f32 v50, v6;
	v6 =	vmax.f32 v31, $0.0e+00;
	v13 =	vmul.f32 v19, v45;
	[tilespmem:v5+s8+$0x0] =	vst.idx.add.f32.msk vm7, v32  }
0x20c: {  	vm11 =	vmneg vm8;
	v32 =	vmin.f32 v6, $8.191000000e+03;
	[tilespmem:v1+s9+$0x0] =	vst.idx.add.f32.msk vm7, v30;
	v30 =	vcvt.f32.s32 v10  }
0x20d: {  	v10 =	vsel vm6, $0x0, v2;
	vm6 =	vle.f32 v31, $0.0e+00;
	[tilespmem:v5+s9+$0x0] =	vst.idx.add.f32.msk vm7, v12;
	v12 =	vtrunc.f32 v32  }
0x20e: {  	vm9 =	vmand vm1, vm4;
	v6 =	vadd.f32 v15, v11;
	vm6 =	vmneg vm6  }
0x20f: {  	vm1 =	vge.f32 v31, $8.191000000e+03;
	v11 =	vadd.f32 v7, v49;
	v1 =	vadd.f32 v7, v48  }
0x210: {  	vm10 =	vmneg vm1;
	vm7 =	vmand vm5, vm3;
	v5 =	vcvt.s32.f32 v30  }
0x211: {  	v31 =	vmax.f32 v11, $0.0e+00;
	v7 =	vmax.f32 v1, $0.0e+00;
	vm1 =	vle.f32 v1, $0.0e+00  }
0x212: {  	v41 =	vmin.f32 v7, $8.191000000e+03;
	vm4 =	vmneg vm1;
	vm1 =	vge.f32 v1, $8.191000000e+03  }
0x213: {  	v1 =	vsub.f32 v8, v5;
	v7 =	vtrunc.f32 v41;
	vm5 =	vmneg vm1  }
0x214: {  	v5 =	vadd.s32 $0x1, v30;
	v8 =	vsel vm10, $0x0, v2;
	v15 =	vsel vm4, $0x0, v2  }
0x215: {  	v52 =	vadd.f32 v8, v9;
	v15 =	vadd.f32 v6, v15;
	v51 =	vsel vm5, $0x0, v2  }
0x216: {  	v42 =	vmin.f32 v31, $8.191000000e+03;
	v8 =	vsub.f32 $1.000000000e+00, v1;
	v9 =	vmul.f32 v1, v14  }
0x217: {  	v31 =	vtrunc.f32 v20;
	vm1 =	vle.f32 v11, $0.0e+00;
	v6 =	vtrunc.f32 v42  }
0x218: {  	vm3 =	vge.f32 v11, $8.191000000e+03;
	vm1 =	vmneg vm1;
	v51 =	vadd.f32 v44, v51  }
.Ltmp4:
0x219: {  	vm3 =	vmneg vm3;
	v44 =	vcvt.f32.s32 v31;
	v11 =	vsel vm1, $0x0, v2;
	(pc) =	sbr.rel @p0 .LBB2_10-.Ltmp4, $4  }
0x21a: {  	vm8 =	vmand vm2, vm11;
	v18 =	vsel vm3, $0x0, v2;
	v50 =	vadd.f32 v50, v11  }
0x21b: {  	v21 =	vmul.f32 v63, v45;
	v62 =	vadd.f32 v10, v62;
	v31 =	vcvt.f32.s32 v12  }
0x21c: {  	v10 =	vsel vm6, $0x0, v2;
	v53 =	vadd.f32 v53, v18;
	v11 =	vsel vm11, $0x0, v2;
	[tilespmem:v55+s8+$0x0] =	vst.idx.add.f32.msk vm9, v13  }
0x21d: {  	v12 =	vcvt.s32.f32 v31;
	v13 =	vcvt.s32.f32 v44;
	[tilespmem:v58+s8+$0x0] =	vst.idx.add.f32.msk vm9, v21  }
0x21e: {  	_ =	sdelay $0x4  }
0x21f: {  	[tilespmem:v55+s9+$0x0] =	vst.idx.add.f32.msk vm9, v19  }
0x220: {  	v18 =	vld [tilespmem:$0x1FF80]  }
0x221: {  	v21 =	vld [tilespmem:$0x1FFC0]  }
0x222: {  	v3 =	vmul.f32 v8, v14;
	[tilespmem:v58+s9+$0x0] =	vst.idx.add.f32.msk vm9, v63  }
0x223: {  	v63 =	vld [tilespmem:$0x1FF40]  }
0x224: {  	[tilespmem:v30+s8+$0x0] =	vst.idx.add.f32.msk vm7, v3  }
0x225: {  	[tilespmem:v5+s8+$0x0] =	vst.idx.add.f32.msk vm7, v9  }
0x226: {  	v9 =	vadd.f32 v10, v60;
	v60 =	vld [tilespmem:$0x1FFD0]  }
0x227: {  	[tilespmem:v30+s9+$0x0] =	vst.idx.add.f32.msk vm7, v8  }
0x228: {  	[tilespmem:v5+s9+$0x0] =	vst.idx.add.f32.msk vm7, v1  }
0x229: {  	v3 =	vsub.f32 v20, v13;
	[tilespmem:v56+s8+$0x0] =	vst.idx.add.f32.msk vm0, v17  }
0x22a: {  	[tilespmem:v59+s8+$0x0] =	vst.idx.add.f32.msk vm0, v0  }
0x22b: {  	v4 =	vsub.f32 $1.000000000e+00, v3;
	[tilespmem:v56+s9+$0x0] =	vst.idx.add.f32.msk vm0, v61  }
0x22c: {  	v1 =	vadd.s32 $0x1, v44;
	v56 =	vld [tilespmem:$0x1FFE0]  }
0x22d: {  	v46 =	vmul.f32 v4, v16;
	[tilespmem:v59+s9+$0x0] =	vst.idx.add.f32.msk vm0, v57  }
0x22e: {  	v59 =	vld [tilespmem:$0x1FF90]  }
0x22f: {  	v47 =	vmul.f32 v3, v16;
	[tilespmem:v44+s8+$0x0] =	vst.idx.add.f32.msk vm8, v46  }
0x230: {  	v46 =	vld [tilespmem:$0x1FFA0]  }
0x231: {  	[tilespmem:v1+s8+$0x0] =	vst.idx.add.f32.msk vm8, v47  }
0x232: {  	vm6 =	vmand vm6, vm10;
	v8 =	vsub.f32 v32, v12;
	v47 =	vld [tilespmem:$0x1FF70]  }
0x233: {  	v49 =	vsel vm2, $0x0, v2;
	v0 =	vcvt.f32.s32 v7;
	[tilespmem:v44+s9+$0x0] =	vst.idx.add.f32.msk vm8, v4  }
0x234: {  	v10 =	vsub.f32 $1.000000000e+00, v8;
	v4 =	vadd.f32 v49, v54;
	v54 =	vld [tilespmem:$0x1FF50]  }
0x235: {  	v6 =	vcvt.f32.s32 v6;
	v48 =	vcvt.s32.f32 v0;
	[tilespmem:v1+s9+$0x0] =	vst.idx.add.f32.msk vm8, v3  }
0x236: {  	v55 =	vmul.f32 v10, v45;
	v57 =	vmul.f32 v56, v18;
	v44 =	vadd.f32 v60, v56;
	v56 =	vld [tilespmem:$0x1FF60]  }
0x237: {  	v7 =	vadd.s32 $0x1, v31;
	v1 =	vsub.f32 v41, v48;
	v41 =	vld [tilespmem:$0x1FF00]  }
0x238: {  	v58 =	vcvt.s32.f32 v6;
	[tilespmem:v31+s8+$0x0] =	vst.idx.add.f32.msk vm6, v55  }
0x239: {  	vm15 =	vmand vm4, vm5;
	v49 =	vmul.f32 v8, v45;
	v18 =	vmul.f32 v21, v18;
	v55 =	vld [tilespmem:$0x1FFB0]  }
0x23a: {  	v12 =	vsub.f32 v42, v58;
	v61 =	vmul.f32 v60, v59;
	v42 =	vmul.f32 v63, v59;
	v59 =	vld [tilespmem:$0x1FF30]  }
0x23b: {  	v30 =	vmul.f32 v39, v34;
	v5 =	vadd.f32 v11, v62;
	v20 =	vadd.f32 v63, v21;
	v63 =	vld [tilespmem:$0x1FF20]  }
0x23c: {  	v3 =	vadd.f32 $0.0e+00, v57;
	v62 =	vadd.f32 $0.0e+00, v18;
	[tilespmem:v7+s8+$0x0] =	vst.idx.add.f32.msk vm6, v49;
	v49 =	vmul.f32 v27, v22  }
0x23d: {  	v48 =	vmul.f32 v47, v46;
	v11 =	vadd.f32 v47, v44;
	[tilespmem:v31+s9+$0x0] =	vst.idx.add.f32.msk vm6, v10;
	v44 =	vsub.f32 $1.000000000e+00, v1  }
0x23e: {  	v3 =	vadd.f32 v61, v3;
	v13 =	vadd.f32 v42, v62;
	v19 =	vmul.f32 v54, v46;
	v62 =	vld [tilespmem:$0x1FEA0]  }
0x23f: {  	v58 =	vadd.f32 v54, v20;
	[tilespmem:v7+s9+$0x0] =	vst.idx.add.f32.msk vm6, v8;
	v61 =	vadd.f32 v56, v11  }
0x240: {  	v54 =	vmul.f32 v44, v14;
	v3 =	vadd.f32 v48, v3;
	v57 =	vmul.f32 v56, v55  }
0x241: {  	v46 =	vld [tilespmem:$0x1FF10];
	v13 =	vadd.f32 v19, v13;
	v60 =	vmul.f32 v59, v55;
	v17 =	vadd.f32 v59, v58  }
0x242: {  	v55 =	vmul.f32 v24, v23;
	v58 =	vmul.f32 v26, v23;
	v10 =	vadd.f32 v63, v61  }
0x243: {  	[tilespmem:v0+s8+$0x0] =	vst.idx.add.f32.msk vm15, v54;
	v54 =	vmul.f32 v9, v45;
	v17 =	vadd.f32 v41, v17  }
0x244: {  	v59 =	vld [tilespmem:$0x1FE90];
	v3 =	vadd.f32 v57, v3;
	v13 =	vadd.f32 v60, v13;
	v32 =	vmul.f32 v63, v62  }
0x245: {  	v57 =	vadd.s32 $0x1, v0;
	v42 =	vmul.f32 v41, v62;
	v56 =	vadd.f32 v27, v17  }
0x246: {  	v47 =	vmul.f32 v46, v22;
	v10 =	vadd.f32 v46, v10;
	v3 =	vadd.f32 v32, v3  }
0x247: {  	v62 =	vmul.f32 v1, v14;
	v63 =	vld [tilespmem:$0x1FED0];
	v48 =	vadd.f32 v42, v13;
	v8 =	vadd.f32 v26, v56  }
0x248: {  	v41 =	vmul.f32 v38, v35;
	v46 =	vmul.f32 v40, v33;
	v26 =	vld [tilespmem:$0x1FEB0];
	v3 =	vadd.f32 v47, v3  }
0x249: {  	v61 =	vmul.f32 v28, v59;
	v11 =	vadd.f32 v49, v48;
	v8 =	vadd.f32 v28, v8;
	v28 =	vld [tilespmem:$0x1FEC0]  }
0x24a: {  	v10 =	vadd.f32 v24, v10;
	v60 =	vmul.f32 v25, v59;
	v3 =	vadd.f32 v55, v3  }
0x24b: {  	v32 =	vmul.f32 v36, v35;
	v42 =	vmul.f32 v37, v33;
	v11 =	vadd.f32 v58, v11  }
0x24c: {  	v56 =	vmul.f32 v52, v45;
	v24 =	vmul.f32 v63, v29;
	v3 =	vadd.f32 v60, v3  }
0x24d: {  	vm1 =	vmand vm1, vm3;
	v10 =	vadd.f32 v25, v10;
	[tilespmem:v57+s8+$0x0] =	vst.idx.add.f32.msk vm15, v62;
	v11 =	vadd.f32 v61, v11  }
0x24e: {  	v27 =	vmul.f32 v26, v29;
	v3 =	vadd.f32 v24, v3;
	v29 =	vmul.f32 v28, v34  }
0x24f: {  	v47 =	vadd.s32 $0x1, v6;
	[tilespmem:v0+s9+$0x0] =	vst.idx.add.f32.msk vm15, v44;
	v10 =	vadd.f32 v63, v10;
	v0 =	vadd.f32 v26, v8  }
0x250: {  	v48 =	vmul.f32 v4, v16;
	v11 =	vadd.f32 v27, v11;
	v3 =	vadd.f32 v29, v3  }
0x251: {  	v49 =	vmul.f32 v5, v16;
	[tilespmem:v57+s9+$0x0] =	vst.idx.add.f32.msk vm15, v1;
	v31 =	vadd.f32 v28, v10;
	v34 =	vsub.f32 $1.000000000e+00, v12  }
0x252: {  	v55 =	vmul.f32 v12, v43;
	v1 =	vadd.f32 v30, v11;
	v3 =	vadd.f32 v32, v3  }
0x253: {  	v57 =	vmul.f32 v15, v14;
	v0 =	vadd.f32 v39, v0;
	v8 =	vadd.f32 v36, v31  }
0x254: {  	v58 =	vlaneseq.u32;
	v1 =	vadd.f32 v41, v1;
	v3 =	vadd.f32 v42, v3  }
0x255: {  	v63 =	vmul.f32 v53, v43;
	v0 =	vadd.f32 v38, v0;
	v8 =	vadd.f32 v37, v8  }
0x256: {  	v59 =	vor.u32 $0x2000, v58;
	v1 =	vadd.f32 v46, v1;
	v3 =	vadd.f32 v48, v3  }
0x257: {  	v60 =	vmul.f32 v51, v14;
	v0 =	vadd.f32 v40, v0;
	v4 =	vadd.f32 v4, v8  }
0x258: {  	v44 =	vmul.f32 v34, v43;
	v1 =	vadd.f32 v49, v1;
	v3 =	vadd.f32 v54, v3  }
0x259: {  	v61 =	vmul.f32 v50, v43;
	v0 =	vadd.f32 v5, v0;
	v4 =	vadd.f32 v9, v4  }
0x25a: {  	[tilespmem:v6+s8+$0x0] =	vst.idx.add.f32.msk vm1, v44;
	v1 =	vadd.f32 v56, v1;
	v3 =	vadd.f32 v57, v3  }
0x25b: {  	v62 =	vor.u32 $0x2080, v58;
	[tilespmem:v47+s8+$0x0] =	vst.idx.add.f32.msk vm1, v55;
	v0 =	vadd.f32 v52, v0;
	v4 =	vadd.f32 v15, v4  }
0x25c: {  	[tilespmem:v6+s9+$0x0] =	vst.idx.add.f32.msk vm1, v34;
	v1 =	vadd.f32 v60, v1;
	v3 =	vadd.f32 v61, v3  }
0x25d: {  	[tilespmem:v47+s9+$0x0] =	vst.idx.add.f32.msk vm1, v12;
	v0 =	vadd.f32 v51, v0;
	v4 =	vadd.f32 v50, v4  }
0x25e: {  	v1 =	vadd.f32 v63, v1;
	[tilespmem:v59+s8+$0x0] =	vst.idx.add.f32.msk $0xffff, v3  }
0x25f: {  	v0 =	vadd.f32 v53, v0;
	[tilespmem:v59+s9+$0x0] =	vst.idx.add.f32.msk $0xffff, v4  }
0x260: {  	[tilespmem:v62+s8+$0x0] =	vst.idx.add.f32.msk $0xffff, v1  }
0x261: {  	[tilespmem:v62+s9+$0x0] =	vst.idx.add.f32.msk $0xffff, v0  }
0x262: {  	[hbm4b:s3+s10] =	stream.strided.scatter [tilespmem:s8], [sflag:$0x1], $0x2100, s11, s10, $0x38;
	[tilespmem:$0x5600] =	vst v63  }
0x263: {  	s12 =	sadd.s32 $0x1, s12;
	_ =	swait.ge [sflag:s7], $0x2100  }
0x264: {  	p0 =	sne.s32 s12, s6;
	[sflag:s7] =	ssyncset.done $0x0  }
.Ltmp5:
0x265: {  	[sflag:s7] =	ssyncadd.s32 $0xFFFFDF00;
	(pc) =	sbr.rel @p0 .LBB2_1-.Ltmp5, $4  }
0x266: {  	[hbm4b:s5+s10] =	stream.strided.scatter [tilespmem:s9], [sflag:$0x1], $0x2100, s11, s10, $0x38;
	[tilespmem:$0x5600] =	vst v63  }
0x267: {  	_ =	swait.ge [sflag:s7], $0x2100  }
0x268: {  	[sflag:s7] =	ssyncset.done $0x0  }
0x269: {  	v0 =	vimm.f32 $0.0e+00;
	[sflag:s7] =	ssyncadd.s32 $0xFFFFDF00  }
0x26a: {  	_ =	sfence.sel $0x180000  }
0x26b: {  	[bflag:$0x0] =	sbarrier.arrive $0xFFFF  }
0x26c: {  	p0 =	sne.s32 s0, $0x0;
	_ =	strace $0x90000047  }
0x26d: {  	s0 =	sadd.s32 @!p0 $0x100000, s1;
	[bflag:$0x2] =	sbarrier.arrive $0xFFFF  }
0x26e: {  	[sflag:s0] =	ssyncadd.tile.s32 @!p0 $0x1;
	_ =	shalt  }
.Lfunc_end2:
_tile_overlayer_lowered:
.L_overlay_start_2:
0x26f: {  	(tag) =	ssettag $0x2  }
0x270: {  	s0 =	rddreg [dreg:$0x0];
	s2 =	stileid.u32  }
0x271: {  	s1 =	rddreg [dreg:$0x1];
	p0 =	sne.s32 s2, $0x0  }
0x272: {  	s3 =	rddreg [dreg:$0x2];
	[bflag:$0x3] =	sbarrier.arrive $0xFFFF;
	s2 =	simm.s32 @!p0 $0x1C01  }
0x273: {  	[timem:s3], [sflag:s2] =	dma.local @!p0 [hbm:s0], s1  }
0x274: {  	s0 =	simm.s32 @!p0 $0x1  }
0x275: {  	_ =	swait.ge @!p0 [sflag:s0], s1  }
0x276: {  	s1 =	ssub.s32 @!p0 $0x0, s1;
	[sflag:s0] =	ssyncset.done @!p0 $0x0  }
0x277: {  	[sflag:s0] =	ssyncadd.s32 @!p0 s1  }
0x278: {  	[bflag:$0x3] =	sbarrier.arrive $0xFFFF  }
0x279: {  	_ =	shalt  }

</sc_bundles>
